<compile_context>
chip_gen: v7x
topology: tpu7x:2x2x1
jax: 0.10.2.dev20260603
libtpu: 0.0.44.dev20260713+nightly
codegen_flags: <defaults>
</compile_context>

<pallas_src>
import functools
import jax
import jax.numpy as jnp
from jax import lax
from jax.experimental import pallas as pl
from jax.experimental.pallas import tpu as pltpu
from jax.experimental.pallas import tpu_sc as plsc

N = 10000
NP = 10240
E = 320000
C = 128
VOCAB = 100000
OUT = 16

NC = 2
NS = 16
NW = NC * NS
ECH = 128
EP = NW * 80 * ECH
EPT = EP // NW
NCH = EPT // ECH
RPT = NP // NS
DPT = NP // NS
XE = 80
XCH = 4
GCH = 40
NG = NCH // GCH

_sc_mesh = plsc.VectorSubcoreMesh(core_axis_name="c", subcore_axis_name="s")


@functools.partial(
    pl.kernel,
    out_type=(
        jax.ShapeDtypeStruct((NP, C), jnp.float32),
        jax.ShapeDtypeStruct((NC * NP,), jnp.float32),
        jax.ShapeDtypeStruct((NC * NP,), jnp.float32),
    ),
    mesh=_sc_mesh,
    scratch_types=[
        pltpu.VMEM((XCH, XE), jnp.int32),
        pltpu.VMEM((NG, GCH, ECH), jnp.int32),
        pltpu.VMEM((NG, GCH, ECH), jnp.int32),
        pltpu.VMEM((XE, C), jnp.float32),
        pltpu.VMEM((XE, C), jnp.float32),
        pltpu.VMEM((ECH,), jnp.float32),
        pltpu.VMEM_SHARED((NP,), jnp.float32),
        pltpu.VMEM_SHARED((NP,), jnp.float32),
        pltpu.SemaphoreType.DMA,
        pltpu.SemaphoreType.DMA,
        pltpu.SemaphoreType.DMA,
        pltpu.SemaphoreType.DMA,
    ],
)
def _sc_embed_deg(xp_hbm, src_hbm, dst_hbm, table_hbm, zeros1_hbm, ones_hbm,
                  h_out, degp_out, degtp_out,
                  xidx, esrc, edst, rows, rows2, ones, acc_d, acc_t,
                  sem, sem2, sem_d, sem_t):
    c = lax.axis_index("c")
    s = lax.axis_index("s")
    wid = c * NS + s

    pltpu.sync_copy(src_hbm.at[wid], esrc)
    pltpu.sync_copy(dst_hbm.at[wid], edst)
    pltpu.sync_copy(xp_hbm.at[wid], xidx)
    pltpu.sync_copy(ones_hbm, ones)
    pltpu.sync_copy(zeros1_hbm.at[pl.ds(s * DPT, DPT)], acc_d.at[pl.ds(s * DPT, DPT)])
    pltpu.sync_copy(zeros1_hbm.at[pl.ds(s * DPT, DPT)], acc_t.at[pl.ds(s * DPT, DPT)])
    plsc.subcore_barrier()

    def _hist_g(g, carry):
        def _hist(j, carry2):
            pltpu.async_copy(ones, acc_d.at[edst.at[g, j]], sem_d, add=True)
            pltpu.async_copy(ones, acc_t.at[esrc.at[g, j]], sem_t, add=True)

            @pl.when(jnp.logical_or(g > 0, j > 0))
            def _():
                pltpu.make_async_copy(ones, acc_d.at[edst.at[0, 0]], sem_d).wait()
                pltpu.make_async_copy(ones, acc_t.at[esrc.at[0, 0]], sem_t).wait()

            return carry2

        lax.fori_loop(0, GCH, _hist, 0)
        return carry

    lax.fori_loop(0, NG, _hist_g, 0)
    pltpu.make_async_copy(ones, acc_d.at[edst.at[0, 0]], sem_d).wait()
    pltpu.make_async_copy(ones, acc_t.at[esrc.at[0, 0]], sem_t).wait()

    bufs = (rows, rows2)
    sems = (sem, sem2)
    pltpu.async_copy(table_hbm.at[xidx.at[0]], rows, sem)
    for j in range(XCH):
        if j + 1 < XCH:
            pltpu.async_copy(table_hbm.at[xidx.at[j + 1]],
                             bufs[(j + 1) % 2], sems[(j + 1) % 2])
        pltpu.make_async_copy(table_hbm.at[xidx.at[0]],
                              bufs[j % 2], sems[j % 2]).wait()
        base = wid * (XCH * XE) + j * XE
        pltpu.sync_copy(bufs[j % 2], h_out.at[pl.ds(base, XE)])

    plsc.subcore_barrier()
    base = c * NP + s * DPT
    pltpu.sync_copy(acc_d.at[pl.ds(s * DPT, DPT)], degp_out.at[pl.ds(base, DPT)])
    pltpu.sync_copy(acc_t.at[pl.ds(s * DPT, DPT)], degtp_out.at[pl.ds(base, DPT)])


@functools.partial(
    pl.kernel,
    out_type=(jax.ShapeDtypeStruct((NP, C), jnp.float32),
              jax.ShapeDtypeStruct((NP, C), jnp.float32)),
    mesh=_sc_mesh,
    scratch_types=[
        pltpu.VMEM((GCH, ECH), jnp.int32),
        pltpu.VMEM((GCH, ECH), jnp.int32),
        pltpu.VMEM((ECH, C), jnp.float32),
        pltpu.VMEM((ECH, C), jnp.float32),
        pltpu.VMEM_SHARED((NP, C), jnp.float32),
        pltpu.SemaphoreType.DMA,
        pltpu.SemaphoreType.DMA,
    ],
)
def _sc_agg2(gin_hbm, gout_hbm, src0_hbm, dst0_hbm, srcN_hbm, dstN_hbm,
             aggin_out, aggout_out,
             esrc, edst, rows0, rows1, acc, sem0, sem1):
    c = lax.axis_index("c")
    s = lax.axis_index("s")

    def _z(i, carry):
        def _zk(k, carry2):
            rows0[i, pl.ds(k * 16, 16)] = jnp.zeros((16,), jnp.float32)
            return carry2

        lax.fori_loop(0, C // 16, _zk, 0)
        return carry

    lax.fori_loop(0, ECH, _z, 0)

    def _zs(i, carry):
        pltpu.sync_copy(rows0, acc.at[pl.ds(s * RPT + i * ECH, ECH)])
        return carry

    lax.fori_loop(0, RPT // ECH, _zs, 0)
    plsc.subcore_barrier()

    def _run(g_hbm, gat_hbm, sca_hbm):
        def _start(j, rows, sem):
            pltpu.async_copy(g_hbm.at[esrc.at[j]], rows, sem)

        def _wait(rows, sem):
            pltpu.make_async_copy(g_hbm.at[esrc.at[0]], rows, sem).wait()

        def _scat(j, rows):
            pltpu.sync_copy(rows, acc.at[edst.at[j]], add=True)

        def _slice(t, carry0):
            wid = t * NS + s

            def _group(g, carry):
                pltpu.sync_copy(gat_hbm.at[wid, g], esrc)
                pltpu.sync_copy(sca_hbm.at[wid, g], edst)
                _start(0, rows0, sem0)

                def _body(i, carry2):
                    j0 = 2 * i
                    _start(j0 + 1, rows1, sem1)
                    _wait(rows0, sem0)
                    _scat(j0, rows0)

                    @pl.when(j0 + 2 < GCH)
                    def _():
                        _start(j0 + 2, rows0, sem0)

                    _wait(rows1, sem1)
                    _scat(j0 + 1, rows1)
                    return carry2

                lax.fori_loop(0, GCH // 2, _body, 0)
                return carry

            lax.fori_loop(0, NG, _group, 0)
            return carry0

        lax.fori_loop(0, NC, _slice, 0)

    @pl.when(c == 0)
    def _():
        _run(gin_hbm, src0_hbm, dstN_hbm)

    @pl.when(c == 1)
    def _():
        _run(gout_hbm, dst0_hbm, srcN_hbm)

    plsc.subcore_barrier()

    @pl.when(c == 0)
    def _():
        pltpu.sync_copy(acc.at[pl.ds(s * RPT, RPT)],
                        aggin_out.at[pl.ds(s * RPT, RPT)])

    @pl.when(c == 1)
    def _():
        pltpu.sync_copy(acc.at[pl.ds(s * RPT, RPT)],
                        aggout_out.at[pl.ds(s * RPT, RPT)])


BN = 1000
GRID = N // BN


def _mm(a, b):
    return jnp.dot(a, b, preferred_element_type=jnp.float32)


def _branch(cat, wl_ref, bl_ref, wc_ref, dis):
    acc = _mm(cat[0], wl_ref[0:C, :])
    for k in range(1, len(cat)):
        acc += _mm(cat[k], wl_ref[k * C:(k + 1) * C, :])
    p = jnp.maximum(acc + bl_ref[...], 0.0)
    return _mm(p, wc_ref[...]) * dis


def _fused0_body(h_ref, wli_ref, bli_ref, wci_ref, dis_ref,
                 wlo_ref, blo_ref, wco_ref, dist_ref, gi_ref, go_ref):
    cat = (h_ref[...],)
    gi_ref[...] = _branch(cat, wli_ref, bli_ref, wci_ref, dis_ref[...])
    go_ref[...] = _branch(cat, wlo_ref, blo_ref, wco_ref, dist_ref[...])


_wspec = [
    pl.BlockSpec((C, C), lambda i: (0, 0)),
    pl.BlockSpec((1, C), lambda i: (0, 0)),
    pl.BlockSpec((C, C), lambda i: (0, 0)),
    pl.BlockSpec((BN, 1), lambda i: (i, 0)),
]
_nspec = pl.BlockSpec((BN, C), lambda i: (i, 0))

_fused0 = pl.pallas_call(
    _fused0_body,
    grid=(GRID,),
    in_specs=[_nspec] + _wspec + _wspec,
    out_specs=(_nspec, _nspec),
    out_shape=(jax.ShapeDtypeStruct((N, C), jnp.float32),
               jax.ShapeDtypeStruct((N, C), jnp.float32)),
)


def _fused1_body(h_ref, ai_ref, gi0_ref, bci_ref, dis_ref,
                 ao_ref, go0_ref, bco_ref, dist_ref,
                 wli_ref, bli_ref, wci_ref, wlo_ref, blo_ref, wco_ref,
                 gi_ref, go_ref, xi_ref, xo_ref):
    dis = dis_ref[...]
    dist = dist_ref[...]
    x_in0 = jnp.maximum(
        (ai_ref[...] + gi0_ref[...]) * dis + bci_ref[...], 0.0)
    x_out0 = jnp.maximum(
        (ao_ref[...] + go0_ref[...]) * dist + bco_ref[...], 0.0)
    xi_ref[...] = x_in0
    xo_ref[...] = x_out0
    cat = (h_ref[...], x_in0, x_out0)
    gi_ref[...] = _branch(cat, wli_ref, bli_ref, wci_ref, dis)
    go_ref[...] = _branch(cat, wlo_ref, blo_ref, wco_ref, dist)


_w3spec = [
    pl.BlockSpec((3 * C, C), lambda i: (0, 0)),
    pl.BlockSpec((1, C), lambda i: (0, 0)),
    pl.BlockSpec((C, C), lambda i: (0, 0)),
]

_fused1 = pl.pallas_call(
    _fused1_body,
    grid=(GRID,),
    in_specs=([_nspec,
               _nspec, _nspec, pl.BlockSpec((1, C), lambda i: (0, 0)),
               pl.BlockSpec((BN, 1), lambda i: (i, 0)),
               _nspec, _nspec, pl.BlockSpec((1, C), lambda i: (0, 0)),
               pl.BlockSpec((BN, 1), lambda i: (i, 0))]
              + _w3spec + _w3spec),
    out_specs=(_nspec, _nspec, _nspec, _nspec),
    out_shape=tuple(jax.ShapeDtypeStruct((N, C), jnp.float32)
                    for _ in range(4)),
)


def _dis_body(degp_ref, degtp_ref, dis_ref, dist_ref):
    d = degp_ref[0:1, :] + degp_ref[1:2, :] + 1.0
    dis_ref[...] = lax.rsqrt(d)
    dt = degtp_ref[0:1, :] + degtp_ref[1:2, :] + 1.0
    dist_ref[...] = lax.rsqrt(dt)


_dis_call = pl.pallas_call(
    _dis_body,
    out_shape=(jax.ShapeDtypeStruct((1, NP), jnp.float32),
               jax.ShapeDtypeStruct((1, NP), jnp.float32)),
)


def _colsum_body(x0, x1, x2, ai_ref, gi_ref, bci_ref, dis_ref,
                 ao_ref, go_ref, bco_ref, dist_ref, out_ref):
    i = pl.program_id(0)

    @pl.when(i == 0)
    def _():
        out_ref[...] = jnp.zeros_like(out_ref)

    x_in1 = jnp.maximum(
        (ai_ref[...] + gi_ref[...]) * dis_ref[...] + bci_ref[...], 0.0)
    x_out1 = jnp.maximum(
        (ao_ref[...] + go_ref[...]) * dist_ref[...] + bco_ref[...], 0.0)
    for k, x in enumerate((x0[...], x1[...], x2[...], x_in1, x_out1)):
        out_ref[:, k * C:(k + 1) * C] += jnp.sum(x, axis=0, keepdims=True)


_colsum = pl.pallas_call(
    _colsum_body,
    grid=(GRID,),
    in_specs=[_nspec, _nspec, _nspec,
              _nspec, _nspec, pl.BlockSpec((1, C), lambda i: (0, 0)),
              pl.BlockSpec((BN, 1), lambda i: (i, 0)),
              _nspec, _nspec, pl.BlockSpec((1, C), lambda i: (0, 0)),
              pl.BlockSpec((BN, 1), lambda i: (i, 0))],
    out_specs=pl.BlockSpec((1, 5 * C), lambda i: (0, 0)),
    out_shape=jax.ShapeDtypeStruct((1, 5 * C), jnp.float32),
)


def _mlp_body(feat_ref, hw_ref, hb_ref, mw_ref, mb_ref, vw_ref, vb_ref,
              mean_ref, var_ref):
    f = feat_ref[...] * (1.0 / N)
    hdn = jnp.maximum(
        jnp.dot(f, hw_ref[...], preferred_element_type=jnp.float32)
        + hb_ref[...], 0.0)
    m = jnp.dot(hdn, mw_ref[...], preferred_element_type=jnp.float32) + mb_ref[...]
    mean_ref[...] = 2.0 * jnp.tanh(m)
    v = jnp.dot(hdn, vw_ref[...], preferred_element_type=jnp.float32) + vb_ref[...]
    var_ref[...] = 2.0 * jax.nn.sigmoid(v)


_mlp = pl.pallas_call(
    _mlp_body,
    out_shape=(jax.ShapeDtypeStruct((1, OUT), jnp.float32),
               jax.ShapeDtypeStruct((1, OUT), jnp.float32)),
)


def kernel(x, edge_index, edge_index_t, embed_W,
           li_W0, li_b0, lo_W0, lo_b0, ci_W0, ci_b0, co_W0, co_b0,
           li_W1, li_b1, lo_W1, lo_b1, ci_W1, ci_b1, co_W1, co_b1,
           hidden_W, hidden_b, mean_W, mean_b, var_W, var_b):
    npad = EP - E

    pad_scatter = N + jnp.arange(npad, dtype=jnp.int32) % (NP - N)
    pad_gather = jnp.arange(npad, dtype=jnp.int32) % N

    def pad_edges(ids, fill):
        return jnp.concatenate([ids, fill]).reshape(NW, NG, GCH, ECH)

    src0 = pad_edges(edge_index[0], pad_gather)
    dst0 = pad_edges(edge_index[1], pad_gather)
    srcN = pad_edges(edge_index[0], pad_scatter)
    dstN = pad_edges(edge_index[1], pad_scatter)
    xp = jnp.concatenate(
        [x, jnp.zeros((NP - N,), jnp.int32)]).reshape(NW, XCH, XE)
    zeros1 = jnp.zeros((NP,), jnp.float32)
    ones1 = jnp.ones((ECH,), jnp.float32)

    hp, degp, degtp = _sc_embed_deg(xp, srcN, dstN, embed_W, zeros1, ones1)
    h = hp[:N]

    dis2, dist2 = _dis_call(degp.reshape(NC, NP), degtp.reshape(NC, NP))
    dis = dis2.reshape(NP, 1)[:N]
    dist = dist2.reshape(NP, 1)[:N]

    def b2(b):
        return b.reshape(1, -1)

    g_in0, g_out0 = _fused0(h, li_W0, b2(li_b0), ci_W0, dis,
                            lo_W0, b2(lo_b0), co_W0, dist)
    agg_in0, agg_out0 = _sc_agg2(g_in0, g_out0, src0, dst0, srcN, dstN)

    g_in1, g_out1, x_in0, x_out0 = _fused1(
        h, agg_in0, g_in0, b2(ci_b0), dis,
        agg_out0, g_out0, b2(co_b0), dist,
        li_W1, b2(li_b1), ci_W1, lo_W1, b2(lo_b1), co_W1)
    agg_in1, agg_out1 = _sc_agg2(g_in1, g_out1, src0, dst0, srcN, dstN)

    feat = _colsum(h, x_in0, x_out0,
                   agg_in1, g_in1, b2(ci_b1), dis,
                   agg_out1, g_out1, b2(co_b1), dist)
    mean, var = _mlp(feat, hidden_W, b2(hidden_b), mean_W, b2(mean_b),
                     var_W, b2(var_b))
    return (mean.reshape(OUT), var.reshape(OUT))

# --- scband reference (transcript-rebuilt; emitter-appended) ---
"""Pipeline reference for scband-encoder-27616639713913 (READ-ONLY COPY).

The authoritative reference and input builder live on the scoring server;
editing this copy changes nothing except your own understanding.
"""

import jax, jax.numpy as jnp
import numpy as np

N = 10000
E = 320000
VOCAB = 100000
C = 128
OUT = 16


def _lin(key, fin, fout):
    k1, k2 = jax.random.split(key)
    b = 1.0 / np.sqrt(fin)
    return (jax.random.uniform(k1, (fin, fout), jnp.float32, -b, b),
            jax.random.uniform(k2, (fout,), jnp.float32, -b, b))


def setup_inputs(seed: int = 0):
    key = jax.random.key(seed)
    ks = jax.random.split(key, 8)
    inp = {}
    inp["x"] = jax.random.randint(ks[0], (N,), 0, VOCAB, dtype=jnp.int32)
    inp["edge_index"] = jax.random.randint(ks[1], (2, E), 0, N, dtype=jnp.int32)
    inp["edge_index_t"] = inp["edge_index"][::-1]
    inp["embed_W"] = jax.random.normal(ks[2], (VOCAB, C), jnp.float32)
    names = [("li", 0, C), ("lo", 0, C), ("ci", 0, C), ("co", 0, C),
             ("li", 1, 3 * C), ("lo", 1, 3 * C), ("ci", 1, C), ("co", 1, C)]
    k = ks[3]
    for nm, l, fin in names:
        k, sub = jax.random.split(k)
        W, b = _lin(sub, fin, C)
        inp[nm + "_W" + str(l)] = W
        inp[nm + "_b" + str(l)] = b
    k, s1 = jax.random.split(k)
    inp["hidden_W"], inp["hidden_b"] = _lin(s1, 5 * C, 128)
    k, s2 = jax.random.split(k)
    inp["mean_W"], inp["mean_b"] = _lin(s2, 128, OUT)
    k, s3 = jax.random.split(k)
    inp["var_W"], inp["var_b"] = _lin(s3, 128, OUT)
    return inp


def _gcn(h, ei, W, b):
    # PyG GCNConv default: add self-loops, symmetric normalization D^-1/2 (A+I) D^-1/2, then linear
    n = h.shape[0]
    loop = jnp.arange(n, dtype=ei.dtype)
    src = jnp.concatenate([ei[0], loop])
    dst = jnp.concatenate([ei[1], loop])
    deg = jnp.zeros((n,), h.dtype).at[dst].add(1.0)
    dis = jnp.where(deg > 0, jax.lax.rsqrt(deg), 0.0)
    norm = dis[src] * dis[dst]
    h = h @ W
    msg = h[src] * norm[:, None]
    out = jnp.zeros_like(h).at[dst].add(msg)
    return out + b


def reference(x, edge_index, edge_index_t, embed_W,
              li_W0, li_b0, lo_W0, lo_b0, ci_W0, ci_b0, co_W0, co_b0,
              li_W1, li_b1, lo_W1, lo_b1, ci_W1, ci_b1, co_W1, co_b1,
              hidden_W, hidden_b, mean_W, mean_b, var_W, var_b):
    h = embed_W[x]
    xs = [h]
    lin_in = [(li_W0, li_b0), (li_W1, li_b1)]
    lin_out = [(lo_W0, lo_b0), (lo_W1, lo_b1)]
    conv_in = [(ci_W0, ci_b0), (ci_W1, ci_b1)]
    conv_out = [(co_W0, co_b0), (co_W1, co_b1)]
    for l in range(2):
        cat = jnp.concatenate(xs, axis=1)
        x_in = jax.nn.relu(cat @ lin_in[l][0] + lin_in[l][1])
        x_in = jax.nn.relu(_gcn(x_in, edge_index, conv_in[l][0], conv_in[l][1]))
        xs.append(x_in)
        x_out = jax.nn.relu(cat @ lin_out[l][0] + lin_out[l][1])
        x_out = jax.nn.relu(_gcn(x_out, edge_index_t, conv_out[l][0], conv_out[l][1]))
        xs.append(x_out)
    feat = jnp.mean(jnp.concatenate(xs, axis=1), axis=0)
    hdn = jax.nn.relu(feat @ hidden_W + hidden_b)
    mean = 2.0 * jnp.tanh(hdn @ mean_W + mean_b)
    variance = 2.0 * jax.nn.sigmoid(hdn @ var_W + var_b)
    return (mean, variance)

if __name__ == "__main__":
    import jax
    _d = setup_inputs()
    print(jax.jit(kernel)(*tuple(_d.values())))

</pallas_src>

<mosaic_0001>
#map = affine_map<(d0, d1) -> (0, 0)>
#map1 = affine_map<(d0, d1) -> (0, 0, 0, 0)>
module attributes {stable_mosaic.version = 14 : i64} {
  func.func @_sc_agg2(%arg0: i32, %arg1: i32, %arg2: memref<10000x128xf32, #tpu.memory_space<hbm>>, %arg3: memref<10000x128xf32, #tpu.memory_space<hbm>>, %arg4: memref<32x2x40x128xi32, #tpu.memory_space<hbm>>, %arg5: memref<32x2x40x128xi32, #tpu.memory_space<hbm>>, %arg6: memref<32x2x40x128xi32, #tpu.memory_space<hbm>>, %arg7: memref<32x2x40x128xi32, #tpu.memory_space<hbm>>, %arg8: memref<10240x128xf32, #tpu.memory_space<hbm>>, %arg9: memref<10240x128xf32, #tpu.memory_space<hbm>>, %arg10: memref<40x128xi32, #tpu.memory_space<vmem>>, %arg11: memref<40x128xi32, #tpu.memory_space<vmem>>, %arg12: memref<128x128xf32, #tpu.memory_space<vmem>>, %arg13: memref<128x128xf32, #tpu.memory_space<vmem>>, %arg14: memref<10240x128xf32, #tpu.memory_space<vmem_shared>>, %arg15: memref<!tpu.dma_semaphore, #tpu.memory_space<semaphore_mem>>, %arg16: memref<!tpu.dma_semaphore, #tpu.memory_space<semaphore_mem>>) attributes {dimension_semantics = [#tpu.dimension_semantics<core_parallel>, #tpu.dimension_semantics<subcore_parallel>], iteration_bounds = array<i64: 2, 16>, scalar_prefetch = 0 : i64, scratch_operands = 7 : i64, tpu.core_type = #tpu.core_type<sc_vector_subcore>, window_params = [{transform_indices = #map}, {transform_indices = #map}, {transform_indices = #map1}, {transform_indices = #map1}, {transform_indices = #map1}, {transform_indices = #map1}, {transform_indices = #map}, {transform_indices = #map}]} {
    %scan3A = arith.constant 0 : i32
    %scan3A_0 = arith.constant 0 : i32
    %scan3A_1 = arith.constant 128 : i32
    %scan3A_2 = arith.addi %scan3A_0, %scan3A_1 : i32
    %scan3A_3 = arith.constant 1 : i32
    scf.for %scan3A_29 = %scan3A_0 to %scan3A_2 step %scan3A_3  : i32 {
      %scan3A_30 = arith.constant 0 : i32
      %scan3A_31 = arith.constant 0 : i32
      %scan3A_32 = arith.constant 8 : i32
      %scan3A_33 = arith.addi %scan3A_31, %scan3A_32 : i32
      %scan3A_34 = arith.constant 1 : i32
      scf.for %scan3A_36 = %scan3A_31 to %scan3A_33 step %scan3A_34  : i32 {
        %broadcast_in_dim3A = arith.constant 0.000000e+00 : f32
        %broadcast_in_dim3A_37 = vector.broadcast %broadcast_in_dim3A : f32 to vector<16xf32>
        %mul3A = arith.constant 16 : i32
        %mul3A_38 = arith.muli %scan3A_36, %mul3A : i32
        %swap3A = arith.index_cast %scan3A_29 : i32 to index
        %swap3A_39 = arith.index_cast %mul3A_38 : i32 to index
        %swap3A_40 = tpu.vector_load %arg12[%swap3A, %swap3A_39] {strides = array<i32>} : memref<128x128xf32, #tpu.memory_space<vmem>>, vector<1x16xf32>,
        %swap3A_41 = vector.shape_cast %swap3A_40 : vector<1x16xf32> to vector<16xf32>
        %swap3A_42 = vector.shape_cast %broadcast_in_dim3A_37 : vector<16xf32> to vector<1x16xf32>
        tpu.vector_store %arg12[%swap3A, %swap3A_39], %swap3A_42 {strides = array<i32>} : memref<128x128xf32, #tpu.memory_space<vmem>>, vector<1x16xf32>,
      }
      %scan3A_35 = arith.constant 8 : i32
    }
    %scan3A_4 = arith.constant 128 : i32
    %scan3A_5 = arith.constant 0 : i32
    %scan3A_6 = arith.constant 0 : i32
    %scan3A_7 = arith.constant 5 : i32
    %scan3A_8 = arith.addi %scan3A_6, %scan3A_7 : i32
    %scan3A_9 = arith.constant 1 : i32
    scf.for %scan3A_29 = %scan3A_6 to %scan3A_8 step %scan3A_9  : i32 {
      %mul3A = arith.constant 640 : i32
      %mul3A_30 = arith.muli %arg1, %mul3A : i32
      %mul3A_31 = arith.constant 128 : i32
      %mul3A_32 = arith.muli %scan3A_29, %mul3A_31 : i32
      %add3A = arith.addi %mul3A_30, %mul3A_32 : i32
      "tpu.region"() ({
        %run_scoped3A = tpu.sem_alloc : memref<!tpu.dma_semaphore, #tpu.memory_space<semaphore_mem>>
        %dma_start3A = arith.constant 0 : i32
        %dma_start3A_33 = tpu.memref_slice %arg14[%add3A, %dma_start3A] : memref<10240x128xf32, #tpu.memory_space<vmem_shared>> -> memref<128x128xf32, #tpu.memory_space<vmem_shared>>
        %dma_start3A_34 = arith.constant 0 : i32
        %dma_start3A_35 = tpu.memref_slice %arg14[%add3A, %dma_start3A_34] : memref<10240x128xf32, #tpu.memory_space<vmem_shared>> -> memref<128x128xf32, #tpu.memory_space<vmem_shared>>
        tpu.enqueue_dma source(%arg12 : memref<128x128xf32, #tpu.memory_space<vmem>>) target(%dma_start3A_35 : memref<128x128xf32, #tpu.memory_space<vmem_shared>>) target_semaphore(%run_scoped3A : memref<!tpu.dma_semaphore, #tpu.memory_space<semaphore_mem>>)
        %dma_wait3A = arith.constant 0 : i32
        %dma_wait3A_36 = tpu.memref_slice %arg14[%add3A, %dma_wait3A] : memref<10240x128xf32, #tpu.memory_space<vmem_shared>> -> memref<128x128xf32, #tpu.memory_space<vmem_shared>>
        %dma_wait3A_37 = arith.constant 0 : i32
        %dma_wait3A_38 = tpu.memref_slice %arg14[%add3A, %dma_wait3A_37] : memref<10240x128xf32, #tpu.memory_space<vmem_shared>> -> memref<128x128xf32, #tpu.memory_space<vmem_shared>>
        tpu.wait_dma2 semaphore(%run_scoped3A : memref<!tpu.dma_semaphore, #tpu.memory_space<semaphore_mem>>) src(%arg12 : memref<128x128xf32, #tpu.memory_space<vmem>>) dst(%dma_wait3A_38 : memref<128x128xf32, #tpu.memory_space<vmem_shared>>)
        tpu.yield
      }) : () -> ()
    }
    %scan3A_10 = arith.constant 5 : i32
    %barrier3A = arith.constant 0 : index
    tpu.barrier barrier_id(%barrier3A)
    %eq3A = arith.constant 0 : i32
    %eq3A_11 = arith.cmpi eq, %arg0, %eq3A : i32
    %convert_element_type3A = arith.extui %eq3A_11 : i1 to i32
    %cond3A = arith.constant 0 : i32
    %cond3A_12 = arith.cmpi ne, %convert_element_type3A, %cond3A : i32
    scf.if %cond3A_12 {
      %scan3A_29 = arith.constant 0 : i32
      %scan3A_30 = arith.constant 0 : i32
      %scan3A_31 = arith.constant 2 : i32
      %scan3A_32 = arith.addi %scan3A_30, %scan3A_31 : i32
      %scan3A_33 = arith.constant 1 : i32
      scf.for %scan3A_35 = %scan3A_30 to %scan3A_32 step %scan3A_33  : i32 {
        %mul3A = arith.constant 16 : i32
        %mul3A_36 = arith.muli %scan3A_35, %mul3A : i32
        %add3A = arith.addi %mul3A_36, %arg1 : i32
        %scan3A_37 = arith.constant 0 : i32
        %scan3A_38 = arith.constant 0 : i32
        %scan3A_39 = arith.constant 2 : i32
        %scan3A_40 = arith.addi %scan3A_38, %scan3A_39 : i32
        %scan3A_41 = arith.constant 1 : i32
        scf.for %scan3A_43 = %scan3A_38 to %scan3A_40 step %scan3A_41  : i32 {
          "tpu.region"() ({
            %run_scoped3A = tpu.sem_alloc : memref<!tpu.dma_semaphore, #tpu.memory_space<semaphore_mem>>
            %dma_start3A_56 = arith.constant 0 : i32
            %dma_start3A_57 = arith.constant 0 : i32
            %dma_start3A_58 = tpu.memref_slice %arg4[%add3A, %scan3A_43, %dma_start3A_56, %dma_start3A_57] : memref<32x2x40x128xi32, #tpu.memory_space<hbm>> -> memref<1x1x40x128xi32, #tpu.memory_space<hbm>>
            %dma_start3A_59 = tpu.memref_squeeze %dma_start3A_58 : memref<1x1x40x128xi32, #tpu.memory_space<hbm>> -> memref<40x128xi32, #tpu.memory_space<hbm>>
            %dma_start3A_60 = arith.constant 0 : i32
            %dma_start3A_61 = arith.constant 0 : i32
            %dma_start3A_62 = tpu.memref_slice %arg4[%add3A, %scan3A_43, %dma_start3A_60, %dma_start3A_61] : memref<32x2x40x128xi32, #tpu.memory_space<hbm>> -> memref<1x1x40x128xi32, #tpu.memory_space<hbm>>
            %dma_start3A_63 = tpu.memref_squeeze %dma_start3A_62 : memref<1x1x40x128xi32, #tpu.memory_space<hbm>> -> memref<40x128xi32, #tpu.memory_space<hbm>>
            tpu.enqueue_dma source(%dma_start3A_63 : memref<40x128xi32, #tpu.memory_space<hbm>>) target(%arg10 : memref<40x128xi32, #tpu.memory_space<vmem>>) target_semaphore(%run_scoped3A : memref<!tpu.dma_semaphore, #tpu.memory_space<semaphore_mem>>)
            %dma_wait3A = arith.constant 0 : i32
            %dma_wait3A_64 = arith.constant 0 : i32
            %dma_wait3A_65 = tpu.memref_slice %arg4[%add3A, %scan3A_43, %dma_wait3A, %dma_wait3A_64] : memref<32x2x40x128xi32, #tpu.memory_space<hbm>> -> memref<1x1x40x128xi32, #tpu.memory_space<hbm>>
            %dma_wait3A_66 = tpu.memref_squeeze %dma_wait3A_65 : memref<1x1x40x128xi32, #tpu.memory_space<hbm>> -> memref<40x128xi32, #tpu.memory_space<hbm>>
            %dma_wait3A_67 = arith.constant 0 : i32
            %dma_wait3A_68 = arith.constant 0 : i32
            %dma_wait3A_69 = tpu.memref_slice %arg4[%add3A, %scan3A_43, %dma_wait3A_67, %dma_wait3A_68] : memref<32x2x40x128xi32, #tpu.memory_space<hbm>> -> memref<1x1x40x128xi32, #tpu.memory_space<hbm>>
            %dma_wait3A_70 = tpu.memref_squeeze %dma_wait3A_69 : memref<1x1x40x128xi32, #tpu.memory_space<hbm>> -> memref<40x128xi32, #tpu.memory_space<hbm>>
            tpu.wait_dma2 semaphore(%run_scoped3A : memref<!tpu.dma_semaphore, #tpu.memory_space<semaphore_mem>>) src(%dma_wait3A_70 : memref<40x128xi32, #tpu.memory_space<hbm>>) dst(%arg10 : memref<40x128xi32, #tpu.memory_space<vmem>>)
            tpu.yield
          }) : () -> ()
          "tpu.region"() ({
            %run_scoped3A = tpu.sem_alloc : memref<!tpu.dma_semaphore, #tpu.memory_space<semaphore_mem>>
            %dma_start3A_56 = arith.constant 0 : i32
            %dma_start3A_57 = arith.constant 0 : i32
            %dma_start3A_58 = tpu.memref_slice %arg7[%add3A, %scan3A_43, %dma_start3A_56, %dma_start3A_57] : memref<32x2x40x128xi32, #tpu.memory_space<hbm>> -> memref<1x1x40x128xi32, #tpu.memory_space<hbm>>
            %dma_start3A_59 = tpu.memref_squeeze %dma_start3A_58 : memref<1x1x40x128xi32, #tpu.memory_space<hbm>> -> memref<40x128xi32, #tpu.memory_space<hbm>>
            %dma_start3A_60 = arith.constant 0 : i32
            %dma_start3A_61 = arith.constant 0 : i32
            %dma_start3A_62 = tpu.memref_slice %arg7[%add3A, %scan3A_43, %dma_start3A_60, %dma_start3A_61] : memref<32x2x40x128xi32, #tpu.memory_space<hbm>> -> memref<1x1x40x128xi32, #tpu.memory_space<hbm>>
            %dma_start3A_63 = tpu.memref_squeeze %dma_start3A_62 : memref<1x1x40x128xi32, #tpu.memory_space<hbm>> -> memref<40x128xi32, #tpu.memory_space<hbm>>
            tpu.enqueue_dma source(%dma_start3A_63 : memref<40x128xi32, #tpu.memory_space<hbm>>) target(%arg11 : memref<40x128xi32, #tpu.memory_space<vmem>>) target_semaphore(%run_scoped3A : memref<!tpu.dma_semaphore, #tpu.memory_space<semaphore_mem>>)
            %dma_wait3A = arith.constant 0 : i32
            %dma_wait3A_64 = arith.constant 0 : i32
            %dma_wait3A_65 = tpu.memref_slice %arg7[%add3A, %scan3A_43, %dma_wait3A, %dma_wait3A_64] : memref<32x2x40x128xi32, #tpu.memory_space<hbm>> -> memref<1x1x40x128xi32, #tpu.memory_space<hbm>>
            %dma_wait3A_66 = tpu.memref_squeeze %dma_wait3A_65 : memref<1x1x40x128xi32, #tpu.memory_space<hbm>> -> memref<40x128xi32, #tpu.memory_space<hbm>>
            %dma_wait3A_67 = arith.constant 0 : i32
            %dma_wait3A_68 = arith.constant 0 : i32
            %dma_wait3A_69 = tpu.memref_slice %arg7[%add3A, %scan3A_43, %dma_wait3A_67, %dma_wait3A_68] : memref<32x2x40x128xi32, #tpu.memory_space<hbm>> -> memref<1x1x40x128xi32, #tpu.memory_space<hbm>>
            %dma_wait3A_70 = tpu.memref_squeeze %dma_wait3A_69 : memref<1x1x40x128xi32, #tpu.memory_space<hbm>> -> memref<40x128xi32, #tpu.memory_space<hbm>>
            tpu.wait_dma2 semaphore(%run_scoped3A : memref<!tpu.dma_semaphore, #tpu.memory_space<semaphore_mem>>) src(%dma_wait3A_70 : memref<40x128xi32, #tpu.memory_space<hbm>>) dst(%arg11 : memref<40x128xi32, #tpu.memory_space<vmem>>)
            tpu.yield
          }) : () -> ()
          %dma_start3A = arith.constant 0 : i32
          %dma_start3A_44 = arith.constant 0 : i32
          %dma_start3A_45 = tpu.memref_slice %arg10[%dma_start3A, %dma_start3A_44] : memref<40x128xi32, #tpu.memory_space<vmem>> -> memref<1x128xi32, #tpu.memory_space<vmem>>
          %dma_start3A_46 = tpu.memref_squeeze %dma_start3A_45 : memref<1x128xi32, #tpu.memory_space<vmem>> -> memref<128xi32, #tpu.memory_space<vmem>>
          %dma_start3A_47 = arith.constant 0 : i32
          %dma_start3A_48 = arith.constant 0 : i32
          %dma_start3A_49 = tpu.memref_slice %arg2[%dma_start3A_47, %dma_start3A_48] : memref<10000x128xf32, #tpu.memory_space<hbm>> -> memref<10000x128xf32, #tpu.memory_space<hbm>>
          tpu.enqueue_indirect_dma source(%dma_start3A_49 : memref<10000x128xf32, #tpu.memory_space<hbm>>) target(%arg12 : memref<128x128xf32, #tpu.memory_space<vmem>>) offsets(%dma_start3A_46 : memref<128xi32, #tpu.memory_space<vmem>>) semaphore(%arg15 : memref<!tpu.dma_semaphore, #tpu.memory_space<semaphore_mem>>)
          %scan3A_50 = arith.constant 0 : i32
          %scan3A_51 = arith.constant 0 : i32
          %scan3A_52 = arith.constant 20 : i32
          %scan3A_53 = arith.addi %scan3A_51, %scan3A_52 : i32
          %scan3A_54 = arith.constant 1 : i32
          scf.for %scan3A_56 = %scan3A_51 to %scan3A_53 step %scan3A_54  : i32 {
            %mul3A_57 = arith.constant 2 : i32
            %mul3A_58 = arith.muli %mul3A_57, %scan3A_56 : i32
            %add3A_59 = arith.constant 1 : i32
            %add3A_60 = arith.addi %mul3A_58, %add3A_59 : i32
            %dma_start3A_61 = arith.constant 0 : i32
            %dma_start3A_62 = tpu.memref_slice %arg10[%add3A_60, %dma_start3A_61] : memref<40x128xi32, #tpu.memory_space<vmem>> -> memref<1x128xi32, #tpu.memory_space<vmem>>
            %dma_start3A_63 = tpu.memref_squeeze %dma_start3A_62 : memref<1x128xi32, #tpu.memory_space<vmem>> -> memref<128xi32, #tpu.memory_space<vmem>>
            %dma_start3A_64 = arith.constant 0 : i32
            %dma_start3A_65 = arith.constant 0 : i32
            %dma_start3A_66 = tpu.memref_slice %arg2[%dma_start3A_64, %dma_start3A_65] : memref<10000x128xf32, #tpu.memory_space<hbm>> -> memref<10000x128xf32, #tpu.memory_space<hbm>>
            tpu.enqueue_indirect_dma source(%dma_start3A_66 : memref<10000x128xf32, #tpu.memory_space<hbm>>) target(%arg13 : memref<128x128xf32, #tpu.memory_space<vmem>>) offsets(%dma_start3A_63 : memref<128xi32, #tpu.memory_space<vmem>>) semaphore(%arg16 : memref<!tpu.dma_semaphore, #tpu.memory_space<semaphore_mem>>)
            %dma_wait3A = arith.constant 0 : i32
            %dma_wait3A_67 = arith.constant 0 : i32
            %dma_wait3A_68 = tpu.memref_slice %arg10[%dma_wait3A, %dma_wait3A_67] : memref<40x128xi32, #tpu.memory_space<vmem>> -> memref<1x128xi32, #tpu.memory_space<vmem>>
            %dma_wait3A_69 = tpu.memref_squeeze %dma_wait3A_68 : memref<1x128xi32, #tpu.memory_space<vmem>> -> memref<128xi32, #tpu.memory_space<vmem>>
            %dma_wait3A_70 = arith.constant 0 : i32
            %dma_wait3A_71 = arith.constant 0 : i32
            %dma_wait3A_72 = tpu.memref_slice %arg2[%dma_wait3A_70, %dma_wait3A_71] : memref<10000x128xf32, #tpu.memory_space<hbm>> -> memref<10000x128xf32, #tpu.memory_space<hbm>>
            tpu.wait_indirect_dma semaphore(%arg15 : memref<!tpu.dma_semaphore, #tpu.memory_space<semaphore_mem>>) src(%dma_wait3A_72 : memref<10000x128xf32, #tpu.memory_space<hbm>>) dst(%arg12 : memref<128x128xf32, #tpu.memory_space<vmem>>)
            "tpu.region"() ({
              %run_scoped3A = tpu.sem_alloc : memref<!tpu.dma_semaphore, #tpu.memory_space<semaphore_mem>>
              %dma_start3A_88 = arith.constant 0 : i32
              %dma_start3A_89 = tpu.memref_slice %arg11[%mul3A_58, %dma_start3A_88] : memref<40x128xi32, #tpu.memory_space<vmem>> -> memref<1x128xi32, #tpu.memory_space<vmem>>
              %dma_start3A_90 = tpu.memref_squeeze %dma_start3A_89 : memref<1x128xi32, #tpu.memory_space<vmem>> -> memref<128xi32, #tpu.memory_space<vmem>>
              %dma_start3A_91 = arith.constant 0 : i32
              %dma_start3A_92 = arith.constant 0 : i32
              %dma_start3A_93 = tpu.memref_slice %arg14[%dma_start3A_91, %dma_start3A_92] : memref<10240x128xf32, #tpu.memory_space<vmem_shared>> -> memref<10240x128xf32, #tpu.memory_space<vmem_shared>>
              tpu.enqueue_indirect_dma source(%arg12 : memref<128x128xf32, #tpu.memory_space<vmem>>) target(%dma_start3A_93 : memref<10240x128xf32, #tpu.memory_space<vmem_shared>>) offsets(%dma_start3A_90 : memref<128xi32, #tpu.memory_space<vmem>>) semaphore(%run_scoped3A : memref<!tpu.dma_semaphore, #tpu.memory_space<semaphore_mem>>) {add = true}
              %dma_wait3A_94 = arith.constant 0 : i32
              %dma_wait3A_95 = tpu.memref_slice %arg11[%mul3A_58, %dma_wait3A_94] : memref<40x128xi32, #tpu.memory_space<vmem>> -> memref<1x128xi32, #tpu.memory_space<vmem>>
              %dma_wait3A_96 = tpu.memref_squeeze %dma_wait3A_95 : memref<1x128xi32, #tpu.memory_space<vmem>> -> memref<128xi32, #tpu.memory_space<vmem>>
              %dma_wait3A_97 = arith.constant 0 : i32
              %dma_wait3A_98 = arith.constant 0 : i32
              %dma_wait3A_99 = tpu.memref_slice %arg14[%dma_wait3A_97, %dma_wait3A_98] : memref<10240x128xf32, #tpu.memory_space<vmem_shared>> -> memref<10240x128xf32, #tpu.memory_space<vmem_shared>>
              tpu.wait_indirect_dma semaphore(%run_scoped3A : memref<!tpu.dma_semaphore, #tpu.memory_space<semaphore_mem>>) src(%arg12 : memref<128x128xf32, #tpu.memory_space<vmem>>) dst(%dma_wait3A_99 : memref<10240x128xf32, #tpu.memory_space<vmem_shared>>)
              tpu.yield
            }) : () -> ()
            %add3A_73 = arith.constant 2 : i32
            %add3A_74 = arith.addi %mul3A_58, %add3A_73 : i32
            %lt3A = arith.constant 40 : i32
            %lt3A_75 = arith.cmpi slt, %add3A_74, %lt3A : i32
            %convert_element_type3A_76 = arith.extui %lt3A_75 : i1 to i32
            %cond3A_77 = arith.constant 0 : i32
            %cond3A_78 = arith.cmpi ne, %convert_element_type3A_76, %cond3A_77 : i32
            scf.if %cond3A_78 {
              %add3A_88 = arith.constant 2 : i32
              %add3A_89 = arith.addi %mul3A_58, %add3A_88 : i32
              %dma_start3A_90 = arith.constant 0 : i32
              %dma_start3A_91 = tpu.memref_slice %arg10[%add3A_89, %dma_start3A_90] : memref<40x128xi32, #tpu.memory_space<vmem>> -> memref<1x128xi32, #tpu.memory_space<vmem>>
              %dma_start3A_92 = tpu.memref_squeeze %dma_start3A_91 : memref<1x128xi32, #tpu.memory_space<vmem>> -> memref<128xi32, #tpu.memory_space<vmem>>
              %dma_start3A_93 = arith.constant 0 : i32
              %dma_start3A_94 = arith.constant 0 : i32
              %dma_start3A_95 = tpu.memref_slice %arg2[%dma_start3A_93, %dma_start3A_94] : memref<10000x128xf32, #tpu.memory_space<hbm>> -> memref<10000x128xf32, #tpu.memory_space<hbm>>
              tpu.enqueue_indirect_dma source(%dma_start3A_95 : memref<10000x128xf32, #tpu.memory_space<hbm>>) target(%arg12 : memref<128x128xf32, #tpu.memory_space<vmem>>) offsets(%dma_start3A_92 : memref<128xi32, #tpu.memory_space<vmem>>) semaphore(%arg15 : memref<!tpu.dma_semaphore, #tpu.memory_space<semaphore_mem>>)
            } else {
            }
            %dma_wait3A_79 = arith.constant 0 : i32
            %dma_wait3A_80 = arith.constant 0 : i32
            %dma_wait3A_81 = tpu.memref_slice %arg10[%dma_wait3A_79, %dma_wait3A_80] : memref<40x128xi32, #tpu.memory_space<vmem>> -> memref<1x128xi32, #tpu.memory_space<vmem>>
            %dma_wait3A_82 = tpu.memref_squeeze %dma_wait3A_81 : memref<1x128xi32, #tpu.memory_space<vmem>> -> memref<128xi32, #tpu.memory_space<vmem>>
            %dma_wait3A_83 = arith.constant 0 : i32
            %dma_wait3A_84 = arith.constant 0 : i32
            %dma_wait3A_85 = tpu.memref_slice %arg2[%dma_wait3A_83, %dma_wait3A_84] : memref<10000x128xf32, #tpu.memory_space<hbm>> -> memref<10000x128xf32, #tpu.memory_space<hbm>>
            tpu.wait_indirect_dma semaphore(%arg16 : memref<!tpu.dma_semaphore, #tpu.memory_space<semaphore_mem>>) src(%dma_wait3A_85 : memref<10000x128xf32, #tpu.memory_space<hbm>>) dst(%arg13 : memref<128x128xf32, #tpu.memory_space<vmem>>)
            %add3A_86 = arith.constant 1 : i32
            %add3A_87 = arith.addi %mul3A_58, %add3A_86 : i32
            "tpu.region"() ({
              %run_scoped3A = tpu.sem_alloc : memref<!tpu.dma_semaphore, #tpu.memory_space<semaphore_mem>>
              %dma_start3A_88 = arith.constant 0 : i32
              %dma_start3A_89 = tpu.memref_slice %arg11[%add3A_87, %dma_start3A_88] : memref<40x128xi32, #tpu.memory_space<vmem>> -> memref<1x128xi32, #tpu.memory_space<vmem>>
              %dma_start3A_90 = tpu.memref_squeeze %dma_start3A_89 : memref<1x128xi32, #tpu.memory_space<vmem>> -> memref<128xi32, #tpu.memory_space<vmem>>
              %dma_start3A_91 = arith.constant 0 : i32
              %dma_start3A_92 = arith.constant 0 : i32
              %dma_start3A_93 = tpu.memref_slice %arg14[%dma_start3A_91, %dma_start3A_92] : memref<10240x128xf32, #tpu.memory_space<vmem_shared>> -> memref<10240x128xf32, #tpu.memory_space<vmem_shared>>
              tpu.enqueue_indirect_dma source(%arg13 : memref<128x128xf32, #tpu.memory_space<vmem>>) target(%dma_start3A_93 : memref<10240x128xf32, #tpu.memory_space<vmem_shared>>) offsets(%dma_start3A_90 : memref<128xi32, #tpu.memory_space<vmem>>) semaphore(%run_scoped3A : memref<!tpu.dma_semaphore, #tpu.memory_space<semaphore_mem>>) {add = true}
              %dma_wait3A_94 = arith.constant 0 : i32
              %dma_wait3A_95 = tpu.memref_slice %arg11[%add3A_87, %dma_wait3A_94] : memref<40x128xi32, #tpu.memory_space<vmem>> -> memref<1x128xi32, #tpu.memory_space<vmem>>
              %dma_wait3A_96 = tpu.memref_squeeze %dma_wait3A_95 : memref<1x128xi32, #tpu.memory_space<vmem>> -> memref<128xi32, #tpu.memory_space<vmem>>
              %dma_wait3A_97 = arith.constant 0 : i32
              %dma_wait3A_98 = arith.constant 0 : i32
              %dma_wait3A_99 = tpu.memref_slice %arg14[%dma_wait3A_97, %dma_wait3A_98] : memref<10240x128xf32, #tpu.memory_space<vmem_shared>> -> memref<10240x128xf32, #tpu.memory_space<vmem_shared>>
              tpu.wait_indirect_dma semaphore(%run_scoped3A : memref<!tpu.dma_semaphore, #tpu.memory_space<semaphore_mem>>) src(%arg13 : memref<128x128xf32, #tpu.memory_space<vmem>>) dst(%dma_wait3A_99 : memref<10240x128xf32, #tpu.memory_space<vmem_shared>>)
              tpu.yield
            }) : () -> ()
          }
          %scan3A_55 = arith.constant 20 : i32
        }
        %scan3A_42 = arith.constant 2 : i32
      }
      %scan3A_34 = arith.constant 2 : i32
    } else {
    }
    %eq3A_13 = arith.constant 1 : i32
    %eq3A_14 = arith.cmpi eq, %arg0, %eq3A_13 : i32
    %convert_element_type3A_15 = arith.extui %eq3A_14 : i1 to i32
    %cond3A_16 = arith.constant 0 : i32
    %cond3A_17 = arith.cmpi ne, %convert_element_type3A_15, %cond3A_16 : i32
    scf.if %cond3A_17 {
      %scan3A_29 = arith.constant 0 : i32
      %scan3A_30 = arith.constant 0 : i32
      %scan3A_31 = arith.constant 2 : i32
      %scan3A_32 = arith.addi %scan3A_30, %scan3A_31 : i32
      %scan3A_33 = arith.constant 1 : i32
      scf.for %scan3A_35 = %scan3A_30 to %scan3A_32 step %scan3A_33  : i32 {
        %mul3A = arith.constant 16 : i32
        %mul3A_36 = arith.muli %scan3A_35, %mul3A : i32
        %add3A = arith.addi %mul3A_36, %arg1 : i32
        %scan3A_37 = arith.constant 0 : i32
        %scan3A_38 = arith.constant 0 : i32
        %scan3A_39 = arith.constant 2 : i32
        %scan3A_40 = arith.addi %scan3A_38, %scan3A_39 : i32
        %scan3A_41 = arith.constant 1 : i32
        scf.for %scan3A_43 = %scan3A_38 to %scan3A_40 step %scan3A_41  : i32 {
          "tpu.region"() ({
            %run_scoped3A = tpu.sem_alloc : memref<!tpu.dma_semaphore, #tpu.memory_space<semaphore_mem>>
            %dma_start3A_56 = arith.constant 0 : i32
            %dma_start3A_57 = arith.constant 0 : i32
            %dma_start3A_58 = tpu.memref_slice %arg5[%add3A, %scan3A_43, %dma_start3A_56, %dma_start3A_57] : memref<32x2x40x128xi32, #tpu.memory_space<hbm>> -> memref<1x1x40x128xi32, #tpu.memory_space<hbm>>
            %dma_start3A_59 = tpu.memref_squeeze %dma_start3A_58 : memref<1x1x40x128xi32, #tpu.memory_space<hbm>> -> memref<40x128xi32, #tpu.memory_space<hbm>>
            %dma_start3A_60 = arith.constant 0 : i32
            %dma_start3A_61 = arith.constant 0 : i32
            %dma_start3A_62 = tpu.memref_slice %arg5[%add3A, %scan3A_43, %dma_start3A_60, %dma_start3A_61] : memref<32x2x40x128xi32, #tpu.memory_space<hbm>> -> memref<1x1x40x128xi32, #tpu.memory_space<hbm>>
            %dma_start3A_63 = tpu.memref_squeeze %dma_start3A_62 : memref<1x1x40x128xi32, #tpu.memory_space<hbm>> -> memref<40x128xi32, #tpu.memory_space<hbm>>
            tpu.enqueue_dma source(%dma_start3A_63 : memref<40x128xi32, #tpu.memory_space<hbm>>) target(%arg10 : memref<40x128xi32, #tpu.memory_space<vmem>>) target_semaphore(%run_scoped3A : memref<!tpu.dma_semaphore, #tpu.memory_space<semaphore_mem>>)
            %dma_wait3A = arith.constant 0 : i32
            %dma_wait3A_64 = arith.constant 0 : i32
            %dma_wait3A_65 = tpu.memref_slice %arg5[%add3A, %scan3A_43, %dma_wait3A, %dma_wait3A_64] : memref<32x2x40x128xi32, #tpu.memory_space<hbm>> -> memref<1x1x40x128xi32, #tpu.memory_space<hbm>>
            %dma_wait3A_66 = tpu.memref_squeeze %dma_wait3A_65 : memref<1x1x40x128xi32, #tpu.memory_space<hbm>> -> memref<40x128xi32, #tpu.memory_space<hbm>>
            %dma_wait3A_67 = arith.constant 0 : i32
            %dma_wait3A_68 = arith.constant 0 : i32
            %dma_wait3A_69 = tpu.memref_slice %arg5[%add3A, %scan3A_43, %dma_wait3A_67, %dma_wait3A_68] : memref<32x2x40x128xi32, #tpu.memory_space<hbm>> -> memref<1x1x40x128xi32, #tpu.memory_space<hbm>>
            %dma_wait3A_70 = tpu.memref_squeeze %dma_wait3A_69 : memref<1x1x40x128xi32, #tpu.memory_space<hbm>> -> memref<40x128xi32, #tpu.memory_space<hbm>>
            tpu.wait_dma2 semaphore(%run_scoped3A : memref<!tpu.dma_semaphore, #tpu.memory_space<semaphore_mem>>) src(%dma_wait3A_70 : memref<40x128xi32, #tpu.memory_space<hbm>>) dst(%arg10 : memref<40x128xi32, #tpu.memory_space<vmem>>)
            tpu.yield
          }) : () -> ()
          "tpu.region"() ({
            %run_scoped3A = tpu.sem_alloc : memref<!tpu.dma_semaphore, #tpu.memory_space<semaphore_mem>>
            %dma_start3A_56 = arith.constant 0 : i32
            %dma_start3A_57 = arith.constant 0 : i32
            %dma_start3A_58 = tpu.memref_slice %arg6[%add3A, %scan3A_43, %dma_start3A_56, %dma_start3A_57] : memref<32x2x40x128xi32, #tpu.memory_space<hbm>> -> memref<1x1x40x128xi32, #tpu.memory_space<hbm>>
            %dma_start3A_59 = tpu.memref_squeeze %dma_start3A_58 : memref<1x1x40x128xi32, #tpu.memory_space<hbm>> -> memref<40x128xi32, #tpu.memory_space<hbm>>
            %dma_start3A_60 = arith.constant 0 : i32
            %dma_start3A_61 = arith.constant 0 : i32
            %dma_start3A_62 = tpu.memref_slice %arg6[%add3A, %scan3A_43, %dma_start3A_60, %dma_start3A_61] : memref<32x2x40x128xi32, #tpu.memory_space<hbm>> -> memref<1x1x40x128xi32, #tpu.memory_space<hbm>>
            %dma_start3A_63 = tpu.memref_squeeze %dma_start3A_62 : memref<1x1x40x128xi32, #tpu.memory_space<hbm>> -> memref<40x128xi32, #tpu.memory_space<hbm>>
            tpu.enqueue_dma source(%dma_start3A_63 : memref<40x128xi32, #tpu.memory_space<hbm>>) target(%arg11 : memref<40x128xi32, #tpu.memory_space<vmem>>) target_semaphore(%run_scoped3A : memref<!tpu.dma_semaphore, #tpu.memory_space<semaphore_mem>>)
            %dma_wait3A = arith.constant 0 : i32
            %dma_wait3A_64 = arith.constant 0 : i32
            %dma_wait3A_65 = tpu.memref_slice %arg6[%add3A, %scan3A_43, %dma_wait3A, %dma_wait3A_64] : memref<32x2x40x128xi32, #tpu.memory_space<hbm>> -> memref<1x1x40x128xi32, #tpu.memory_space<hbm>>
            %dma_wait3A_66 = tpu.memref_squeeze %dma_wait3A_65 : memref<1x1x40x128xi32, #tpu.memory_space<hbm>> -> memref<40x128xi32, #tpu.memory_space<hbm>>
            %dma_wait3A_67 = arith.constant 0 : i32
            %dma_wait3A_68 = arith.constant 0 : i32
            %dma_wait3A_69 = tpu.memref_slice %arg6[%add3A, %scan3A_43, %dma_wait3A_67, %dma_wait3A_68] : memref<32x2x40x128xi32, #tpu.memory_space<hbm>> -> memref<1x1x40x128xi32, #tpu.memory_space<hbm>>
            %dma_wait3A_70 = tpu.memref_squeeze %dma_wait3A_69 : memref<1x1x40x128xi32, #tpu.memory_space<hbm>> -> memref<40x128xi32, #tpu.memory_space<hbm>>
            tpu.wait_dma2 semaphore(%run_scoped3A : memref<!tpu.dma_semaphore, #tpu.memory_space<semaphore_mem>>) src(%dma_wait3A_70 : memref<40x128xi32, #tpu.memory_space<hbm>>) dst(%arg11 : memref<40x128xi32, #tpu.memory_space<vmem>>)
            tpu.yield
          }) : () -> ()
          %dma_start3A = arith.constant 0 : i32
          %dma_start3A_44 = arith.constant 0 : i32
          %dma_start3A_45 = tpu.memref_slice %arg10[%dma_start3A, %dma_start3A_44] : memref<40x128xi32, #tpu.memory_space<vmem>> -> memref<1x128xi32, #tpu.memory_space<vmem>>
          %dma_start3A_46 = tpu.memref_squeeze %dma_start3A_45 : memref<1x128xi32, #tpu.memory_space<vmem>> -> memref<128xi32, #tpu.memory_space<vmem>>
          %dma_start3A_47 = arith.constant 0 : i32
          %dma_start3A_48 = arith.constant 0 : i32
          %dma_start3A_49 = tpu.memref_slice %arg3[%dma_start3A_47, %dma_start3A_48] : memref<10000x128xf32, #tpu.memory_space<hbm>> -> memref<10000x128xf32, #tpu.memory_space<hbm>>
          tpu.enqueue_indirect_dma source(%dma_start3A_49 : memref<10000x128xf32, #tpu.memory_space<hbm>>) target(%arg12 : memref<128x128xf32, #tpu.memory_space<vmem>>) offsets(%dma_start3A_46 : memref<128xi32, #tpu.memory_space<vmem>>) semaphore(%arg15 : memref<!tpu.dma_semaphore, #tpu.memory_space<semaphore_mem>>)
          %scan3A_50 = arith.constant 0 : i32
          %scan3A_51 = arith.constant 0 : i32
          %scan3A_52 = arith.constant 20 : i32
          %scan3A_53 = arith.addi %scan3A_51, %scan3A_52 : i32
          %scan3A_54 = arith.constant 1 : i32
          scf.for %scan3A_56 = %scan3A_51 to %scan3A_53 step %scan3A_54  : i32 {
            %mul3A_57 = arith.constant 2 : i32
            %mul3A_58 = arith.muli %mul3A_57, %scan3A_56 : i32
            %add3A_59 = arith.constant 1 : i32
            %add3A_60 = arith.addi %mul3A_58, %add3A_59 : i32
            %dma_start3A_61 = arith.constant 0 : i32
            %dma_start3A_62 = tpu.memref_slice %arg10[%add3A_60, %dma_start3A_61] : memref<40x128xi32, #tpu.memory_space<vmem>> -> memref<1x128xi32, #tpu.memory_space<vmem>>
            %dma_start3A_63 = tpu.memref_squeeze %dma_start3A_62 : memref<1x128xi32, #tpu.memory_space<vmem>> -> memref<128xi32, #tpu.memory_space<vmem>>
            %dma_start3A_64 = arith.constant 0 : i32
            %dma_start3A_65 = arith.constant 0 : i32
            %dma_start3A_66 = tpu.memref_slice %arg3[%dma_start3A_64, %dma_start3A_65] : memref<10000x128xf32, #tpu.memory_space<hbm>> -> memref<10000x128xf32, #tpu.memory_space<hbm>>
            tpu.enqueue_indirect_dma source(%dma_start3A_66 : memref<10000x128xf32, #tpu.memory_space<hbm>>) target(%arg13 : memref<128x128xf32, #tpu.memory_space<vmem>>) offsets(%dma_start3A_63 : memref<128xi32, #tpu.memory_space<vmem>>) semaphore(%arg16 : memref<!tpu.dma_semaphore, #tpu.memory_space<semaphore_mem>>)
            %dma_wait3A = arith.constant 0 : i32
            %dma_wait3A_67 = arith.constant 0 : i32
            %dma_wait3A_68 = tpu.memref_slice %arg10[%dma_wait3A, %dma_wait3A_67] : memref<40x128xi32, #tpu.memory_space<vmem>> -> memref<1x128xi32, #tpu.memory_space<vmem>>
            %dma_wait3A_69 = tpu.memref_squeeze %dma_wait3A_68 : memref<1x128xi32, #tpu.memory_space<vmem>> -> memref<128xi32, #tpu.memory_space<vmem>>
            %dma_wait3A_70 = arith.constant 0 : i32
            %dma_wait3A_71 = arith.constant 0 : i32
            %dma_wait3A_72 = tpu.memref_slice %arg3[%dma_wait3A_70, %dma_wait3A_71] : memref<10000x128xf32, #tpu.memory_space<hbm>> -> memref<10000x128xf32, #tpu.memory_space<hbm>>
            tpu.wait_indirect_dma semaphore(%arg15 : memref<!tpu.dma_semaphore, #tpu.memory_space<semaphore_mem>>) src(%dma_wait3A_72 : memref<10000x128xf32, #tpu.memory_space<hbm>>) dst(%arg12 : memref<128x128xf32, #tpu.memory_space<vmem>>)
            "tpu.region"() ({
              %run_scoped3A = tpu.sem_alloc : memref<!tpu.dma_semaphore, #tpu.memory_space<semaphore_mem>>
              %dma_start3A_88 = arith.constant 0 : i32
              %dma_start3A_89 = tpu.memref_slice %arg11[%mul3A_58, %dma_start3A_88] : memref<40x128xi32, #tpu.memory_space<vmem>> -> memref<1x128xi32, #tpu.memory_space<vmem>>
              %dma_start3A_90 = tpu.memref_squeeze %dma_start3A_89 : memref<1x128xi32, #tpu.memory_space<vmem>> -> memref<128xi32, #tpu.memory_space<vmem>>
              %dma_start3A_91 = arith.constant 0 : i32
              %dma_start3A_92 = arith.constant 0 : i32
              %dma_start3A_93 = tpu.memref_slice %arg14[%dma_start3A_91, %dma_start3A_92] : memref<10240x128xf32, #tpu.memory_space<vmem_shared>> -> memref<10240x128xf32, #tpu.memory_space<vmem_shared>>
              tpu.enqueue_indirect_dma source(%arg12 : memref<128x128xf32, #tpu.memory_space<vmem>>) target(%dma_start3A_93 : memref<10240x128xf32, #tpu.memory_space<vmem_shared>>) offsets(%dma_start3A_90 : memref<128xi32, #tpu.memory_space<vmem>>) semaphore(%run_scoped3A : memref<!tpu.dma_semaphore, #tpu.memory_space<semaphore_mem>>) {add = true}
              %dma_wait3A_94 = arith.constant 0 : i32
              %dma_wait3A_95 = tpu.memref_slice %arg11[%mul3A_58, %dma_wait3A_94] : memref<40x128xi32, #tpu.memory_space<vmem>> -> memref<1x128xi32, #tpu.memory_space<vmem>>
              %dma_wait3A_96 = tpu.memref_squeeze %dma_wait3A_95 : memref<1x128xi32, #tpu.memory_space<vmem>> -> memref<128xi32, #tpu.memory_space<vmem>>
              %dma_wait3A_97 = arith.constant 0 : i32
              %dma_wait3A_98 = arith.constant 0 : i32
              %dma_wait3A_99 = tpu.memref_slice %arg14[%dma_wait3A_97, %dma_wait3A_98] : memref<10240x128xf32, #tpu.memory_space<vmem_shared>> -> memref<10240x128xf32, #tpu.memory_space<vmem_shared>>
              tpu.wait_indirect_dma semaphore(%run_scoped3A : memref<!tpu.dma_semaphore, #tpu.memory_space<semaphore_mem>>) src(%arg12 : memref<128x128xf32, #tpu.memory_space<vmem>>) dst(%dma_wait3A_99 : memref<10240x128xf32, #tpu.memory_space<vmem_shared>>)
              tpu.yield
            }) : () -> ()
            %add3A_73 = arith.constant 2 : i32
            %add3A_74 = arith.addi %mul3A_58, %add3A_73 : i32
            %lt3A = arith.constant 40 : i32
            %lt3A_75 = arith.cmpi slt, %add3A_74, %lt3A : i32
            %convert_element_type3A_76 = arith.extui %lt3A_75 : i1 to i32
            %cond3A_77 = arith.constant 0 : i32
            %cond3A_78 = arith.cmpi ne, %convert_element_type3A_76, %cond3A_77 : i32
            scf.if %cond3A_78 {
              %add3A_88 = arith.constant 2 : i32
              %add3A_89 = arith.addi %mul3A_58, %add3A_88 : i32
              %dma_start3A_90 = arith.constant 0 : i32
              %dma_start3A_91 = tpu.memref_slice %arg10[%add3A_89, %dma_start3A_90] : memref<40x128xi32, #tpu.memory_space<vmem>> -> memref<1x128xi32, #tpu.memory_space<vmem>>
              %dma_start3A_92 = tpu.memref_squeeze %dma_start3A_91 : memref<1x128xi32, #tpu.memory_space<vmem>> -> memref<128xi32, #tpu.memory_space<vmem>>
              %dma_start3A_93 = arith.constant 0 : i32
              %dma_start3A_94 = arith.constant 0 : i32
              %dma_start3A_95 = tpu.memref_slice %arg3[%dma_start3A_93, %dma_start3A_94] : memref<10000x128xf32, #tpu.memory_space<hbm>> -> memref<10000x128xf32, #tpu.memory_space<hbm>>
              tpu.enqueue_indirect_dma source(%dma_start3A_95 : memref<10000x128xf32, #tpu.memory_space<hbm>>) target(%arg12 : memref<128x128xf32, #tpu.memory_space<vmem>>) offsets(%dma_start3A_92 : memref<128xi32, #tpu.memory_space<vmem>>) semaphore(%arg15 : memref<!tpu.dma_semaphore, #tpu.memory_space<semaphore_mem>>)
            } else {
            }
            %dma_wait3A_79 = arith.constant 0 : i32
            %dma_wait3A_80 = arith.constant 0 : i32
            %dma_wait3A_81 = tpu.memref_slice %arg10[%dma_wait3A_79, %dma_wait3A_80] : memref<40x128xi32, #tpu.memory_space<vmem>> -> memref<1x128xi32, #tpu.memory_space<vmem>>
            %dma_wait3A_82 = tpu.memref_squeeze %dma_wait3A_81 : memref<1x128xi32, #tpu.memory_space<vmem>> -> memref<128xi32, #tpu.memory_space<vmem>>
            %dma_wait3A_83 = arith.constant 0 : i32
            %dma_wait3A_84 = arith.constant 0 : i32
            %dma_wait3A_85 = tpu.memref_slice %arg3[%dma_wait3A_83, %dma_wait3A_84] : memref<10000x128xf32, #tpu.memory_space<hbm>> -> memref<10000x128xf32, #tpu.memory_space<hbm>>
            tpu.wait_indirect_dma semaphore(%arg16 : memref<!tpu.dma_semaphore, #tpu.memory_space<semaphore_mem>>) src(%dma_wait3A_85 : memref<10000x128xf32, #tpu.memory_space<hbm>>) dst(%arg13 : memref<128x128xf32, #tpu.memory_space<vmem>>)
            %add3A_86 = arith.constant 1 : i32
            %add3A_87 = arith.addi %mul3A_58, %add3A_86 : i32
            "tpu.region"() ({
              %run_scoped3A = tpu.sem_alloc : memref<!tpu.dma_semaphore, #tpu.memory_space<semaphore_mem>>
              %dma_start3A_88 = arith.constant 0 : i32
              %dma_start3A_89 = tpu.memref_slice %arg11[%add3A_87, %dma_start3A_88] : memref<40x128xi32, #tpu.memory_space<vmem>> -> memref<1x128xi32, #tpu.memory_space<vmem>>
              %dma_start3A_90 = tpu.memref_squeeze %dma_start3A_89 : memref<1x128xi32, #tpu.memory_space<vmem>> -> memref<128xi32, #tpu.memory_space<vmem>>
              %dma_start3A_91 = arith.constant 0 : i32
              %dma_start3A_92 = arith.constant 0 : i32
              %dma_start3A_93 = tpu.memref_slice %arg14[%dma_start3A_91, %dma_start3A_92] : memref<10240x128xf32, #tpu.memory_space<vmem_shared>> -> memref<10240x128xf32, #tpu.memory_space<vmem_shared>>
              tpu.enqueue_indirect_dma source(%arg13 : memref<128x128xf32, #tpu.memory_space<vmem>>) target(%dma_start3A_93 : memref<10240x128xf32, #tpu.memory_space<vmem_shared>>) offsets(%dma_start3A_90 : memref<128xi32, #tpu.memory_space<vmem>>) semaphore(%run_scoped3A : memref<!tpu.dma_semaphore, #tpu.memory_space<semaphore_mem>>) {add = true}
              %dma_wait3A_94 = arith.constant 0 : i32
              %dma_wait3A_95 = tpu.memref_slice %arg11[%add3A_87, %dma_wait3A_94] : memref<40x128xi32, #tpu.memory_space<vmem>> -> memref<1x128xi32, #tpu.memory_space<vmem>>
              %dma_wait3A_96 = tpu.memref_squeeze %dma_wait3A_95 : memref<1x128xi32, #tpu.memory_space<vmem>> -> memref<128xi32, #tpu.memory_space<vmem>>
              %dma_wait3A_97 = arith.constant 0 : i32
              %dma_wait3A_98 = arith.constant 0 : i32
              %dma_wait3A_99 = tpu.memref_slice %arg14[%dma_wait3A_97, %dma_wait3A_98] : memref<10240x128xf32, #tpu.memory_space<vmem_shared>> -> memref<10240x128xf32, #tpu.memory_space<vmem_shared>>
              tpu.wait_indirect_dma semaphore(%run_scoped3A : memref<!tpu.dma_semaphore, #tpu.memory_space<semaphore_mem>>) src(%arg13 : memref<128x128xf32, #tpu.memory_space<vmem>>) dst(%dma_wait3A_99 : memref<10240x128xf32, #tpu.memory_space<vmem_shared>>)
              tpu.yield
            }) : () -> ()
          }
          %scan3A_55 = arith.constant 20 : i32
        }
        %scan3A_42 = arith.constant 2 : i32
      }
      %scan3A_34 = arith.constant 2 : i32
    } else {
    }
    %barrier3A_18 = arith.constant 0 : index
    tpu.barrier barrier_id(%barrier3A_18)
    %eq3A_19 = arith.constant 0 : i32
    %eq3A_20 = arith.cmpi eq, %arg0, %eq3A_19 : i32
    %convert_element_type3A_21 = arith.extui %eq3A_20 : i1 to i32
    %cond3A_22 = arith.constant 0 : i32
    %cond3A_23 = arith.cmpi ne, %convert_element_type3A_21, %cond3A_22 : i32
    scf.if %cond3A_23 {
      %mul3A = arith.constant 640 : i32
      %mul3A_29 = arith.muli %arg1, %mul3A : i32
      %mul3A_30 = arith.constant 640 : i32
      %mul3A_31 = arith.muli %arg1, %mul3A_30 : i32
      "tpu.region"() ({
        %run_scoped3A = tpu.sem_alloc : memref<!tpu.dma_semaphore, #tpu.memory_space<semaphore_mem>>
        %dma_start3A = arith.constant 0 : i32
        %dma_start3A_32 = tpu.memref_slice %arg8[%mul3A_31, %dma_start3A] : memref<10240x128xf32, #tpu.memory_space<hbm>> -> memref<640x128xf32, #tpu.memory_space<hbm>>
        %dma_start3A_33 = arith.constant 0 : i32
        %dma_start3A_34 = tpu.memref_slice %arg14[%mul3A_29, %dma_start3A_33] : memref<10240x128xf32, #tpu.memory_space<vmem_shared>> -> memref<640x128xf32, #tpu.memory_space<vmem_shared>>
        tpu.enqueue_dma source(%dma_start3A_34 : memref<640x128xf32, #tpu.memory_space<vmem_shared>>) target(%dma_start3A_32 : memref<640x128xf32, #tpu.memory_space<hbm>>) target_semaphore(%run_scoped3A : memref<!tpu.dma_semaphore, #tpu.memory_space<semaphore_mem>>)
        %dma_wait3A = arith.constant 0 : i32
        %dma_wait3A_35 = tpu.memref_slice %arg8[%mul3A_31, %dma_wait3A] : memref<10240x128xf32, #tpu.memory_space<hbm>> -> memref<640x128xf32, #tpu.memory_space<hbm>>
        %dma_wait3A_36 = arith.constant 0 : i32
        %dma_wait3A_37 = tpu.memref_slice %arg14[%mul3A_29, %dma_wait3A_36] : memref<10240x128xf32, #tpu.memory_space<vmem_shared>> -> memref<640x128xf32, #tpu.memory_space<vmem_shared>>
        tpu.wait_dma2 semaphore(%run_scoped3A : memref<!tpu.dma_semaphore, #tpu.memory_space<semaphore_mem>>) src(%dma_wait3A_37 : memref<640x128xf32, #tpu.memory_space<vmem_shared>>) dst(%dma_wait3A_35 : memref<640x128xf32, #tpu.memory_space<hbm>>)
        tpu.yield
      }) : () -> ()
    } else {
    }
    %eq3A_24 = arith.constant 1 : i32
    %eq3A_25 = arith.cmpi eq, %arg0, %eq3A_24 : i32
    %convert_element_type3A_26 = arith.extui %eq3A_25 : i1 to i32
    %cond3A_27 = arith.constant 0 : i32
    %cond3A_28 = arith.cmpi ne, %convert_element_type3A_26, %cond3A_27 : i32
    scf.if %cond3A_28 {
      %mul3A = arith.constant 640 : i32
      %mul3A_29 = arith.muli %arg1, %mul3A : i32
      %mul3A_30 = arith.constant 640 : i32
      %mul3A_31 = arith.muli %arg1, %mul3A_30 : i32
      "tpu.region"() ({
        %run_scoped3A = tpu.sem_alloc : memref<!tpu.dma_semaphore, #tpu.memory_space<semaphore_mem>>
        %dma_start3A = arith.constant 0 : i32
        %dma_start3A_32 = tpu.memref_slice %arg9[%mul3A_31, %dma_start3A] : memref<10240x128xf32, #tpu.memory_space<hbm>> -> memref<640x128xf32, #tpu.memory_space<hbm>>
        %dma_start3A_33 = arith.constant 0 : i32
        %dma_start3A_34 = tpu.memref_slice %arg14[%mul3A_29, %dma_start3A_33] : memref<10240x128xf32, #tpu.memory_space<vmem_shared>> -> memref<640x128xf32, #tpu.memory_space<vmem_shared>>
        tpu.enqueue_dma source(%dma_start3A_34 : memref<640x128xf32, #tpu.memory_space<vmem_shared>>) target(%dma_start3A_32 : memref<640x128xf32, #tpu.memory_space<hbm>>) target_semaphore(%run_scoped3A : memref<!tpu.dma_semaphore, #tpu.memory_space<semaphore_mem>>)
        %dma_wait3A = arith.constant 0 : i32
        %dma_wait3A_35 = tpu.memref_slice %arg9[%mul3A_31, %dma_wait3A] : memref<10240x128xf32, #tpu.memory_space<hbm>> -> memref<640x128xf32, #tpu.memory_space<hbm>>
        %dma_wait3A_36 = arith.constant 0 : i32
        %dma_wait3A_37 = tpu.memref_slice %arg14[%mul3A_29, %dma_wait3A_36] : memref<10240x128xf32, #tpu.memory_space<vmem_shared>> -> memref<640x128xf32, #tpu.memory_space<vmem_shared>>
        tpu.wait_dma2 semaphore(%run_scoped3A : memref<!tpu.dma_semaphore, #tpu.memory_space<semaphore_mem>>) src(%dma_wait3A_37 : memref<640x128xf32, #tpu.memory_space<vmem_shared>>) dst(%dma_wait3A_35 : memref<640x128xf32, #tpu.memory_space<hbm>>)
        tpu.yield
      }) : () -> ()
    } else {
    }
    return
  }
}

#map = affine_map<(d0, d1) -> (0, 0)>
#map1 = affine_map<(d0, d1) -> (0, 0, 0, 0)>
module attributes {stable_mosaic.version = 14 : i64} {
  func.func @_sc_agg2(%arg0: i32, %arg1: i32, %arg2: memref<10000x128xf32, #tpu.memory_space<hbm>>, %arg3: memref<10000x128xf32, #tpu.memory_space<hbm>>, %arg4: memref<32x2x40x128xi32, #tpu.memory_space<hbm>>, %arg5: memref<32x2x40x128xi32, #tpu.memory_space<hbm>>, %arg6: memref<32x2x40x128xi32, #tpu.memory_space<hbm>>, %arg7: memref<32x2x40x128xi32, #tpu.memory_space<hbm>>, %arg8: memref<10240x128xf32, #tpu.memory_space<hbm>>, %arg9: memref<10240x128xf32, #tpu.memory_space<hbm>>, %arg10: memref<40x128xi32, #tpu.memory_space<vmem>>, %arg11: memref<40x128xi32, #tpu.memory_space<vmem>>, %arg12: memref<128x128xf32, #tpu.memory_space<vmem>>, %arg13: memref<128x128xf32, #tpu.memory_space<vmem>>, %arg14: memref<10240x128xf32, #tpu.memory_space<vmem_shared>>, %arg15: memref<!tpu.dma_semaphore, #tpu.memory_space<semaphore_mem>>, %arg16: memref<!tpu.dma_semaphore, #tpu.memory_space<semaphore_mem>>) attributes {dimension_semantics = [#tpu.dimension_semantics<core_parallel>, #tpu.dimension_semantics<subcore_parallel>], iteration_bounds = array<i64: 2, 16>, scalar_prefetch = 0 : i64, scratch_operands = 7 : i64, tpu.core_type = #tpu.core_type<sc_vector_subcore>, window_params = [{transform_indices = #map}, {transform_indices = #map}, {transform_indices = #map1}, {transform_indices = #map1}, {transform_indices = #map1}, {transform_indices = #map1}, {transform_indices = #map}, {transform_indices = #map}]} {
    %scan3A = arith.constant 0 : i32
    %scan3A_0 = arith.constant 0 : i32
    %scan3A_1 = arith.constant 128 : i32
    %scan3A_2 = arith.addi %scan3A_0, %scan3A_1 : i32
    %scan3A_3 = arith.constant 1 : i32
    scf.for %scan3A_29 = %scan3A_0 to %scan3A_2 step %scan3A_3  : i32 {
      %scan3A_30 = arith.constant 0 : i32
      %scan3A_31 = arith.constant 0 : i32
      %scan3A_32 = arith.constant 8 : i32
      %scan3A_33 = arith.addi %scan3A_31, %scan3A_32 : i32
      %scan3A_34 = arith.constant 1 : i32
      scf.for %scan3A_36 = %scan3A_31 to %scan3A_33 step %scan3A_34  : i32 {
        %broadcast_in_dim3A = arith.constant 0.000000e+00 : f32
        %broadcast_in_dim3A_37 = vector.broadcast %broadcast_in_dim3A : f32 to vector<16xf32>
        %mul3A = arith.constant 16 : i32
        %mul3A_38 = arith.muli %scan3A_36, %mul3A : i32
        %swap3A = arith.index_cast %scan3A_29 : i32 to index
        %swap3A_39 = arith.index_cast %mul3A_38 : i32 to index
        %swap3A_40 = tpu.vector_load %arg12[%swap3A, %swap3A_39] {strides = array<i32>} : memref<128x128xf32, #tpu.memory_space<vmem>>, vector<1x16xf32>,
        %swap3A_41 = vector.shape_cast %swap3A_40 : vector<1x16xf32> to vector<16xf32>
        %swap3A_42 = vector.shape_cast %broadcast_in_dim3A_37 : vector<16xf32> to vector<1x16xf32>
        tpu.vector_store %arg12[%swap3A, %swap3A_39], %swap3A_42 {strides = array<i32>} : memref<128x128xf32, #tpu.memory_space<vmem>>, vector<1x16xf32>,
      }
      %scan3A_35 = arith.constant 8 : i32
    }
    %scan3A_4 = arith.constant 128 : i32
    %scan3A_5 = arith.constant 0 : i32
    %scan3A_6 = arith.constant 0 : i32
    %scan3A_7 = arith.constant 5 : i32
    %scan3A_8 = arith.addi %scan3A_6, %scan3A_7 : i32
    %scan3A_9 = arith.constant 1 : i32
    scf.for %scan3A_29 = %scan3A_6 to %scan3A_8 step %scan3A_9  : i32 {
      %mul3A = arith.constant 640 : i32
      %mul3A_30 = arith.muli %arg1, %mul3A : i32
      %mul3A_31 = arith.constant 128 : i32
      %mul3A_32 = arith.muli %scan3A_29, %mul3A_31 : i32
      %add3A = arith.addi %mul3A_30, %mul3A_32 : i32
      "tpu.region"() ({
        %run_scoped3A = tpu.sem_alloc : memref<!tpu.dma_semaphore, #tpu.memory_space<semaphore_mem>>
        %dma_start3A = arith.constant 0 : i32
        %dma_start3A_33 = tpu.memref_slice %arg14[%add3A, %dma_start3A] : memref<10240x128xf32, #tpu.memory_space<vmem_shared>> -> memref<128x128xf32, #tpu.memory_space<vmem_shared>>
        %dma_start3A_34 = arith.constant 0 : i32
        %dma_start3A_35 = tpu.memref_slice %arg14[%add3A, %dma_start3A_34] : memref<10240x128xf32, #tpu.memory_space<vmem_shared>> -> memref<128x128xf32, #tpu.memory_space<vmem_shared>>
        tpu.enqueue_dma source(%arg12 : memref<128x128xf32, #tpu.memory_space<vmem>>) target(%dma_start3A_35 : memref<128x128xf32, #tpu.memory_space<vmem_shared>>) target_semaphore(%run_scoped3A : memref<!tpu.dma_semaphore, #tpu.memory_space<semaphore_mem>>)
        %dma_wait3A = arith.constant 0 : i32
        %dma_wait3A_36 = tpu.memref_slice %arg14[%add3A, %dma_wait3A] : memref<10240x128xf32, #tpu.memory_space<vmem_shared>> -> memref<128x128xf32, #tpu.memory_space<vmem_shared>>
        %dma_wait3A_37 = arith.constant 0 : i32
        %dma_wait3A_38 = tpu.memref_slice %arg14[%add3A, %dma_wait3A_37] : memref<10240x128xf32, #tpu.memory_space<vmem_shared>> -> memref<128x128xf32, #tpu.memory_space<vmem_shared>>
        tpu.wait_dma2 semaphore(%run_scoped3A : memref<!tpu.dma_semaphore, #tpu.memory_space<semaphore_mem>>) src(%arg12 : memref<128x128xf32, #tpu.memory_space<vmem>>) dst(%dma_wait3A_38 : memref<128x128xf32, #tpu.memory_space<vmem_shared>>)
        tpu.yield
      }) : () -> ()
    }
    %scan3A_10 = arith.constant 5 : i32
    %barrier3A = arith.constant 0 : index
    tpu.barrier barrier_id(%barrier3A)
    %eq3A = arith.constant 0 : i32
    %eq3A_11 = arith.cmpi eq, %arg0, %eq3A : i32
    %convert_element_type3A = arith.extui %eq3A_11 : i1 to i32
    %cond3A = arith.constant 0 : i32
    %cond3A_12 = arith.cmpi ne, %convert_element_type3A, %cond3A : i32
    scf.if %cond3A_12 {
      %scan3A_29 = arith.constant 0 : i32
      %scan3A_30 = arith.constant 0 : i32
      %scan3A_31 = arith.constant 2 : i32
      %scan3A_32 = arith.addi %scan3A_30, %scan3A_31 : i32
      %scan3A_33 = arith.constant 1 : i32
      scf.for %scan3A_35 = %scan3A_30 to %scan3A_32 step %scan3A_33  : i32 {
        %mul3A = arith.constant 16 : i32
        %mul3A_36 = arith.muli %scan3A_35, %mul3A : i32
        %add3A = arith.addi %mul3A_36, %arg1 : i32
        %scan3A_37 = arith.constant 0 : i32
        %scan3A_38 = arith.constant 0 : i32
        %scan3A_39 = arith.constant 2 : i32
        %scan3A_40 = arith.addi %scan3A_38, %scan3A_39 : i32
        %scan3A_41 = arith.constant 1 : i32
        scf.for %scan3A_43 = %scan3A_38 to %scan3A_40 step %scan3A_41  : i32 {
          "tpu.region"() ({
            %run_scoped3A = tpu.sem_alloc : memref<!tpu.dma_semaphore, #tpu.memory_space<semaphore_mem>>
            %dma_start3A_56 = arith.constant 0 : i32
            %dma_start3A_57 = arith.constant 0 : i32
            %dma_start3A_58 = tpu.memref_slice %arg4[%add3A, %scan3A_43, %dma_start3A_56, %dma_start3A_57] : memref<32x2x40x128xi32, #tpu.memory_space<hbm>> -> memref<1x1x40x128xi32, #tpu.memory_space<hbm>>
            %dma_start3A_59 = tpu.memref_squeeze %dma_start3A_58 : memref<1x1x40x128xi32, #tpu.memory_space<hbm>> -> memref<40x128xi32, #tpu.memory_space<hbm>>
            %dma_start3A_60 = arith.constant 0 : i32
            %dma_start3A_61 = arith.constant 0 : i32
            %dma_start3A_62 = tpu.memref_slice %arg4[%add3A, %scan3A_43, %dma_start3A_60, %dma_start3A_61] : memref<32x2x40x128xi32, #tpu.memory_space<hbm>> -> memref<1x1x40x128xi32, #tpu.memory_space<hbm>>
            %dma_start3A_63 = tpu.memref_squeeze %dma_start3A_62 : memref<1x1x40x128xi32, #tpu.memory_space<hbm>> -> memref<40x128xi32, #tpu.memory_space<hbm>>
            tpu.enqueue_dma source(%dma_start3A_63 : memref<40x128xi32, #tpu.memory_space<hbm>>) target(%arg10 : memref<40x128xi32, #tpu.memory_space<vmem>>) target_semaphore(%run_scoped3A : memref<!tpu.dma_semaphore, #tpu.memory_space<semaphore_mem>>)
            %dma_wait3A = arith.constant 0 : i32
            %dma_wait3A_64 = arith.constant 0 : i32
            %dma_wait3A_65 = tpu.memref_slice %arg4[%add3A, %scan3A_43, %dma_wait3A, %dma_wait3A_64] : memref<32x2x40x128xi32, #tpu.memory_space<hbm>> -> memref<1x1x40x128xi32, #tpu.memory_space<hbm>>
            %dma_wait3A_66 = tpu.memref_squeeze %dma_wait3A_65 : memref<1x1x40x128xi32, #tpu.memory_space<hbm>> -> memref<40x128xi32, #tpu.memory_space<hbm>>
            %dma_wait3A_67 = arith.constant 0 : i32
            %dma_wait3A_68 = arith.constant 0 : i32
            %dma_wait3A_69 = tpu.memref_slice %arg4[%add3A, %scan3A_43, %dma_wait3A_67, %dma_wait3A_68] : memref<32x2x40x128xi32, #tpu.memory_space<hbm>> -> memref<1x1x40x128xi32, #tpu.memory_space<hbm>>
            %dma_wait3A_70 = tpu.memref_squeeze %dma_wait3A_69 : memref<1x1x40x128xi32, #tpu.memory_space<hbm>> -> memref<40x128xi32, #tpu.memory_space<hbm>>
            tpu.wait_dma2 semaphore(%run_scoped3A : memref<!tpu.dma_semaphore, #tpu.memory_space<semaphore_mem>>) src(%dma_wait3A_70 : memref<40x128xi32, #tpu.memory_space<hbm>>) dst(%arg10 : memref<40x128xi32, #tpu.memory_space<vmem>>)
            tpu.yield
          }) : () -> ()
          "tpu.region"() ({
            %run_scoped3A = tpu.sem_alloc : memref<!tpu.dma_semaphore, #tpu.memory_space<semaphore_mem>>
            %dma_start3A_56 = arith.constant 0 : i32
            %dma_start3A_57 = arith.constant 0 : i32
            %dma_start3A_58 = tpu.memref_slice %arg7[%add3A, %scan3A_43, %dma_start3A_56, %dma_start3A_57] : memref<32x2x40x128xi32, #tpu.memory_space<hbm>> -> memref<1x1x40x128xi32, #tpu.memory_space<hbm>>
            %dma_start3A_59 = tpu.memref_squeeze %dma_start3A_58 : memref<1x1x40x128xi32, #tpu.memory_space<hbm>> -> memref<40x128xi32, #tpu.memory_space<hbm>>
            %dma_start3A_60 = arith.constant 0 : i32
            %dma_start3A_61 = arith.constant 0 : i32
            %dma_start3A_62 = tpu.memref_slice %arg7[%add3A, %scan3A_43, %dma_start3A_60, %dma_start3A_61] : memref<32x2x40x128xi32, #tpu.memory_space<hbm>> -> memref<1x1x40x128xi32, #tpu.memory_space<hbm>>
            %dma_start3A_63 = tpu.memref_squeeze %dma_start3A_62 : memref<1x1x40x128xi32, #tpu.memory_space<hbm>> -> memref<40x128xi32, #tpu.memory_space<hbm>>
            tpu.enqueue_dma source(%dma_start3A_63 : memref<40x128xi32, #tpu.memory_space<hbm>>) target(%arg11 : memref<40x128xi32, #tpu.memory_space<vmem>>) target_semaphore(%run_scoped3A : memref<!tpu.dma_semaphore, #tpu.memory_space<semaphore_mem>>)
            %dma_wait3A = arith.constant 0 : i32
            %dma_wait3A_64 = arith.constant 0 : i32
            %dma_wait3A_65 = tpu.memref_slice %arg7[%add3A, %scan3A_43, %dma_wait3A, %dma_wait3A_64] : memref<32x2x40x128xi32, #tpu.memory_space<hbm>> -> memref<1x1x40x128xi32, #tpu.memory_space<hbm>>
            %dma_wait3A_66 = tpu.memref_squeeze %dma_wait3A_65 : memref<1x1x40x128xi32, #tpu.memory_space<hbm>> -> memref<40x128xi32, #tpu.memory_space<hbm>>
            %dma_wait3A_67 = arith.constant 0 : i32
            %dma_wait3A_68 = arith.constant 0 : i32
            %dma_wait3A_69 = tpu.memref_slice %arg7[%add3A, %scan3A_43, %dma_wait3A_67, %dma_wait3A_68] : memref<32x2x40x128xi32, #tpu.memory_space<hbm>> -> memref<1x1x40x128xi32, #tpu.memory_space<hbm>>
            %dma_wait3A_70 = tpu.memref_squeeze %dma_wait3A_69 : memref<1x1x40x128xi32, #tpu.memory_space<hbm>> -> memref<40x128xi32, #tpu.memory_space<hbm>>
            tpu.wait_dma2 semaphore(%run_scoped3A : memref<!tpu.dma_semaphore, #tpu.memory_space<semaphore_mem>>) src(%dma_wait3A_70 : memref<40x128xi32, #tpu.memory_space<hbm>>) dst(%arg11 : memref<40x128xi32, #tpu.memory_space<vmem>>)
            tpu.yield
          }) : () -> ()
          %dma_start3A = arith.constant 0 : i32
          %dma_start3A_44 = arith.constant 0 : i32
          %dma_start3A_45 = tpu.memref_slice %arg10[%dma_start3A, %dma_start3A_44] : memref<40x128xi32, #tpu.memory_space<vmem>> -> memref<1x128xi32, #tpu.memory_space<vmem>>
          %dma_start3A_46 = tpu.memref_squeeze %dma_start3A_45 : memref<1x128xi32, #tpu.memory_space<vmem>> -> memref<128xi32, #tpu.memory_space<vmem>>
          %dma_start3A_47 = arith.constant 0 : i32
          %dma_start3A_48 = arith.constant 0 : i32
          %dma_start3A_49 = tpu.memref_slice %arg2[%dma_start3A_47, %dma_start3A_48] : memref<10000x128xf32, #tpu.memory_space<hbm>> -> memref<10000x128xf32, #tpu.memory_space<hbm>>
          tpu.enqueue_indirect_dma source(%dma_start3A_49 : memref<10000x128xf32, #tpu.memory_space<hbm>>) target(%arg12 : memref<128x128xf32, #tpu.memory_space<vmem>>) offsets(%dma_start3A_46 : memref<128xi32, #tpu.memory_space<vmem>>) semaphore(%arg15 : memref<!tpu.dma_semaphore, #tpu.memory_space<semaphore_mem>>)
          %scan3A_50 = arith.constant 0 : i32
          %scan3A_51 = arith.constant 0 : i32
          %scan3A_52 = arith.constant 20 : i32
          %scan3A_53 = arith.addi %scan3A_51, %scan3A_52 : i32
          %scan3A_54 = arith.constant 1 : i32
          scf.for %scan3A_56 = %scan3A_51 to %scan3A_53 step %scan3A_54  : i32 {
            %mul3A_57 = arith.constant 2 : i32
            %mul3A_58 = arith.muli %mul3A_57, %scan3A_56 : i32
            %add3A_59 = arith.constant 1 : i32
            %add3A_60 = arith.addi %mul3A_58, %add3A_59 : i32
            %dma_start3A_61 = arith.constant 0 : i32
            %dma_start3A_62 = tpu.memref_slice %arg10[%add3A_60, %dma_start3A_61] : memref<40x128xi32, #tpu.memory_space<vmem>> -> memref<1x128xi32, #tpu.memory_space<vmem>>
            %dma_start3A_63 = tpu.memref_squeeze %dma_start3A_62 : memref<1x128xi32, #tpu.memory_space<vmem>> -> memref<128xi32, #tpu.memory_space<vmem>>
            %dma_start3A_64 = arith.constant 0 : i32
            %dma_start3A_65 = arith.constant 0 : i32
            %dma_start3A_66 = tpu.memref_slice %arg2[%dma_start3A_64, %dma_start3A_65] : memref<10000x128xf32, #tpu.memory_space<hbm>> -> memref<10000x128xf32, #tpu.memory_space<hbm>>
            tpu.enqueue_indirect_dma source(%dma_start3A_66 : memref<10000x128xf32, #tpu.memory_space<hbm>>) target(%arg13 : memref<128x128xf32, #tpu.memory_space<vmem>>) offsets(%dma_start3A_63 : memref<128xi32, #tpu.memory_space<vmem>>) semaphore(%arg16 : memref<!tpu.dma_semaphore, #tpu.memory_space<semaphore_mem>>)
            %dma_wait3A = arith.constant 0 : i32
            %dma_wait3A_67 = arith.constant 0 : i32
            %dma_wait3A_68 = tpu.memref_slice %arg10[%dma_wait3A, %dma_wait3A_67] : memref<40x128xi32, #tpu.memory_space<vmem>> -> memref<1x128xi32, #tpu.memory_space<vmem>>
            %dma_wait3A_69 = tpu.memref_squeeze %dma_wait3A_68 : memref<1x128xi32, #tpu.memory_space<vmem>> -> memref<128xi32, #tpu.memory_space<vmem>>
            %dma_wait3A_70 = arith.constant 0 : i32
            %dma_wait3A_71 = arith.constant 0 : i32
            %dma_wait3A_72 = tpu.memref_slice %arg2[%dma_wait3A_70, %dma_wait3A_71] : memref<10000x128xf32, #tpu.memory_space<hbm>> -> memref<10000x128xf32, #tpu.memory_space<hbm>>
            tpu.wait_indirect_dma semaphore(%arg15 : memref<!tpu.dma_semaphore, #tpu.memory_space<semaphore_mem>>) src(%dma_wait3A_72 : memref<10000x128xf32, #tpu.memory_space<hbm>>) dst(%arg12 : memref<128x128xf32, #tpu.memory_space<vmem>>)
            "tpu.region"() ({
              %run_scoped3A = tpu.sem_alloc : memref<!tpu.dma_semaphore, #tpu.memory_space<semaphore_mem>>
              %dma_start3A_88 = arith.constant 0 : i32
              %dma_start3A_89 = tpu.memref_slice %arg11[%mul3A_58, %dma_start3A_88] : memref<40x128xi32, #tpu.memory_space<vmem>> -> memref<1x128xi32, #tpu.memory_space<vmem>>
              %dma_start3A_90 = tpu.memref_squeeze %dma_start3A_89 : memref<1x128xi32, #tpu.memory_space<vmem>> -> memref<128xi32, #tpu.memory_space<vmem>>
              %dma_start3A_91 = arith.constant 0 : i32
              %dma_start3A_92 = arith.constant 0 : i32
              %dma_start3A_93 = tpu.memref_slice %arg14[%dma_start3A_91, %dma_start3A_92] : memref<10240x128xf32, #tpu.memory_space<vmem_shared>> -> memref<10240x128xf32, #tpu.memory_space<vmem_shared>>
              tpu.enqueue_indirect_dma source(%arg12 : memref<128x128xf32, #tpu.memory_space<vmem>>) target(%dma_start3A_93 : memref<10240x128xf32, #tpu.memory_space<vmem_shared>>) offsets(%dma_start3A_90 : memref<128xi32, #tpu.memory_space<vmem>>) semaphore(%run_scoped3A : memref<!tpu.dma_semaphore, #tpu.memory_space<semaphore_mem>>) {add = true}
              %dma_wait3A_94 = arith.constant 0 : i32
              %dma_wait3A_95 = tpu.memref_slice %arg11[%mul3A_58, %dma_wait3A_94] : memref<40x128xi32, #tpu.memory_space<vmem>> -> memref<1x128xi32, #tpu.memory_space<vmem>>
              %dma_wait3A_96 = tpu.memref_squeeze %dma_wait3A_95 : memref<1x128xi32, #tpu.memory_space<vmem>> -> memref<128xi32, #tpu.memory_space<vmem>>
              %dma_wait3A_97 = arith.constant 0 : i32
              %dma_wait3A_98 = arith.constant 0 : i32
              %dma_wait3A_99 = tpu.memref_slice %arg14[%dma_wait3A_97, %dma_wait3A_98] : memref<10240x128xf32, #tpu.memory_space<vmem_shared>> -> memref<10240x128xf32, #tpu.memory_space<vmem_shared>>
              tpu.wait_indirect_dma semaphore(%run_scoped3A : memref<!tpu.dma_semaphore, #tpu.memory_space<semaphore_mem>>) src(%arg12 : memref<128x128xf32, #tpu.memory_space<vmem>>) dst(%dma_wait3A_99 : memref<10240x128xf32, #tpu.memory_space<vmem_shared>>)
              tpu.yield
            }) : () -> ()
            %add3A_73 = arith.constant 2 : i32
            %add3A_74 = arith.addi %mul3A_58, %add3A_73 : i32
            %lt3A = arith.constant 40 : i32
            %lt3A_75 = arith.cmpi slt, %add3A_74, %lt3A : i32
            %convert_element_type3A_76 = arith.extui %lt3A_75 : i1 to i32
            %cond3A_77 = arith.constant 0 : i32
            %cond3A_78 = arith.cmpi ne, %convert_element_type3A_76, %cond3A_77 : i32
            scf.if %cond3A_78 {
              %add3A_88 = arith.constant 2 : i32
              %add3A_89 = arith.addi %mul3A_58, %add3A_88 : i32
              %dma_start3A_90 = arith.constant 0 : i32
              %dma_start3A_91 = tpu.memref_slice %arg10[%add3A_89, %dma_start3A_90] : memref<40x128xi32, #tpu.memory_space<vmem>> -> memref<1x128xi32, #tpu.memory_space<vmem>>
              %dma_start3A_92 = tpu.memref_squeeze %dma_start3A_91 : memref<1x128xi32, #tpu.memory_space<vmem>> -> memref<128xi32, #tpu.memory_space<vmem>>
              %dma_start3A_93 = arith.constant 0 : i32
              %dma_start3A_94 = arith.constant 0 : i32
              %dma_start3A_95 = tpu.memref_slice %arg2[%dma_start3A_93, %dma_start3A_94] : memref<10000x128xf32, #tpu.memory_space<hbm>> -> memref<10000x128xf32, #tpu.memory_space<hbm>>
              tpu.enqueue_indirect_dma source(%dma_start3A_95 : memref<10000x128xf32, #tpu.memory_space<hbm>>) target(%arg12 : memref<128x128xf32, #tpu.memory_space<vmem>>) offsets(%dma_start3A_92 : memref<128xi32, #tpu.memory_space<vmem>>) semaphore(%arg15 : memref<!tpu.dma_semaphore, #tpu.memory_space<semaphore_mem>>)
            } else {
            }
            %dma_wait3A_79 = arith.constant 0 : i32
            %dma_wait3A_80 = arith.constant 0 : i32
            %dma_wait3A_81 = tpu.memref_slice %arg10[%dma_wait3A_79, %dma_wait3A_80] : memref<40x128xi32, #tpu.memory_space<vmem>> -> memref<1x128xi32, #tpu.memory_space<vmem>>
            %dma_wait3A_82 = tpu.memref_squeeze %dma_wait3A_81 : memref<1x128xi32, #tpu.memory_space<vmem>> -> memref<128xi32, #tpu.memory_space<vmem>>
            %dma_wait3A_83 = arith.constant 0 : i32
            %dma_wait3A_84 = arith.constant 0 : i32
            %dma_wait3A_85 = tpu.memref_slice %arg2[%dma_wait3A_83, %dma_wait3A_84] : memref<10000x128xf32, #tpu.memory_space<hbm>> -> memref<10000x128xf32, #tpu.memory_space<hbm>>
            tpu.wait_indirect_dma semaphore(%arg16 : memref<!tpu.dma_semaphore, #tpu.memory_space<semaphore_mem>>) src(%dma_wait3A_85 : memref<10000x128xf32, #tpu.memory_space<hbm>>) dst(%arg13 : memref<128x128xf32, #tpu.memory_space<vmem>>)
            %add3A_86 = arith.constant 1 : i32
            %add3A_87 = arith.addi %mul3A_58, %add3A_86 : i32
            "tpu.region"() ({
              %run_scoped3A = tpu.sem_alloc : memref<!tpu.dma_semaphore, #tpu.memory_space<semaphore_mem>>
              %dma_start3A_88 = arith.constant 0 : i32
              %dma_start3A_89 = tpu.memref_slice %arg11[%add3A_87, %dma_start3A_88] : memref<40x128xi32, #tpu.memory_space<vmem>> -> memref<1x128xi32, #tpu.memory_space<vmem>>
              %dma_start3A_90 = tpu.memref_squeeze %dma_start3A_89 : memref<1x128xi32, #tpu.memory_space<vmem>> -> memref<128xi32, #tpu.memory_space<vmem>>
              %dma_start3A_91 = arith.constant 0 : i32
              %dma_start3A_92 = arith.constant 0 : i32
              %dma_start3A_93 = tpu.memref_slice %arg14[%dma_start3A_91, %dma_start3A_92] : memref<10240x128xf32, #tpu.memory_space<vmem_shared>> -> memref<10240x128xf32, #tpu.memory_space<vmem_shared>>
              tpu.enqueue_indirect_dma source(%arg13 : memref<128x128xf32, #tpu.memory_space<vmem>>) target(%dma_start3A_93 : memref<10240x128xf32, #tpu.memory_space<vmem_shared>>) offsets(%dma_start3A_90 : memref<128xi32, #tpu.memory_space<vmem>>) semaphore(%run_scoped3A : memref<!tpu.dma_semaphore, #tpu.memory_space<semaphore_mem>>) {add = true}
              %dma_wait3A_94 = arith.constant 0 : i32
              %dma_wait3A_95 = tpu.memref_slice %arg11[%add3A_87, %dma_wait3A_94] : memref<40x128xi32, #tpu.memory_space<vmem>> -> memref<1x128xi32, #tpu.memory_space<vmem>>
              %dma_wait3A_96 = tpu.memref_squeeze %dma_wait3A_95 : memref<1x128xi32, #tpu.memory_space<vmem>> -> memref<128xi32, #tpu.memory_space<vmem>>
              %dma_wait3A_97 = arith.constant 0 : i32
              %dma_wait3A_98 = arith.constant 0 : i32
              %dma_wait3A_99 = tpu.memref_slice %arg14[%dma_wait3A_97, %dma_wait3A_98] : memref<10240x128xf32, #tpu.memory_space<vmem_shared>> -> memref<10240x128xf32, #tpu.memory_space<vmem_shared>>
              tpu.wait_indirect_dma semaphore(%run_scoped3A : memref<!tpu.dma_semaphore, #tpu.memory_space<semaphore_mem>>) src(%arg13 : memref<128x128xf32, #tpu.memory_space<vmem>>) dst(%dma_wait3A_99 : memref<10240x128xf32, #tpu.memory_space<vmem_shared>>)
              tpu.yield
            }) : () -> ()
          }
          %scan3A_55 = arith.constant 20 : i32
        }
        %scan3A_42 = arith.constant 2 : i32
      }
      %scan3A_34 = arith.constant 2 : i32
    } else {
    }
    %eq3A_13 = arith.constant 1 : i32
    %eq3A_14 = arith.cmpi eq, %arg0, %eq3A_13 : i32
    %convert_element_type3A_15 = arith.extui %eq3A_14 : i1 to i32
    %cond3A_16 = arith.constant 0 : i32
    %cond3A_17 = arith.cmpi ne, %convert_element_type3A_15, %cond3A_16 : i32
    scf.if %cond3A_17 {
      %scan3A_29 = arith.constant 0 : i32
      %scan3A_30 = arith.constant 0 : i32
      %scan3A_31 = arith.constant 2 : i32
      %scan3A_32 = arith.addi %scan3A_30, %scan3A_31 : i32
      %scan3A_33 = arith.constant 1 : i32
      scf.for %scan3A_35 = %scan3A_30 to %scan3A_32 step %scan3A_33  : i32 {
        %mul3A = arith.constant 16 : i32
        %mul3A_36 = arith.muli %scan3A_35, %mul3A : i32
        %add3A = arith.addi %mul3A_36, %arg1 : i32
        %scan3A_37 = arith.constant 0 : i32
        %scan3A_38 = arith.constant 0 : i32
        %scan3A_39 = arith.constant 2 : i32
        %scan3A_40 = arith.addi %scan3A_38, %scan3A_39 : i32
        %scan3A_41 = arith.constant 1 : i32
        scf.for %scan3A_43 = %scan3A_38 to %scan3A_40 step %scan3A_41  : i32 {
          "tpu.region"() ({
            %run_scoped3A = tpu.sem_alloc : memref<!tpu.dma_semaphore, #tpu.memory_space<semaphore_mem>>
            %dma_start3A_56 = arith.constant 0 : i32
            %dma_start3A_57 = arith.constant 0 : i32
            %dma_start3A_58 = tpu.memref_slice %arg5[%add3A, %scan3A_43, %dma_start3A_56, %dma_start3A_57] : memref<32x2x40x128xi32, #tpu.memory_space<hbm>> -> memref<1x1x40x128xi32, #tpu.memory_space<hbm>>
            %dma_start3A_59 = tpu.memref_squeeze %dma_start3A_58 : memref<1x1x40x128xi32, #tpu.memory_space<hbm>> -> memref<40x128xi32, #tpu.memory_space<hbm>>
            %dma_start3A_60 = arith.constant 0 : i32
            %dma_start3A_61 = arith.constant 0 : i32
            %dma_start3A_62 = tpu.memref_slice %arg5[%add3A, %scan3A_43, %dma_start3A_60, %dma_start3A_61] : memref<32x2x40x128xi32, #tpu.memory_space<hbm>> -> memref<1x1x40x128xi32, #tpu.memory_space<hbm>>
            %dma_start3A_63 = tpu.memref_squeeze %dma_start3A_62 : memref<1x1x40x128xi32, #tpu.memory_space<hbm>> -> memref<40x128xi32, #tpu.memory_space<hbm>>
            tpu.enqueue_dma source(%dma_start3A_63 : memref<40x128xi32, #tpu.memory_space<hbm>>) target(%arg10 : memref<40x128xi32, #tpu.memory_space<vmem>>) target_semaphore(%run_scoped3A : memref<!tpu.dma_semaphore, #tpu.memory_space<semaphore_mem>>)
            %dma_wait3A = arith.constant 0 : i32
            %dma_wait3A_64 = arith.constant 0 : i32
            %dma_wait3A_65 = tpu.memref_slice %arg5[%add3A, %scan3A_43, %dma_wait3A, %dma_wait3A_64] : memref<32x2x40x128xi32, #tpu.memory_space<hbm>> -> memref<1x1x40x128xi32, #tpu.memory_space<hbm>>
            %dma_wait3A_66 = tpu.memref_squeeze %dma_wait3A_65 : memref<1x1x40x128xi32, #tpu.memory_space<hbm>> -> memref<40x128xi32, #tpu.memory_space<hbm>>
            %dma_wait3A_67 = arith.constant 0 : i32
            %dma_wait3A_68 = arith.constant 0 : i32
            %dma_wait3A_69 = tpu.memref_slice %arg5[%add3A, %scan3A_43, %dma_wait3A_67, %dma_wait3A_68] : memref<32x2x40x128xi32, #tpu.memory_space<hbm>> -> memref<1x1x40x128xi32, #tpu.memory_space<hbm>>
            %dma_wait3A_70 = tpu.memref_squeeze %dma_wait3A_69 : memref<1x1x40x128xi32, #tpu.memory_space<hbm>> -> memref<40x128xi32, #tpu.memory_space<hbm>>
            tpu.wait_dma2 semaphore(%run_scoped3A : memref<!tpu.dma_semaphore, #tpu.memory_space<semaphore_mem>>) src(%dma_wait3A_70 : memref<40x128xi32, #tpu.memory_space<hbm>>) dst(%arg10 : memref<40x128xi32, #tpu.memory_space<vmem>>)
            tpu.yield
          }) : () -> ()
          "tpu.region"() ({
            %run_scoped3A = tpu.sem_alloc : memref<!tpu.dma_semaphore, #tpu.memory_space<semaphore_mem>>
            %dma_start3A_56 = arith.constant 0 : i32
            %dma_start3A_57 = arith.constant 0 : i32
            %dma_start3A_58 = tpu.memref_slice %arg6[%add3A, %scan3A_43, %dma_start3A_56, %dma_start3A_57] : memref<32x2x40x128xi32, #tpu.memory_space<hbm>> -> memref<1x1x40x128xi32, #tpu.memory_space<hbm>>
            %dma_start3A_59 = tpu.memref_squeeze %dma_start3A_58 : memref<1x1x40x128xi32, #tpu.memory_space<hbm>> -> memref<40x128xi32, #tpu.memory_space<hbm>>
            %dma_start3A_60 = arith.constant 0 : i32
            %dma_start3A_61 = arith.constant 0 : i32
            %dma_start3A_62 = tpu.memref_slice %arg6[%add3A, %scan3A_43, %dma_start3A_60, %dma_start3A_61] : memref<32x2x40x128xi32, #tpu.memory_space<hbm>> -> memref<1x1x40x128xi32, #tpu.memory_space<hbm>>
            %dma_start3A_63 = tpu.memref_squeeze %dma_start3A_62 : memref<1x1x40x128xi32, #tpu.memory_space<hbm>> -> memref<40x128xi32, #tpu.memory_space<hbm>>
            tpu.enqueue_dma source(%dma_start3A_63 : memref<40x128xi32, #tpu.memory_space<hbm>>) target(%arg11 : memref<40x128xi32, #tpu.memory_space<vmem>>) target_semaphore(%run_scoped3A : memref<!tpu.dma_semaphore, #tpu.memory_space<semaphore_mem>>)
            %dma_wait3A = arith.constant 0 : i32
            %dma_wait3A_64 = arith.constant 0 : i32
            %dma_wait3A_65 = tpu.memref_slice %arg6[%add3A, %scan3A_43, %dma_wait3A, %dma_wait3A_64] : memref<32x2x40x128xi32, #tpu.memory_space<hbm>> -> memref<1x1x40x128xi32, #tpu.memory_space<hbm>>
            %dma_wait3A_66 = tpu.memref_squeeze %dma_wait3A_65 : memref<1x1x40x128xi32, #tpu.memory_space<hbm>> -> memref<40x128xi32, #tpu.memory_space<hbm>>
            %dma_wait3A_67 = arith.constant 0 : i32
            %dma_wait3A_68 = arith.constant 0 : i32
            %dma_wait3A_69 = tpu.memref_slice %arg6[%add3A, %scan3A_43, %dma_wait3A_67, %dma_wait3A_68] : memref<32x2x40x128xi32, #tpu.memory_space<hbm>> -> memref<1x1x40x128xi32, #tpu.memory_space<hbm>>
            %dma_wait3A_70 = tpu.memref_squeeze %dma_wait3A_69 : memref<1x1x40x128xi32, #tpu.memory_space<hbm>> -> memref<40x128xi32, #tpu.memory_space<hbm>>
            tpu.wait_dma2 semaphore(%run_scoped3A : memref<!tpu.dma_semaphore, #tpu.memory_space<semaphore_mem>>) src(%dma_wait3A_70 : memref<40x128xi32, #tpu.memory_space<hbm>>) dst(%arg11 : memref<40x128xi32, #tpu.memory_space<vmem>>)
            tpu.yield
          }) : () -> ()
          %dma_start3A = arith.constant 0 : i32
          %dma_start3A_44 = arith.constant 0 : i32
          %dma_start3A_45 = tpu.memref_slice %arg10[%dma_start3A, %dma_start3A_44] : memref<40x128xi32, #tpu.memory_space<vmem>> -> memref<1x128xi32, #tpu.memory_space<vmem>>
          %dma_start3A_46 = tpu.memref_squeeze %dma_start3A_45 : memref<1x128xi32, #tpu.memory_space<vmem>> -> memref<128xi32, #tpu.memory_space<vmem>>
          %dma_start3A_47 = arith.constant 0 : i32
          %dma_start3A_48 = arith.constant 0 : i32
          %dma_start3A_49 = tpu.memref_slice %arg3[%dma_start3A_47, %dma_start3A_48] : memref<10000x128xf32, #tpu.memory_space<hbm>> -> memref<10000x128xf32, #tpu.memory_space<hbm>>
          tpu.enqueue_indirect_dma source(%dma_start3A_49 : memref<10000x128xf32, #tpu.memory_space<hbm>>) target(%arg12 : memref<128x128xf32, #tpu.memory_space<vmem>>) offsets(%dma_start3A_46 : memref<128xi32, #tpu.memory_space<vmem>>) semaphore(%arg15 : memref<!tpu.dma_semaphore, #tpu.memory_space<semaphore_mem>>)
          %scan3A_50 = arith.constant 0 : i32
          %scan3A_51 = arith.constant 0 : i32
          %scan3A_52 = arith.constant 20 : i32
          %scan3A_53 = arith.addi %scan3A_51, %scan3A_52 : i32
          %scan3A_54 = arith.constant 1 : i32
          scf.for %scan3A_56 = %scan3A_51 to %scan3A_53 step %scan3A_54  : i32 {
            %mul3A_57 = arith.constant 2 : i32
            %mul3A_58 = arith.muli %mul3A_57, %scan3A_56 : i32
            %add3A_59 = arith.constant 1 : i32
            %add3A_60 = arith.addi %mul3A_58, %add3A_59 : i32
            %dma_start3A_61 = arith.constant 0 : i32
            %dma_start3A_62 = tpu.memref_slice %arg10[%add3A_60, %dma_start3A_61] : memref<40x128xi32, #tpu.memory_space<vmem>> -> memref<1x128xi32, #tpu.memory_space<vmem>>
            %dma_start3A_63 = tpu.memref_squeeze %dma_start3A_62 : memref<1x128xi32, #tpu.memory_space<vmem>> -> memref<128xi32, #tpu.memory_space<vmem>>
            %dma_start3A_64 = arith.constant 0 : i32
            %dma_start3A_65 = arith.constant 0 : i32
            %dma_start3A_66 = tpu.memref_slice %arg3[%dma_start3A_64, %dma_start3A_65] : memref<10000x128xf32, #tpu.memory_space<hbm>> -> memref<10000x128xf32, #tpu.memory_space<hbm>>
            tpu.enqueue_indirect_dma source(%dma_start3A_66 : memref<10000x128xf32, #tpu.memory_space<hbm>>) target(%arg13 : memref<128x128xf32, #tpu.memory_space<vmem>>) offsets(%dma_start3A_63 : memref<128xi32, #tpu.memory_space<vmem>>) semaphore(%arg16 : memref<!tpu.dma_semaphore, #tpu.memory_space<semaphore_mem>>)
            %dma_wait3A = arith.constant 0 : i32
            %dma_wait3A_67 = arith.constant 0 : i32
            %dma_wait3A_68 = tpu.memref_slice %arg10[%dma_wait3A, %dma_wait3A_67] : memref<40x128xi32, #tpu.memory_space<vmem>> -> memref<1x128xi32, #tpu.memory_space<vmem>>
            %dma_wait3A_69 = tpu.memref_squeeze %dma_wait3A_68 : memref<1x128xi32, #tpu.memory_space<vmem>> -> memref<128xi32, #tpu.memory_space<vmem>>
            %dma_wait3A_70 = arith.constant 0 : i32
            %dma_wait3A_71 = arith.constant 0 : i32
            %dma_wait3A_72 = tpu.memref_slice %arg3[%dma_wait3A_70, %dma_wait3A_71] : memref<10000x128xf32, #tpu.memory_space<hbm>> -> memref<10000x128xf32, #tpu.memory_space<hbm>>
            tpu.wait_indirect_dma semaphore(%arg15 : memref<!tpu.dma_semaphore, #tpu.memory_space<semaphore_mem>>) src(%dma_wait3A_72 : memref<10000x128xf32, #tpu.memory_space<hbm>>) dst(%arg12 : memref<128x128xf32, #tpu.memory_space<vmem>>)
            "tpu.region"() ({
              %run_scoped3A = tpu.sem_alloc : memref<!tpu.dma_semaphore, #tpu.memory_space<semaphore_mem>>
              %dma_start3A_88 = arith.constant 0 : i32
              %dma_start3A_89 = tpu.memref_slice %arg11[%mul3A_58, %dma_start3A_88] : memref<40x128xi32, #tpu.memory_space<vmem>> -> memref<1x128xi32, #tpu.memory_space<vmem>>
              %dma_start3A_90 = tpu.memref_squeeze %dma_start3A_89 : memref<1x128xi32, #tpu.memory_space<vmem>> -> memref<128xi32, #tpu.memory_space<vmem>>
              %dma_start3A_91 = arith.constant 0 : i32
              %dma_start3A_92 = arith.constant 0 : i32
              %dma_start3A_93 = tpu.memref_slice %arg14[%dma_start3A_91, %dma_start3A_92] : memref<10240x128xf32, #tpu.memory_space<vmem_shared>> -> memref<10240x128xf32, #tpu.memory_space<vmem_shared>>
              tpu.enqueue_indirect_dma source(%arg12 : memref<128x128xf32, #tpu.memory_space<vmem>>) target(%dma_start3A_93 : memref<10240x128xf32, #tpu.memory_space<vmem_shared>>) offsets(%dma_start3A_90 : memref<128xi32, #tpu.memory_space<vmem>>) semaphore(%run_scoped3A : memref<!tpu.dma_semaphore, #tpu.memory_space<semaphore_mem>>) {add = true}
              %dma_wait3A_94 = arith.constant 0 : i32
              %dma_wait3A_95 = tpu.memref_slice %arg11[%mul3A_58, %dma_wait3A_94] : memref<40x128xi32, #tpu.memory_space<vmem>> -> memref<1x128xi32, #tpu.memory_space<vmem>>
              %dma_wait3A_96 = tpu.memref_squeeze %dma_wait3A_95 : memref<1x128xi32, #tpu.memory_space<vmem>> -> memref<128xi32, #tpu.memory_space<vmem>>
              %dma_wait3A_97 = arith.constant 0 : i32
              %dma_wait3A_98 = arith.constant 0 : i32
              %dma_wait3A_99 = tpu.memref_slice %arg14[%dma_wait3A_97, %dma_wait3A_98] : memref<10240x128xf32, #tpu.memory_space<vmem_shared>> -> memref<10240x128xf32, #tpu.memory_space<vmem_shared>>
              tpu.wait_indirect_dma semaphore(%run_scoped3A : memref<!tpu.dma_semaphore, #tpu.memory_space<semaphore_mem>>) src(%arg12 : memref<128x128xf32, #tpu.memory_space<vmem>>) dst(%dma_wait3A_99 : memref<10240x128xf32, #tpu.memory_space<vmem_shared>>)
              tpu.yield
            }) : () -> ()
            %add3A_73 = arith.constant 2 : i32
            %add3A_74 = arith.addi %mul3A_58, %add3A_73 : i32
            %lt3A = arith.constant 40 : i32
            %lt3A_75 = arith.cmpi slt, %add3A_74, %lt3A : i32
            %convert_element_type3A_76 = arith.extui %lt3A_75 : i1 to i32
            %cond3A_77 = arith.constant 0 : i32
            %cond3A_78 = arith.cmpi ne, %convert_element_type3A_76, %cond3A_77 : i32
            scf.if %cond3A_78 {
              %add3A_88 = arith.constant 2 : i32
              %add3A_89 = arith.addi %mul3A_58, %add3A_88 : i32
              %dma_start3A_90 = arith.constant 0 : i32
              %dma_start3A_91 = tpu.memref_slice %arg10[%add3A_89, %dma_start3A_90] : memref<40x128xi32, #tpu.memory_space<vmem>> -> memref<1x128xi32, #tpu.memory_space<vmem>>
              %dma_start3A_92 = tpu.memref_squeeze %dma_start3A_91 : memref<1x128xi32, #tpu.memory_space<vmem>> -> memref<128xi32, #tpu.memory_space<vmem>>
              %dma_start3A_93 = arith.constant 0 : i32
              %dma_start3A_94 = arith.constant 0 : i32
              %dma_start3A_95 = tpu.memref_slice %arg3[%dma_start3A_93, %dma_start3A_94] : memref<10000x128xf32, #tpu.memory_space<hbm>> -> memref<10000x128xf32, #tpu.memory_space<hbm>>
              tpu.enqueue_indirect_dma source(%dma_start3A_95 : memref<10000x128xf32, #tpu.memory_space<hbm>>) target(%arg12 : memref<128x128xf32, #tpu.memory_space<vmem>>) offsets(%dma_start3A_92 : memref<128xi32, #tpu.memory_space<vmem>>) semaphore(%arg15 : memref<!tpu.dma_semaphore, #tpu.memory_space<semaphore_mem>>)
            } else {
            }
            %dma_wait3A_79 = arith.constant 0 : i32
            %dma_wait3A_80 = arith.constant 0 : i32
            %dma_wait3A_81 = tpu.memref_slice %arg10[%dma_wait3A_79, %dma_wait3A_80] : memref<40x128xi32, #tpu.memory_space<vmem>> -> memref<1x128xi32, #tpu.memory_space<vmem>>
            %dma_wait3A_82 = tpu.memref_squeeze %dma_wait3A_81 : memref<1x128xi32, #tpu.memory_space<vmem>> -> memref<128xi32, #tpu.memory_space<vmem>>
            %dma_wait3A_83 = arith.constant 0 : i32
            %dma_wait3A_84 = arith.constant 0 : i32
            %dma_wait3A_85 = tpu.memref_slice %arg3[%dma_wait3A_83, %dma_wait3A_84] : memref<10000x128xf32, #tpu.memory_space<hbm>> -> memref<10000x128xf32, #tpu.memory_space<hbm>>
            tpu.wait_indirect_dma semaphore(%arg16 : memref<!tpu.dma_semaphore, #tpu.memory_space<semaphore_mem>>) src(%dma_wait3A_85 : memref<10000x128xf32, #tpu.memory_space<hbm>>) dst(%arg13 : memref<128x128xf32, #tpu.memory_space<vmem>>)
            %add3A_86 = arith.constant 1 : i32
            %add3A_87 = arith.addi %mul3A_58, %add3A_86 : i32
            "tpu.region"() ({
              %run_scoped3A = tpu.sem_alloc : memref<!tpu.dma_semaphore, #tpu.memory_space<semaphore_mem>>
              %dma_start3A_88 = arith.constant 0 : i32
              %dma_start3A_89 = tpu.memref_slice %arg11[%add3A_87, %dma_start3A_88] : memref<40x128xi32, #tpu.memory_space<vmem>> -> memref<1x128xi32, #tpu.memory_space<vmem>>
              %dma_start3A_90 = tpu.memref_squeeze %dma_start3A_89 : memref<1x128xi32, #tpu.memory_space<vmem>> -> memref<128xi32, #tpu.memory_space<vmem>>
              %dma_start3A_91 = arith.constant 0 : i32
              %dma_start3A_92 = arith.constant 0 : i32
              %dma_start3A_93 = tpu.memref_slice %arg14[%dma_start3A_91, %dma_start3A_92] : memref<10240x128xf32, #tpu.memory_space<vmem_shared>> -> memref<10240x128xf32, #tpu.memory_space<vmem_shared>>
              tpu.enqueue_indirect_dma source(%arg13 : memref<128x128xf32, #tpu.memory_space<vmem>>) target(%dma_start3A_93 : memref<10240x128xf32, #tpu.memory_space<vmem_shared>>) offsets(%dma_start3A_90 : memref<128xi32, #tpu.memory_space<vmem>>) semaphore(%run_scoped3A : memref<!tpu.dma_semaphore, #tpu.memory_space<semaphore_mem>>) {add = true}
              %dma_wait3A_94 = arith.constant 0 : i32
              %dma_wait3A_95 = tpu.memref_slice %arg11[%add3A_87, %dma_wait3A_94] : memref<40x128xi32, #tpu.memory_space<vmem>> -> memref<1x128xi32, #tpu.memory_space<vmem>>
              %dma_wait3A_96 = tpu.memref_squeeze %dma_wait3A_95 : memref<1x128xi32, #tpu.memory_space<vmem>> -> memref<128xi32, #tpu.memory_space<vmem>>
              %dma_wait3A_97 = arith.constant 0 : i32
              %dma_wait3A_98 = arith.constant 0 : i32
              %dma_wait3A_99 = tpu.memref_slice %arg14[%dma_wait3A_97, %dma_wait3A_98] : memref<10240x128xf32, #tpu.memory_space<vmem_shared>> -> memref<10240x128xf32, #tpu.memory_space<vmem_shared>>
              tpu.wait_indirect_dma semaphore(%run_scoped3A : memref<!tpu.dma_semaphore, #tpu.memory_space<semaphore_mem>>) src(%arg13 : memref<128x128xf32, #tpu.memory_space<vmem>>) dst(%dma_wait3A_99 : memref<10240x128xf32, #tpu.memory_space<vmem_shared>>)
              tpu.yield
            }) : () -> ()
          }
          %scan3A_55 = arith.constant 20 : i32
        }
        %scan3A_42 = arith.constant 2 : i32
      }
      %scan3A_34 = arith.constant 2 : i32
    } else {
    }
    %barrier3A_18 = arith.constant 0 : index
    tpu.barrier barrier_id(%barrier3A_18)
    %eq3A_19 = arith.constant 0 : i32
    %eq3A_20 = arith.cmpi eq, %arg0, %eq3A_19 : i32
    %convert_element_type3A_21 = arith.extui %eq3A_20 : i1 to i32
    %cond3A_22 = arith.constant 0 : i32
    %cond3A_23 = arith.cmpi ne, %convert_element_type3A_21, %cond3A_22 : i32
    scf.if %cond3A_23 {
      %mul3A = arith.constant 640 : i32
      %mul3A_29 = arith.muli %arg1, %mul3A : i32
      %mul3A_30 = arith.constant 640 : i32
      %mul3A_31 = arith.muli %arg1, %mul3A_30 : i32
      "tpu.region"() ({
        %run_scoped3A = tpu.sem_alloc : memref<!tpu.dma_semaphore, #tpu.memory_space<semaphore_mem>>
        %dma_start3A = arith.constant 0 : i32
        %dma_start3A_32 = tpu.memref_slice %arg8[%mul3A_31, %dma_start3A] : memref<10240x128xf32, #tpu.memory_space<hbm>> -> memref<640x128xf32, #tpu.memory_space<hbm>>
        %dma_start3A_33 = arith.constant 0 : i32
        %dma_start3A_34 = tpu.memref_slice %arg14[%mul3A_29, %dma_start3A_33] : memref<10240x128xf32, #tpu.memory_space<vmem_shared>> -> memref<640x128xf32, #tpu.memory_space<vmem_shared>>
        tpu.enqueue_dma source(%dma_start3A_34 : memref<640x128xf32, #tpu.memory_space<vmem_shared>>) target(%dma_start3A_32 : memref<640x128xf32, #tpu.memory_space<hbm>>) target_semaphore(%run_scoped3A : memref<!tpu.dma_semaphore, #tpu.memory_space<semaphore_mem>>)
        %dma_wait3A = arith.constant 0 : i32
        %dma_wait3A_35 = tpu.memref_slice %arg8[%mul3A_31, %dma_wait3A] : memref<10240x128xf32, #tpu.memory_space<hbm>> -> memref<640x128xf32, #tpu.memory_space<hbm>>
        %dma_wait3A_36 = arith.constant 0 : i32
        %dma_wait3A_37 = tpu.memref_slice %arg14[%mul3A_29, %dma_wait3A_36] : memref<10240x128xf32, #tpu.memory_space<vmem_shared>> -> memref<640x128xf32, #tpu.memory_space<vmem_shared>>
        tpu.wait_dma2 semaphore(%run_scoped3A : memref<!tpu.dma_semaphore, #tpu.memory_space<semaphore_mem>>) src(%dma_wait3A_37 : memref<640x128xf32, #tpu.memory_space<vmem_shared>>) dst(%dma_wait3A_35 : memref<640x128xf32, #tpu.memory_space<hbm>>)
        tpu.yield
      }) : () -> ()
    } else {
    }
    %eq3A_24 = arith.constant 1 : i32
    %eq3A_25 = arith.cmpi eq, %arg0, %eq3A_24 : i32
    %convert_element_type3A_26 = arith.extui %eq3A_25 : i1 to i32
    %cond3A_27 = arith.constant 0 : i32
    %cond3A_28 = arith.cmpi ne, %convert_element_type3A_26, %cond3A_27 : i32
    scf.if %cond3A_28 {
      %mul3A = arith.constant 640 : i32
      %mul3A_29 = arith.muli %arg1, %mul3A : i32
      %mul3A_30 = arith.constant 640 : i32
      %mul3A_31 = arith.muli %arg1, %mul3A_30 : i32
      "tpu.region"() ({
        %run_scoped3A = tpu.sem_alloc : memref<!tpu.dma_semaphore, #tpu.memory_space<semaphore_mem>>
        %dma_start3A = arith.constant 0 : i32
        %dma_start3A_32 = tpu.memref_slice %arg9[%mul3A_31, %dma_start3A] : memref<10240x128xf32, #tpu.memory_space<hbm>> -> memref<640x128xf32, #tpu.memory_space<hbm>>
        %dma_start3A_33 = arith.constant 0 : i32
        %dma_start3A_34 = tpu.memref_slice %arg14[%mul3A_29, %dma_start3A_33] : memref<10240x128xf32, #tpu.memory_space<vmem_shared>> -> memref<640x128xf32, #tpu.memory_space<vmem_shared>>
        tpu.enqueue_dma source(%dma_start3A_34 : memref<640x128xf32, #tpu.memory_space<vmem_shared>>) target(%dma_start3A_32 : memref<640x128xf32, #tpu.memory_space<hbm>>) target_semaphore(%run_scoped3A : memref<!tpu.dma_semaphore, #tpu.memory_space<semaphore_mem>>)
        %dma_wait3A = arith.constant 0 : i32
        %dma_wait3A_35 = tpu.memref_slice %arg9[%mul3A_31, %dma_wait3A] : memref<10240x128xf32, #tpu.memory_space<hbm>> -> memref<640x128xf32, #tpu.memory_space<hbm>>
        %dma_wait3A_36 = arith.constant 0 : i32
        %dma_wait3A_37 = tpu.memref_slice %arg14[%mul3A_29, %dma_wait3A_36] : memref<10240x128xf32, #tpu.memory_space<vmem_shared>> -> memref<640x128xf32, #tpu.memory_space<vmem_shared>>
        tpu.wait_dma2 semaphore(%run_scoped3A : memref<!tpu.dma_semaphore, #tpu.memory_space<semaphore_mem>>) src(%dma_wait3A_37 : memref<640x128xf32, #tpu.memory_space<vmem_shared>>) dst(%dma_wait3A_35 : memref<640x128xf32, #tpu.memory_space<hbm>>)
        tpu.yield
      }) : () -> ()
    } else {
    }
    return
  }
}

#map = affine_map<(d0, d1) -> (0, 0, 0)>
#map1 = affine_map<(d0, d1) -> (0, 0, 0, 0)>
#map2 = affine_map<(d0, d1) -> (0, 0)>
#map3 = affine_map<(d0, d1) -> (0)>
module attributes {stable_mosaic.version = 14 : i64} {
  func.func @_sc_embed_deg(%arg0: i32, %arg1: i32, %arg2: memref<32x4x80xi32, #tpu.memory_space<hbm>>, %arg3: memref<32x2x40x128xi32, #tpu.memory_space<hbm>>, %arg4: memref<32x2x40x128xi32, #tpu.memory_space<hbm>>, %arg5: memref<100000x128xf32, #tpu.memory_space<hbm>>, %arg6: memref<10240xf32, #tpu.memory_space<hbm>>, %arg7: memref<128xf32, #tpu.memory_space<hbm>>, %arg8: memref<10240x128xf32, #tpu.memory_space<hbm>>, %arg9: memref<20480xf32, #tpu.memory_space<hbm>>, %arg10: memref<20480xf32, #tpu.memory_space<hbm>>, %arg11: memref<4x80xi32, #tpu.memory_space<vmem>>, %arg12: memref<2x40x128xi32, #tpu.memory_space<vmem>>, %arg13: memref<2x40x128xi32, #tpu.memory_space<vmem>>, %arg14: memref<80x128xf32, #tpu.memory_space<vmem>>, %arg15: memref<80x128xf32, #tpu.memory_space<vmem>>, %arg16: memref<128xf32, #tpu.memory_space<vmem>>, %arg17: memref<10240xf32, #tpu.memory_space<vmem_shared>>, %arg18: memref<10240xf32, #tpu.memory_space<vmem_shared>>, %arg19: memref<!tpu.dma_semaphore, #tpu.memory_space<semaphore_mem>>, %arg20: memref<!tpu.dma_semaphore, #tpu.memory_space<semaphore_mem>>, %arg21: memref<!tpu.dma_semaphore, #tpu.memory_space<semaphore_mem>>, %arg22: memref<!tpu.dma_semaphore, #tpu.memory_space<semaphore_mem>>) attributes {dimension_semantics = [#tpu.dimension_semantics<core_parallel>, #tpu.dimension_semantics<subcore_parallel>], iteration_bounds = array<i64: 2, 16>, scalar_prefetch = 0 : i64, scratch_operands = 12 : i64, tpu.core_type = #tpu.core_type<sc_vector_subcore>, window_params = [{transform_indices = #map}, {transform_indices = #map1}, {transform_indices = #map1}, {transform_indices = #map2}, {transform_indices = #map3}, {transform_indices = #map3}, {transform_indices = #map2}, {transform_indices = #map3}, {transform_indices = #map3}]} {
    %mul3A = arith.constant 16 : i32
    %mul3A_0 = arith.muli %arg0, %mul3A : i32
    %add3A = arith.addi %mul3A_0, %arg1 : i32
    "tpu.region"() ({
      %run_scoped3A = tpu.sem_alloc : memref<!tpu.dma_semaphore, #tpu.memory_space<semaphore_mem>>
      %dma_start3A_108 = arith.constant 0 : i32
      %dma_start3A_109 = arith.constant 0 : i32
      %dma_start3A_110 = arith.constant 0 : i32
      %dma_start3A_111 = tpu.memref_slice %arg3[%add3A, %dma_start3A_108, %dma_start3A_109, %dma_start3A_110] : memref<32x2x40x128xi32, #tpu.memory_space<hbm>> -> memref<1x2x40x128xi32, #tpu.memory_space<hbm>>
      %dma_start3A_112 = tpu.memref_squeeze %dma_start3A_111 : memref<1x2x40x128xi32, #tpu.memory_space<hbm>> -> memref<2x40x128xi32, #tpu.memory_space<hbm>>
      %dma_start3A_113 = arith.constant 0 : i32
      %dma_start3A_114 = arith.constant 0 : i32
      %dma_start3A_115 = arith.constant 0 : i32
      %dma_start3A_116 = tpu.memref_slice %arg3[%add3A, %dma_start3A_113, %dma_start3A_114, %dma_start3A_115] : memref<32x2x40x128xi32, #tpu.memory_space<hbm>> -> memref<1x2x40x128xi32, #tpu.memory_space<hbm>>
      %dma_start3A_117 = tpu.memref_squeeze %dma_start3A_116 : memref<1x2x40x128xi32, #tpu.memory_space<hbm>> -> memref<2x40x128xi32, #tpu.memory_space<hbm>>
      tpu.enqueue_dma source(%dma_start3A_117 : memref<2x40x128xi32, #tpu.memory_space<hbm>>) target(%arg12 : memref<2x40x128xi32, #tpu.memory_space<vmem>>) target_semaphore(%run_scoped3A : memref<!tpu.dma_semaphore, #tpu.memory_space<semaphore_mem>>)
      %dma_wait3A_118 = arith.constant 0 : i32
      %dma_wait3A_119 = arith.constant 0 : i32
      %dma_wait3A_120 = arith.constant 0 : i32
      %dma_wait3A_121 = tpu.memref_slice %arg3[%add3A, %dma_wait3A_118, %dma_wait3A_119, %dma_wait3A_120] : memref<32x2x40x128xi32, #tpu.memory_space<hbm>> -> memref<1x2x40x128xi32, #tpu.memory_space<hbm>>
      %dma_wait3A_122 = tpu.memref_squeeze %dma_wait3A_121 : memref<1x2x40x128xi32, #tpu.memory_space<hbm>> -> memref<2x40x128xi32, #tpu.memory_space<hbm>>
      %dma_wait3A_123 = arith.constant 0 : i32
      %dma_wait3A_124 = arith.constant 0 : i32
      %dma_wait3A_125 = arith.constant 0 : i32
      %dma_wait3A_126 = tpu.memref_slice %arg3[%add3A, %dma_wait3A_123, %dma_wait3A_124, %dma_wait3A_125] : memref<32x2x40x128xi32, #tpu.memory_space<hbm>> -> memref<1x2x40x128xi32, #tpu.memory_space<hbm>>
      %dma_wait3A_127 = tpu.memref_squeeze %dma_wait3A_126 : memref<1x2x40x128xi32, #tpu.memory_space<hbm>> -> memref<2x40x128xi32, #tpu.memory_space<hbm>>
      tpu.wait_dma2 semaphore(%run_scoped3A : memref<!tpu.dma_semaphore, #tpu.memory_space<semaphore_mem>>) src(%dma_wait3A_127 : memref<2x40x128xi32, #tpu.memory_space<hbm>>) dst(%arg12 : memref<2x40x128xi32, #tpu.memory_space<vmem>>)
      tpu.yield
    }) : () -> ()
    "tpu.region"() ({
      %run_scoped3A = tpu.sem_alloc : memref<!tpu.dma_semaphore, #tpu.memory_space<semaphore_mem>>
      %dma_start3A_108 = arith.constant 0 : i32
      %dma_start3A_109 = arith.constant 0 : i32
      %dma_start3A_110 = arith.constant 0 : i32
      %dma_start3A_111 = tpu.memref_slice %arg4[%add3A, %dma_start3A_108, %dma_start3A_109, %dma_start3A_110] : memref<32x2x40x128xi32, #tpu.memory_space<hbm>> -> memref<1x2x40x128xi32, #tpu.memory_space<hbm>>
      %dma_start3A_112 = tpu.memref_squeeze %dma_start3A_111 : memref<1x2x40x128xi32, #tpu.memory_space<hbm>> -> memref<2x40x128xi32, #tpu.memory_space<hbm>>
      %dma_start3A_113 = arith.constant 0 : i32
      %dma_start3A_114 = arith.constant 0 : i32
      %dma_start3A_115 = arith.constant 0 : i32
      %dma_start3A_116 = tpu.memref_slice %arg4[%add3A, %dma_start3A_113, %dma_start3A_114, %dma_start3A_115] : memref<32x2x40x128xi32, #tpu.memory_space<hbm>> -> memref<1x2x40x128xi32, #tpu.memory_space<hbm>>
      %dma_start3A_117 = tpu.memref_squeeze %dma_start3A_116 : memref<1x2x40x128xi32, #tpu.memory_space<hbm>> -> memref<2x40x128xi32, #tpu.memory_space<hbm>>
      tpu.enqueue_dma source(%dma_start3A_117 : memref<2x40x128xi32, #tpu.memory_space<hbm>>) target(%arg13 : memref<2x40x128xi32, #tpu.memory_space<vmem>>) target_semaphore(%run_scoped3A : memref<!tpu.dma_semaphore, #tpu.memory_space<semaphore_mem>>)
      %dma_wait3A_118 = arith.constant 0 : i32
      %dma_wait3A_119 = arith.constant 0 : i32
      %dma_wait3A_120 = arith.constant 0 : i32
      %dma_wait3A_121 = tpu.memref_slice %arg4[%add3A, %dma_wait3A_118, %dma_wait3A_119, %dma_wait3A_120] : memref<32x2x40x128xi32, #tpu.memory_space<hbm>> -> memref<1x2x40x128xi32, #tpu.memory_space<hbm>>
      %dma_wait3A_122 = tpu.memref_squeeze %dma_wait3A_121 : memref<1x2x40x128xi32, #tpu.memory_space<hbm>> -> memref<2x40x128xi32, #tpu.memory_space<hbm>>
      %dma_wait3A_123 = arith.constant 0 : i32
      %dma_wait3A_124 = arith.constant 0 : i32
      %dma_wait3A_125 = arith.constant 0 : i32
      %dma_wait3A_126 = tpu.memref_slice %arg4[%add3A, %dma_wait3A_123, %dma_wait3A_124, %dma_wait3A_125] : memref<32x2x40x128xi32, #tpu.memory_space<hbm>> -> memref<1x2x40x128xi32, #tpu.memory_space<hbm>>
      %dma_wait3A_127 = tpu.memref_squeeze %dma_wait3A_126 : memref<1x2x40x128xi32, #tpu.memory_space<hbm>> -> memref<2x40x128xi32, #tpu.memory_space<hbm>>
      tpu.wait_dma2 semaphore(%run_scoped3A : memref<!tpu.dma_semaphore, #tpu.memory_space<semaphore_mem>>) src(%dma_wait3A_127 : memref<2x40x128xi32, #tpu.memory_space<hbm>>) dst(%arg13 : memref<2x40x128xi32, #tpu.memory_space<vmem>>)
      tpu.yield
    }) : () -> ()
    "tpu.region"() ({
      %run_scoped3A = tpu.sem_alloc : memref<!tpu.dma_semaphore, #tpu.memory_space<semaphore_mem>>
      %dma_start3A_108 = arith.constant 0 : i32
      %dma_start3A_109 = arith.constant 0 : i32
      %dma_start3A_110 = tpu.memref_slice %arg2[%add3A, %dma_start3A_108, %dma_start3A_109] : memref<32x4x80xi32, #tpu.memory_space<hbm>> -> memref<1x4x80xi32, #tpu.memory_space<hbm>>
      %dma_start3A_111 = tpu.memref_squeeze %dma_start3A_110 : memref<1x4x80xi32, #tpu.memory_space<hbm>> -> memref<4x80xi32, #tpu.memory_space<hbm>>
      %dma_start3A_112 = arith.constant 0 : i32
      %dma_start3A_113 = arith.constant 0 : i32
      %dma_start3A_114 = tpu.memref_slice %arg2[%add3A, %dma_start3A_112, %dma_start3A_113] : memref<32x4x80xi32, #tpu.memory_space<hbm>> -> memref<1x4x80xi32, #tpu.memory_space<hbm>>
      %dma_start3A_115 = tpu.memref_squeeze %dma_start3A_114 : memref<1x4x80xi32, #tpu.memory_space<hbm>> -> memref<4x80xi32, #tpu.memory_space<hbm>>
      tpu.enqueue_dma source(%dma_start3A_115 : memref<4x80xi32, #tpu.memory_space<hbm>>) target(%arg11 : memref<4x80xi32, #tpu.memory_space<vmem>>) target_semaphore(%run_scoped3A : memref<!tpu.dma_semaphore, #tpu.memory_space<semaphore_mem>>)
      %dma_wait3A_116 = arith.constant 0 : i32
      %dma_wait3A_117 = arith.constant 0 : i32
      %dma_wait3A_118 = tpu.memref_slice %arg2[%add3A, %dma_wait3A_116, %dma_wait3A_117] : memref<32x4x80xi32, #tpu.memory_space<hbm>> -> memref<1x4x80xi32, #tpu.memory_space<hbm>>
      %dma_wait3A_119 = tpu.memref_squeeze %dma_wait3A_118 : memref<1x4x80xi32, #tpu.memory_space<hbm>> -> memref<4x80xi32, #tpu.memory_space<hbm>>
      %dma_wait3A_120 = arith.constant 0 : i32
      %dma_wait3A_121 = arith.constant 0 : i32
      %dma_wait3A_122 = tpu.memref_slice %arg2[%add3A, %dma_wait3A_120, %dma_wait3A_121] : memref<32x4x80xi32, #tpu.memory_space<hbm>> -> memref<1x4x80xi32, #tpu.memory_space<hbm>>
      %dma_wait3A_123 = tpu.memref_squeeze %dma_wait3A_122 : memref<1x4x80xi32, #tpu.memory_space<hbm>> -> memref<4x80xi32, #tpu.memory_space<hbm>>
      tpu.wait_dma2 semaphore(%run_scoped3A : memref<!tpu.dma_semaphore, #tpu.memory_space<semaphore_mem>>) src(%dma_wait3A_123 : memref<4x80xi32, #tpu.memory_space<hbm>>) dst(%arg11 : memref<4x80xi32, #tpu.memory_space<vmem>>)
      tpu.yield
    }) : () -> ()
    "tpu.region"() ({
      %run_scoped3A = tpu.sem_alloc : memref<!tpu.dma_semaphore, #tpu.memory_space<semaphore_mem>>
      tpu.enqueue_dma source(%arg7 : memref<128xf32, #tpu.memory_space<hbm>>) target(%arg16 : memref<128xf32, #tpu.memory_space<vmem>>) target_semaphore(%run_scoped3A : memref<!tpu.dma_semaphore, #tpu.memory_space<semaphore_mem>>)
      tpu.wait_dma2 semaphore(%run_scoped3A : memref<!tpu.dma_semaphore, #tpu.memory_space<semaphore_mem>>) src(%arg7 : memref<128xf32, #tpu.memory_space<hbm>>) dst(%arg16 : memref<128xf32, #tpu.memory_space<vmem>>)
      tpu.yield
    }) : () -> ()
    %mul3A_1 = arith.constant 640 : i32
    %mul3A_2 = arith.muli %arg1, %mul3A_1 : i32
    %mul3A_3 = arith.constant 640 : i32
    %mul3A_4 = arith.muli %arg1, %mul3A_3 : i32
    "tpu.region"() ({
      %run_scoped3A = tpu.sem_alloc : memref<!tpu.dma_semaphore, #tpu.memory_space<semaphore_mem>>
      %dma_start3A_108 = tpu.memref_slice %arg17[%mul3A_4] : memref<10240xf32, #tpu.memory_space<vmem_shared>> -> memref<640xf32, #tpu.memory_space<vmem_shared>>
      %dma_start3A_109 = tpu.memref_slice %arg6[%mul3A_2] : memref<10240xf32, #tpu.memory_space<hbm>> -> memref<640xf32, #tpu.memory_space<hbm>>
      tpu.enqueue_dma source(%dma_start3A_109 : memref<640xf32, #tpu.memory_space<hbm>>) target(%dma_start3A_108 : memref<640xf32, #tpu.memory_space<vmem_shared>>) target_semaphore(%run_scoped3A : memref<!tpu.dma_semaphore, #tpu.memory_space<semaphore_mem>>)
      %dma_wait3A_110 = tpu.memref_slice %arg17[%mul3A_4] : memref<10240xf32, #tpu.memory_space<vmem_shared>> -> memref<640xf32, #tpu.memory_space<vmem_shared>>
      %dma_wait3A_111 = tpu.memref_slice %arg6[%mul3A_2] : memref<10240xf32, #tpu.memory_space<hbm>> -> memref<640xf32, #tpu.memory_space<hbm>>
      tpu.wait_dma2 semaphore(%run_scoped3A : memref<!tpu.dma_semaphore, #tpu.memory_space<semaphore_mem>>) src(%dma_wait3A_111 : memref<640xf32, #tpu.memory_space<hbm>>) dst(%dma_wait3A_110 : memref<640xf32, #tpu.memory_space<vmem_shared>>)
      tpu.yield
    }) : () -> ()
    %mul3A_5 = arith.constant 640 : i32
    %mul3A_6 = arith.muli %arg1, %mul3A_5 : i32
    %mul3A_7 = arith.constant 640 : i32
    %mul3A_8 = arith.muli %arg1, %mul3A_7 : i32
    "tpu.region"() ({
      %run_scoped3A = tpu.sem_alloc : memref<!tpu.dma_semaphore, #tpu.memory_space<semaphore_mem>>
      %dma_start3A_108 = tpu.memref_slice %arg18[%mul3A_8] : memref<10240xf32, #tpu.memory_space<vmem_shared>> -> memref<640xf32, #tpu.memory_space<vmem_shared>>
      %dma_start3A_109 = tpu.memref_slice %arg6[%mul3A_6] : memref<10240xf32, #tpu.memory_space<hbm>> -> memref<640xf32, #tpu.memory_space<hbm>>
      tpu.enqueue_dma source(%dma_start3A_109 : memref<640xf32, #tpu.memory_space<hbm>>) target(%dma_start3A_108 : memref<640xf32, #tpu.memory_space<vmem_shared>>) target_semaphore(%run_scoped3A : memref<!tpu.dma_semaphore, #tpu.memory_space<semaphore_mem>>)
      %dma_wait3A_110 = tpu.memref_slice %arg18[%mul3A_8] : memref<10240xf32, #tpu.memory_space<vmem_shared>> -> memref<640xf32, #tpu.memory_space<vmem_shared>>
      %dma_wait3A_111 = tpu.memref_slice %arg6[%mul3A_6] : memref<10240xf32, #tpu.memory_space<hbm>> -> memref<640xf32, #tpu.memory_space<hbm>>
      tpu.wait_dma2 semaphore(%run_scoped3A : memref<!tpu.dma_semaphore, #tpu.memory_space<semaphore_mem>>) src(%dma_wait3A_111 : memref<640xf32, #tpu.memory_space<hbm>>) dst(%dma_wait3A_110 : memref<640xf32, #tpu.memory_space<vmem_shared>>)
      tpu.yield
    }) : () -> ()
    %barrier3A = arith.constant 0 : index
    tpu.barrier barrier_id(%barrier3A)
    %scan3A = arith.constant 0 : i32
    %scan3A_9 = arith.constant 0 : i32
    %scan3A_10 = arith.constant 2 : i32
    %scan3A_11 = arith.addi %scan3A_9, %scan3A_10 : i32
    %scan3A_12 = arith.constant 1 : i32
    scf.for %scan3A_108 = %scan3A_9 to %scan3A_11 step %scan3A_12  : i32 {
      %scan3A_109 = arith.constant 0 : i32
      %scan3A_110 = arith.constant 0 : i32
      %scan3A_111 = arith.constant 40 : i32
      %scan3A_112 = arith.addi %scan3A_110, %scan3A_111 : i32
      %scan3A_113 = arith.constant 1 : i32
      scf.for %scan3A_115 = %scan3A_110 to %scan3A_112 step %scan3A_113  : i32 {
        %dma_start3A_116 = arith.constant 0 : i32
        %dma_start3A_117 = tpu.memref_slice %arg13[%scan3A_108, %scan3A_115, %dma_start3A_116] : memref<2x40x128xi32, #tpu.memory_space<vmem>> -> memref<1x1x128xi32, #tpu.memory_space<vmem>>
        %dma_start3A_118 = tpu.memref_squeeze %dma_start3A_117 : memref<1x1x128xi32, #tpu.memory_space<vmem>> -> memref<128xi32, #tpu.memory_space<vmem>>
        %dma_start3A_119 = arith.constant 0 : i32
        %dma_start3A_120 = tpu.memref_slice %arg17[%dma_start3A_119] : memref<10240xf32, #tpu.memory_space<vmem_shared>> -> memref<10240xf32, #tpu.memory_space<vmem_shared>>
        tpu.enqueue_indirect_dma source(%arg16 : memref<128xf32, #tpu.memory_space<vmem>>) target(%dma_start3A_120 : memref<10240xf32, #tpu.memory_space<vmem_shared>>) offsets(%dma_start3A_118 : memref<128xi32, #tpu.memory_space<vmem>>) semaphore(%arg21 : memref<!tpu.dma_semaphore, #tpu.memory_space<semaphore_mem>>) {add = true}
        %dma_start3A_121 = arith.constant 0 : i32
        %dma_start3A_122 = tpu.memref_slice %arg12[%scan3A_108, %scan3A_115, %dma_start3A_121] : memref<2x40x128xi32, #tpu.memory_space<vmem>> -> memref<1x1x128xi32, #tpu.memory_space<vmem>>
        %dma_start3A_123 = tpu.memref_squeeze %dma_start3A_122 : memref<1x1x128xi32, #tpu.memory_space<vmem>> -> memref<128xi32, #tpu.memory_space<vmem>>
        %dma_start3A_124 = arith.constant 0 : i32
        %dma_start3A_125 = tpu.memref_slice %arg18[%dma_start3A_124] : memref<10240xf32, #tpu.memory_space<vmem_shared>> -> memref<10240xf32, #tpu.memory_space<vmem_shared>>
        tpu.enqueue_indirect_dma source(%arg16 : memref<128xf32, #tpu.memory_space<vmem>>) target(%dma_start3A_125 : memref<10240xf32, #tpu.memory_space<vmem_shared>>) offsets(%dma_start3A_123 : memref<128xi32, #tpu.memory_space<vmem>>) semaphore(%arg22 : memref<!tpu.dma_semaphore, #tpu.memory_space<semaphore_mem>>) {add = true}
        %gt3A = arith.constant 0 : i32
        %gt3A_126 = arith.cmpi sgt, %scan3A_108, %gt3A : i32
        %gt3A_127 = arith.constant 0 : i32
        %gt3A_128 = arith.cmpi sgt, %scan3A_115, %gt3A_127 : i32
        %or3A = arith.ori %gt3A_126, %gt3A_128 : i1
        %convert_element_type3A = arith.extui %or3A : i1 to i32
        %cond3A = arith.constant 0 : i32
        %cond3A_129 = arith.cmpi ne, %convert_element_type3A, %cond3A : i32
        scf.if %cond3A_129 {
          %dma_wait3A_130 = arith.constant 0 : i32
          %dma_wait3A_131 = arith.constant 0 : i32
          %dma_wait3A_132 = arith.constant 0 : i32
          %dma_wait3A_133 = tpu.memref_slice %arg13[%dma_wait3A_130, %dma_wait3A_131, %dma_wait3A_132] : memref<2x40x128xi32, #tpu.memory_space<vmem>> -> memref<1x1x128xi32, #tpu.memory_space<vmem>>
          %dma_wait3A_134 = tpu.memref_squeeze %dma_wait3A_133 : memref<1x1x128xi32, #tpu.memory_space<vmem>> -> memref<128xi32, #tpu.memory_space<vmem>>
          %dma_wait3A_135 = arith.constant 0 : i32
          %dma_wait3A_136 = tpu.memref_slice %arg17[%dma_wait3A_135] : memref<10240xf32, #tpu.memory_space<vmem_shared>> -> memref<10240xf32, #tpu.memory_space<vmem_shared>>
          tpu.wait_indirect_dma semaphore(%arg21 : memref<!tpu.dma_semaphore, #tpu.memory_space<semaphore_mem>>) src(%arg16 : memref<128xf32, #tpu.memory_space<vmem>>) dst(%dma_wait3A_136 : memref<10240xf32, #tpu.memory_space<vmem_shared>>)
          %dma_wait3A_137 = arith.constant 0 : i32
          %dma_wait3A_138 = arith.constant 0 : i32
          %dma_wait3A_139 = arith.constant 0 : i32
          %dma_wait3A_140 = tpu.memref_slice %arg12[%dma_wait3A_137, %dma_wait3A_138, %dma_wait3A_139] : memref<2x40x128xi32, #tpu.memory_space<vmem>> -> memref<1x1x128xi32, #tpu.memory_space<vmem>>
          %dma_wait3A_141 = tpu.memref_squeeze %dma_wait3A_140 : memref<1x1x128xi32, #tpu.memory_space<vmem>> -> memref<128xi32, #tpu.memory_space<vmem>>
          %dma_wait3A_142 = arith.constant 0 : i32
          %dma_wait3A_143 = tpu.memref_slice %arg18[%dma_wait3A_142] : memref<10240xf32, #tpu.memory_space<vmem_shared>> -> memref<10240xf32, #tpu.memory_space<vmem_shared>>
          tpu.wait_indirect_dma semaphore(%arg22 : memref<!tpu.dma_semaphore, #tpu.memory_space<semaphore_mem>>) src(%arg16 : memref<128xf32, #tpu.memory_space<vmem>>) dst(%dma_wait3A_143 : memref<10240xf32, #tpu.memory_space<vmem_shared>>)
        } else {
        }
      }
      %scan3A_114 = arith.constant 40 : i32
    }
    %scan3A_13 = arith.constant 2 : i32
    %dma_wait3A = arith.constant 0 : i32
    %dma_wait3A_14 = arith.constant 0 : i32
    %dma_wait3A_15 = arith.constant 0 : i32
    %dma_wait3A_16 = tpu.memref_slice %arg13[%dma_wait3A, %dma_wait3A_14, %dma_wait3A_15] : memref<2x40x128xi32, #tpu.memory_space<vmem>> -> memref<1x1x128xi32, #tpu.memory_space<vmem>>
    %dma_wait3A_17 = tpu.memref_squeeze %dma_wait3A_16 : memref<1x1x128xi32, #tpu.memory_space<vmem>> -> memref<128xi32, #tpu.memory_space<vmem>>
    %dma_wait3A_18 = arith.constant 0 : i32
    %dma_wait3A_19 = tpu.memref_slice %arg17[%dma_wait3A_18] : memref<10240xf32, #tpu.memory_space<vmem_shared>> -> memref<10240xf32, #tpu.memory_space<vmem_shared>>
    tpu.wait_indirect_dma semaphore(%arg21 : memref<!tpu.dma_semaphore, #tpu.memory_space<semaphore_mem>>) src(%arg16 : memref<128xf32, #tpu.memory_space<vmem>>) dst(%dma_wait3A_19 : memref<10240xf32, #tpu.memory_space<vmem_shared>>)
    %dma_wait3A_20 = arith.constant 0 : i32
    %dma_wait3A_21 = arith.constant 0 : i32
    %dma_wait3A_22 = arith.constant 0 : i32
    %dma_wait3A_23 = tpu.memref_slice %arg12[%dma_wait3A_20, %dma_wait3A_21, %dma_wait3A_22] : memref<2x40x128xi32, #tpu.memory_space<vmem>> -> memref<1x1x128xi32, #tpu.memory_space<vmem>>
    %dma_wait3A_24 = tpu.memref_squeeze %dma_wait3A_23 : memref<1x1x128xi32, #tpu.memory_space<vmem>> -> memref<128xi32, #tpu.memory_space<vmem>>
    %dma_wait3A_25 = arith.constant 0 : i32
    %dma_wait3A_26 = tpu.memref_slice %arg18[%dma_wait3A_25] : memref<10240xf32, #tpu.memory_space<vmem_shared>> -> memref<10240xf32, #tpu.memory_space<vmem_shared>>
    tpu.wait_indirect_dma semaphore(%arg22 : memref<!tpu.dma_semaphore, #tpu.memory_space<semaphore_mem>>) src(%arg16 : memref<128xf32, #tpu.memory_space<vmem>>) dst(%dma_wait3A_26 : memref<10240xf32, #tpu.memory_space<vmem_shared>>)
    %dma_start3A = arith.constant 0 : i32
    %dma_start3A_27 = arith.constant 0 : i32
    %dma_start3A_28 = tpu.memref_slice %arg11[%dma_start3A, %dma_start3A_27] : memref<4x80xi32, #tpu.memory_space<vmem>> -> memref<1x80xi32, #tpu.memory_space<vmem>>
    %dma_start3A_29 = tpu.memref_squeeze %dma_start3A_28 : memref<1x80xi32, #tpu.memory_space<vmem>> -> memref<80xi32, #tpu.memory_space<vmem>>
    %dma_start3A_30 = arith.constant 0 : i32
    %dma_start3A_31 = arith.constant 0 : i32
    %dma_start3A_32 = tpu.memref_slice %arg5[%dma_start3A_30, %dma_start3A_31] : memref<100000x128xf32, #tpu.memory_space<hbm>> -> memref<100000x128xf32, #tpu.memory_space<hbm>>
    tpu.enqueue_indirect_dma source(%dma_start3A_32 : memref<100000x128xf32, #tpu.memory_space<hbm>>) target(%arg14 : memref<80x128xf32, #tpu.memory_space<vmem>>) offsets(%dma_start3A_29 : memref<80xi32, #tpu.memory_space<vmem>>) semaphore(%arg19 : memref<!tpu.dma_semaphore, #tpu.memory_space<semaphore_mem>>)
    %dma_start3A_33 = arith.constant 1 : i32
    %dma_start3A_34 = arith.constant 0 : i32
    %dma_start3A_35 = tpu.memref_slice %arg11[%dma_start3A_33, %dma_start3A_34] : memref<4x80xi32, #tpu.memory_space<vmem>> -> memref<1x80xi32, #tpu.memory_space<vmem>>
    %dma_start3A_36 = tpu.memref_squeeze %dma_start3A_35 : memref<1x80xi32, #tpu.memory_space<vmem>> -> memref<80xi32, #tpu.memory_space<vmem>>
    %dma_start3A_37 = arith.constant 0 : i32
    %dma_start3A_38 = arith.constant 0 : i32
    %dma_start3A_39 = tpu.memref_slice %arg5[%dma_start3A_37, %dma_start3A_38] : memref<100000x128xf32, #tpu.memory_space<hbm>> -> memref<100000x128xf32, #tpu.memory_space<hbm>>
    tpu.enqueue_indirect_dma source(%dma_start3A_39 : memref<100000x128xf32, #tpu.memory_space<hbm>>) target(%arg15 : memref<80x128xf32, #tpu.memory_space<vmem>>) offsets(%dma_start3A_36 : memref<80xi32, #tpu.memory_space<vmem>>) semaphore(%arg20 : memref<!tpu.dma_semaphore, #tpu.memory_space<semaphore_mem>>)
    %dma_wait3A_40 = arith.constant 0 : i32
    %dma_wait3A_41 = arith.constant 0 : i32
    %dma_wait3A_42 = tpu.memref_slice %arg11[%dma_wait3A_40, %dma_wait3A_41] : memref<4x80xi32, #tpu.memory_space<vmem>> -> memref<1x80xi32, #tpu.memory_space<vmem>>
    %dma_wait3A_43 = tpu.memref_squeeze %dma_wait3A_42 : memref<1x80xi32, #tpu.memory_space<vmem>> -> memref<80xi32, #tpu.memory_space<vmem>>
    %dma_wait3A_44 = arith.constant 0 : i32
    %dma_wait3A_45 = arith.constant 0 : i32
    %dma_wait3A_46 = tpu.memref_slice %arg5[%dma_wait3A_44, %dma_wait3A_45] : memref<100000x128xf32, #tpu.memory_space<hbm>> -> memref<100000x128xf32, #tpu.memory_space<hbm>>
    tpu.wait_indirect_dma semaphore(%arg19 : memref<!tpu.dma_semaphore, #tpu.memory_space<semaphore_mem>>) src(%dma_wait3A_46 : memref<100000x128xf32, #tpu.memory_space<hbm>>) dst(%arg14 : memref<80x128xf32, #tpu.memory_space<vmem>>)
    %mul3A_47 = arith.constant 320 : i32
    %mul3A_48 = arith.muli %add3A, %mul3A_47 : i32
    %add3A_49 = arith.constant 0 : i32
    %add3A_50 = arith.addi %mul3A_48, %add3A_49 : i32
    "tpu.region"() ({
      %run_scoped3A = tpu.sem_alloc : memref<!tpu.dma_semaphore, #tpu.memory_space<semaphore_mem>>
      %dma_start3A_108 = arith.constant 0 : i32
      %dma_start3A_109 = tpu.memref_slice %arg8[%add3A_50, %dma_start3A_108] : memref<10240x128xf32, #tpu.memory_space<hbm>> -> memref<80x128xf32, #tpu.memory_space<hbm>>
      %dma_start3A_110 = arith.constant 0 : i32
      %dma_start3A_111 = tpu.memref_slice %arg8[%add3A_50, %dma_start3A_110] : memref<10240x128xf32, #tpu.memory_space<hbm>> -> memref<80x128xf32, #tpu.memory_space<hbm>>
      tpu.enqueue_dma source(%arg14 : memref<80x128xf32, #tpu.memory_space<vmem>>) target(%dma_start3A_111 : memref<80x128xf32, #tpu.memory_space<hbm>>) target_semaphore(%run_scoped3A : memref<!tpu.dma_semaphore, #tpu.memory_space<semaphore_mem>>)
      %dma_wait3A_112 = arith.constant 0 : i32
      %dma_wait3A_113 = tpu.memref_slice %arg8[%add3A_50, %dma_wait3A_112] : memref<10240x128xf32, #tpu.memory_space<hbm>> -> memref<80x128xf32, #tpu.memory_space<hbm>>
      %dma_wait3A_114 = arith.constant 0 : i32
      %dma_wait3A_115 = tpu.memref_slice %arg8[%add3A_50, %dma_wait3A_114] : memref<10240x128xf32, #tpu.memory_space<hbm>> -> memref<80x128xf32, #tpu.memory_space<hbm>>
      tpu.wait_dma2 semaphore(%run_scoped3A : memref<!tpu.dma_semaphore, #tpu.memory_space<semaphore_mem>>) src(%arg14 : memref<80x128xf32, #tpu.memory_space<vmem>>) dst(%dma_wait3A_115 : memref<80x128xf32, #tpu.memory_space<hbm>>)
      tpu.yield
    }) : () -> ()
    %dma_start3A_51 = arith.constant 2 : i32
    %dma_start3A_52 = arith.constant 0 : i32
    %dma_start3A_53 = tpu.memref_slice %arg11[%dma_start3A_51, %dma_start3A_52] : memref<4x80xi32, #tpu.memory_space<vmem>> -> memref<1x80xi32, #tpu.memory_space<vmem>>
    %dma_start3A_54 = tpu.memref_squeeze %dma_start3A_53 : memref<1x80xi32, #tpu.memory_space<vmem>> -> memref<80xi32, #tpu.memory_space<vmem>>
    %dma_start3A_55 = arith.constant 0 : i32
    %dma_start3A_56 = arith.constant 0 : i32
    %dma_start3A_57 = tpu.memref_slice %arg5[%dma_start3A_55, %dma_start3A_56] : memref<100000x128xf32, #tpu.memory_space<hbm>> -> memref<100000x128xf32, #tpu.memory_space<hbm>>
    tpu.enqueue_indirect_dma source(%dma_start3A_57 : memref<100000x128xf32, #tpu.memory_space<hbm>>) target(%arg14 : memref<80x128xf32, #tpu.memory_space<vmem>>) offsets(%dma_start3A_54 : memref<80xi32, #tpu.memory_space<vmem>>) semaphore(%arg19 : memref<!tpu.dma_semaphore, #tpu.memory_space<semaphore_mem>>)
    %dma_wait3A_58 = arith.constant 0 : i32
    %dma_wait3A_59 = arith.constant 0 : i32
    %dma_wait3A_60 = tpu.memref_slice %arg11[%dma_wait3A_58, %dma_wait3A_59] : memref<4x80xi32, #tpu.memory_space<vmem>> -> memref<1x80xi32, #tpu.memory_space<vmem>>
    %dma_wait3A_61 = tpu.memref_squeeze %dma_wait3A_60 : memref<1x80xi32, #tpu.memory_space<vmem>> -> memref<80xi32, #tpu.memory_space<vmem>>
    %dma_wait3A_62 = arith.constant 0 : i32
    %dma_wait3A_63 = arith.constant 0 : i32
    %dma_wait3A_64 = tpu.memref_slice %arg5[%dma_wait3A_62, %dma_wait3A_63] : memref<100000x128xf32, #tpu.memory_space<hbm>> -> memref<100000x128xf32, #tpu.memory_space<hbm>>
    tpu.wait_indirect_dma semaphore(%arg20 : memref<!tpu.dma_semaphore, #tpu.memory_space<semaphore_mem>>) src(%dma_wait3A_64 : memref<100000x128xf32, #tpu.memory_space<hbm>>) dst(%arg15 : memref<80x128xf32, #tpu.memory_space<vmem>>)
    %mul3A_65 = arith.constant 320 : i32
    %mul3A_66 = arith.muli %add3A, %mul3A_65 : i32
    %add3A_67 = arith.constant 80 : i32
    %add3A_68 = arith.addi %mul3A_66, %add3A_67 : i32
    "tpu.region"() ({
      %run_scoped3A = tpu.sem_alloc : memref<!tpu.dma_semaphore, #tpu.memory_space<semaphore_mem>>
      %dma_start3A_108 = arith.constant 0 : i32
      %dma_start3A_109 = tpu.memref_slice %arg8[%add3A_68, %dma_start3A_108] : memref<10240x128xf32, #tpu.memory_space<hbm>> -> memref<80x128xf32, #tpu.memory_space<hbm>>
      %dma_start3A_110 = arith.constant 0 : i32
      %dma_start3A_111 = tpu.memref_slice %arg8[%add3A_68, %dma_start3A_110] : memref<10240x128xf32, #tpu.memory_space<hbm>> -> memref<80x128xf32, #tpu.memory_space<hbm>>
      tpu.enqueue_dma source(%arg15 : memref<80x128xf32, #tpu.memory_space<vmem>>) target(%dma_start3A_111 : memref<80x128xf32, #tpu.memory_space<hbm>>) target_semaphore(%run_scoped3A : memref<!tpu.dma_semaphore, #tpu.memory_space<semaphore_mem>>)
      %dma_wait3A_112 = arith.constant 0 : i32
      %dma_wait3A_113 = tpu.memref_slice %arg8[%add3A_68, %dma_wait3A_112] : memref<10240x128xf32, #tpu.memory_space<hbm>> -> memref<80x128xf32, #tpu.memory_space<hbm>>
      %dma_wait3A_114 = arith.constant 0 : i32
      %dma_wait3A_115 = tpu.memref_slice %arg8[%add3A_68, %dma_wait3A_114] : memref<10240x128xf32, #tpu.memory_space<hbm>> -> memref<80x128xf32, #tpu.memory_space<hbm>>
      tpu.wait_dma2 semaphore(%run_scoped3A : memref<!tpu.dma_semaphore, #tpu.memory_space<semaphore_mem>>) src(%arg15 : memref<80x128xf32, #tpu.memory_space<vmem>>) dst(%dma_wait3A_115 : memref<80x128xf32, #tpu.memory_space<hbm>>)
      tpu.yield
    }) : () -> ()
    %dma_start3A_69 = arith.constant 3 : i32
    %dma_start3A_70 = arith.constant 0 : i32
    %dma_start3A_71 = tpu.memref_slice %arg11[%dma_start3A_69, %dma_start3A_70] : memref<4x80xi32, #tpu.memory_space<vmem>> -> memref<1x80xi32, #tpu.memory_space<vmem>>
    %dma_start3A_72 = tpu.memref_squeeze %dma_start3A_71 : memref<1x80xi32, #tpu.memory_space<vmem>> -> memref<80xi32, #tpu.memory_space<vmem>>
    %dma_start3A_73 = arith.constant 0 : i32
    %dma_start3A_74 = arith.constant 0 : i32
    %dma_start3A_75 = tpu.memref_slice %arg5[%dma_start3A_73, %dma_start3A_74] : memref<100000x128xf32, #tpu.memory_space<hbm>> -> memref<100000x128xf32, #tpu.memory_space<hbm>>
    tpu.enqueue_indirect_dma source(%dma_start3A_75 : memref<100000x128xf32, #tpu.memory_space<hbm>>) target(%arg15 : memref<80x128xf32, #tpu.memory_space<vmem>>) offsets(%dma_start3A_72 : memref<80xi32, #tpu.memory_space<vmem>>) semaphore(%arg20 : memref<!tpu.dma_semaphore, #tpu.memory_space<semaphore_mem>>)
    %dma_wait3A_76 = arith.constant 0 : i32
    %dma_wait3A_77 = arith.constant 0 : i32
    %dma_wait3A_78 = tpu.memref_slice %arg11[%dma_wait3A_76, %dma_wait3A_77] : memref<4x80xi32, #tpu.memory_space<vmem>> -> memref<1x80xi32, #tpu.memory_space<vmem>>
    %dma_wait3A_79 = tpu.memref_squeeze %dma_wait3A_78 : memref<1x80xi32, #tpu.memory_space<vmem>> -> memref<80xi32, #tpu.memory_space<vmem>>
    %dma_wait3A_80 = arith.constant 0 : i32
    %dma_wait3A_81 = arith.constant 0 : i32
    %dma_wait3A_82 = tpu.memref_slice %arg5[%dma_wait3A_80, %dma_wait3A_81] : memref<100000x128xf32, #tpu.memory_space<hbm>> -> memref<100000x128xf32, #tpu.memory_space<hbm>>
    tpu.wait_indirect_dma semaphore(%arg19 : memref<!tpu.dma_semaphore, #tpu.memory_space<semaphore_mem>>) src(%dma_wait3A_82 : memref<100000x128xf32, #tpu.memory_space<hbm>>) dst(%arg14 : memref<80x128xf32, #tpu.memory_space<vmem>>)
    %mul3A_83 = arith.constant 320 : i32
    %mul3A_84 = arith.muli %add3A, %mul3A_83 : i32
    %add3A_85 = arith.constant 160 : i32
    %add3A_86 = arith.addi %mul3A_84, %add3A_85 : i32
    "tpu.region"() ({
      %run_scoped3A = tpu.sem_alloc : memref<!tpu.dma_semaphore, #tpu.memory_space<semaphore_mem>>
      %dma_start3A_108 = arith.constant 0 : i32
      %dma_start3A_109 = tpu.memref_slice %arg8[%add3A_86, %dma_start3A_108] : memref<10240x128xf32, #tpu.memory_space<hbm>> -> memref<80x128xf32, #tpu.memory_space<hbm>>
      %dma_start3A_110 = arith.constant 0 : i32
      %dma_start3A_111 = tpu.memref_slice %arg8[%add3A_86, %dma_start3A_110] : memref<10240x128xf32, #tpu.memory_space<hbm>> -> memref<80x128xf32, #tpu.memory_space<hbm>>
      tpu.enqueue_dma source(%arg14 : memref<80x128xf32, #tpu.memory_space<vmem>>) target(%dma_start3A_111 : memref<80x128xf32, #tpu.memory_space<hbm>>) target_semaphore(%run_scoped3A : memref<!tpu.dma_semaphore, #tpu.memory_space<semaphore_mem>>)
      %dma_wait3A_112 = arith.constant 0 : i32
      %dma_wait3A_113 = tpu.memref_slice %arg8[%add3A_86, %dma_wait3A_112] : memref<10240x128xf32, #tpu.memory_space<hbm>> -> memref<80x128xf32, #tpu.memory_space<hbm>>
      %dma_wait3A_114 = arith.constant 0 : i32
      %dma_wait3A_115 = tpu.memref_slice %arg8[%add3A_86, %dma_wait3A_114] : memref<10240x128xf32, #tpu.memory_space<hbm>> -> memref<80x128xf32, #tpu.memory_space<hbm>>
      tpu.wait_dma2 semaphore(%run_scoped3A : memref<!tpu.dma_semaphore, #tpu.memory_space<semaphore_mem>>) src(%arg14 : memref<80x128xf32, #tpu.memory_space<vmem>>) dst(%dma_wait3A_115 : memref<80x128xf32, #tpu.memory_space<hbm>>)
      tpu.yield
    }) : () -> ()
    %dma_wait3A_87 = arith.constant 0 : i32
    %dma_wait3A_88 = arith.constant 0 : i32
    %dma_wait3A_89 = tpu.memref_slice %arg11[%dma_wait3A_87, %dma_wait3A_88] : memref<4x80xi32, #tpu.memory_space<vmem>> -> memref<1x80xi32, #tpu.memory_space<vmem>>
    %dma_wait3A_90 = tpu.memref_squeeze %dma_wait3A_89 : memref<1x80xi32, #tpu.memory_space<vmem>> -> memref<80xi32, #tpu.memory_space<vmem>>
    %dma_wait3A_91 = arith.constant 0 : i32
    %dma_wait3A_92 = arith.constant 0 : i32
    %dma_wait3A_93 = tpu.memref_slice %arg5[%dma_wait3A_91, %dma_wait3A_92] : memref<100000x128xf32, #tpu.memory_space<hbm>> -> memref<100000x128xf32, #tpu.memory_space<hbm>>
    tpu.wait_indirect_dma semaphore(%arg20 : memref<!tpu.dma_semaphore, #tpu.memory_space<semaphore_mem>>) src(%dma_wait3A_93 : memref<100000x128xf32, #tpu.memory_space<hbm>>) dst(%arg15 : memref<80x128xf32, #tpu.memory_space<vmem>>)
    %mul3A_94 = arith.constant 320 : i32
    %mul3A_95 = arith.muli %add3A, %mul3A_94 : i32
    %add3A_96 = arith.constant 240 : i32
    %add3A_97 = arith.addi %mul3A_95, %add3A_96 : i32
    "tpu.region"() ({
      %run_scoped3A = tpu.sem_alloc : memref<!tpu.dma_semaphore, #tpu.memory_space<semaphore_mem>>
      %dma_start3A_108 = arith.constant 0 : i32
      %dma_start3A_109 = tpu.memref_slice %arg8[%add3A_97, %dma_start3A_108] : memref<10240x128xf32, #tpu.memory_space<hbm>> -> memref<80x128xf32, #tpu.memory_space<hbm>>
      %dma_start3A_110 = arith.constant 0 : i32
      %dma_start3A_111 = tpu.memref_slice %arg8[%add3A_97, %dma_start3A_110] : memref<10240x128xf32, #tpu.memory_space<hbm>> -> memref<80x128xf32, #tpu.memory_space<hbm>>
      tpu.enqueue_dma source(%arg15 : memref<80x128xf32, #tpu.memory_space<vmem>>) target(%dma_start3A_111 : memref<80x128xf32, #tpu.memory_space<hbm>>) target_semaphore(%run_scoped3A : memref<!tpu.dma_semaphore, #tpu.memory_space<semaphore_mem>>)
      %dma_wait3A_112 = arith.constant 0 : i32
      %dma_wait3A_113 = tpu.memref_slice %arg8[%add3A_97, %dma_wait3A_112] : memref<10240x128xf32, #tpu.memory_space<hbm>> -> memref<80x128xf32, #tpu.memory_space<hbm>>
      %dma_wait3A_114 = arith.constant 0 : i32
      %dma_wait3A_115 = tpu.memref_slice %arg8[%add3A_97, %dma_wait3A_114] : memref<10240x128xf32, #tpu.memory_space<hbm>> -> memref<80x128xf32, #tpu.memory_space<hbm>>
      tpu.wait_dma2 semaphore(%run_scoped3A : memref<!tpu.dma_semaphore, #tpu.memory_space<semaphore_mem>>) src(%arg15 : memref<80x128xf32, #tpu.memory_space<vmem>>) dst(%dma_wait3A_115 : memref<80x128xf32, #tpu.memory_space<hbm>>)
      tpu.yield
    }) : () -> ()
    %barrier3A_98 = arith.constant 0 : index
    tpu.barrier barrier_id(%barrier3A_98)
    %mul3A_99 = arith.constant 10240 : i32
    %mul3A_100 = arith.muli %arg0, %mul3A_99 : i32
    %mul3A_101 = arith.constant 640 : i32
    %mul3A_102 = arith.muli %arg1, %mul3A_101 : i32
    %add3A_103 = arith.addi %mul3A_100, %mul3A_102 : i32
    %mul3A_104 = arith.constant 640 : i32
    %mul3A_105 = arith.muli %arg1, %mul3A_104 : i32
    "tpu.region"() ({
      %run_scoped3A = tpu.sem_alloc : memref<!tpu.dma_semaphore, #tpu.memory_space<semaphore_mem>>
      %dma_start3A_108 = tpu.memref_slice %arg9[%add3A_103] : memref<20480xf32, #tpu.memory_space<hbm>> -> memref<640xf32, #tpu.memory_space<hbm>>
      %dma_start3A_109 = tpu.memref_slice %arg17[%mul3A_105] : memref<10240xf32, #tpu.memory_space<vmem_shared>> -> memref<640xf32, #tpu.memory_space<vmem_shared>>
      tpu.enqueue_dma source(%dma_start3A_109 : memref<640xf32, #tpu.memory_space<vmem_shared>>) target(%dma_start3A_108 : memref<640xf32, #tpu.memory_space<hbm>>) target_semaphore(%run_scoped3A : memref<!tpu.dma_semaphore, #tpu.memory_space<semaphore_mem>>)
      %dma_wait3A_110 = tpu.memref_slice %arg9[%add3A_103] : memref<20480xf32, #tpu.memory_space<hbm>> -> memref<640xf32, #tpu.memory_space<hbm>>
      %dma_wait3A_111 = tpu.memref_slice %arg17[%mul3A_105] : memref<10240xf32, #tpu.memory_space<vmem_shared>> -> memref<640xf32, #tpu.memory_space<vmem_shared>>
      tpu.wait_dma2 semaphore(%run_scoped3A : memref<!tpu.dma_semaphore, #tpu.memory_space<semaphore_mem>>) src(%dma_wait3A_111 : memref<640xf32, #tpu.memory_space<vmem_shared>>) dst(%dma_wait3A_110 : memref<640xf32, #tpu.memory_space<hbm>>)
      tpu.yield
    }) : () -> ()
    %mul3A_106 = arith.constant 640 : i32
    %mul3A_107 = arith.muli %arg1, %mul3A_106 : i32
    "tpu.region"() ({
      %run_scoped3A = tpu.sem_alloc : memref<!tpu.dma_semaphore, #tpu.memory_space<semaphore_mem>>
      %dma_start3A_108 = tpu.memref_slice %arg10[%add3A_103] : memref<20480xf32, #tpu.memory_space<hbm>> -> memref<640xf32, #tpu.memory_space<hbm>>
      %dma_start3A_109 = tpu.memref_slice %arg18[%mul3A_107] : memref<10240xf32, #tpu.memory_space<vmem_shared>> -> memref<640xf32, #tpu.memory_space<vmem_shared>>
      tpu.enqueue_dma source(%dma_start3A_109 : memref<640xf32, #tpu.memory_space<vmem_shared>>) target(%dma_start3A_108 : memref<640xf32, #tpu.memory_space<hbm>>) target_semaphore(%run_scoped3A : memref<!tpu.dma_semaphore, #tpu.memory_space<semaphore_mem>>)
      %dma_wait3A_110 = tpu.memref_slice %arg10[%add3A_103] : memref<20480xf32, #tpu.memory_space<hbm>> -> memref<640xf32, #tpu.memory_space<hbm>>
      %dma_wait3A_111 = tpu.memref_slice %arg18[%mul3A_107] : memref<10240xf32, #tpu.memory_space<vmem_shared>> -> memref<640xf32, #tpu.memory_space<vmem_shared>>
      tpu.wait_dma2 semaphore(%run_scoped3A : memref<!tpu.dma_semaphore, #tpu.memory_space<semaphore_mem>>) src(%dma_wait3A_111 : memref<640xf32, #tpu.memory_space<vmem_shared>>) dst(%dma_wait3A_110 : memref<640xf32, #tpu.memory_space<hbm>>)
      tpu.yield
    }) : () -> ()
    return
  }
}

module attributes {stable_mosaic.version = 14 : i64} {
  func.func @_dis_body(%arg0: memref<2x10240xf32, #tpu.memory_space<vmem>>, %arg1: memref<2x10240xf32, #tpu.memory_space<vmem>>, %arg2: memref<1x10240xf32, #tpu.memory_space<vmem>>, %arg3: memref<1x10240xf32, #tpu.memory_space<vmem>>) attributes {dimension_semantics = [], scalar_prefetch = 0 : i64, scratch_operands = 0 : i64, tpu.core_type = #tpu.core_type<tc>} {
    %get3A = arith.constant 0 : index
    %get3A_0 = arith.constant 0 : index
    %get3A_1 = vector.load %arg0[%get3A, %get3A_0] : memref<2x10240xf32, #tpu.memory_space<vmem>>, vector<1x10240xf32>
    %get3A_2 = arith.constant 1 : index
    %get3A_3 = arith.constant 0 : index
    %get3A_4 = vector.load %arg0[%get3A_2, %get3A_3] : memref<2x10240xf32, #tpu.memory_space<vmem>>, vector<1x10240xf32>
    %add3A = arith.addf %get3A_1, %get3A_4 : vector<1x10240xf32>
    %add3A_5 = arith.constant 1.000000e+00 : f32
    %add3A_6 = vector.broadcast %add3A_5 : f32 to vector<1x10240xf32>
    %add3A_7 = arith.addf %add3A, %add3A_6 : vector<1x10240xf32>
    %rsqrt3A = math.rsqrt %add3A_7 : vector<1x10240xf32>
    %swap3A = arith.constant 0 : index
    %swap3A_8 = arith.constant 0 : index
    %swap3A_9 = vector.load %arg2[%swap3A, %swap3A_8] : memref<1x10240xf32, #tpu.memory_space<vmem>>, vector<1x10240xf32>
    tpu.vector_store %arg2[%swap3A, %swap3A_8], %rsqrt3A {strides = array<i32>} : memref<1x10240xf32, #tpu.memory_space<vmem>>, vector<1x10240xf32>,
    %get3A_10 = arith.constant 0 : index
    %get3A_11 = arith.constant 0 : index
    %get3A_12 = vector.load %arg1[%get3A_10, %get3A_11] : memref<2x10240xf32, #tpu.memory_space<vmem>>, vector<1x10240xf32>
    %get3A_13 = arith.constant 1 : index
    %get3A_14 = arith.constant 0 : index
    %get3A_15 = vector.load %arg1[%get3A_13, %get3A_14] : memref<2x10240xf32, #tpu.memory_space<vmem>>, vector<1x10240xf32>
    %add3A_16 = arith.addf %get3A_12, %get3A_15 : vector<1x10240xf32>
    %add3A_17 = arith.constant 1.000000e+00 : f32
    %add3A_18 = vector.broadcast %add3A_17 : f32 to vector<1x10240xf32>
    %add3A_19 = arith.addf %add3A_16, %add3A_18 : vector<1x10240xf32>
    %rsqrt3A_20 = math.rsqrt %add3A_19 : vector<1x10240xf32>
    %swap3A_21 = arith.constant 0 : index
    %swap3A_22 = arith.constant 0 : index
    %swap3A_23 = vector.load %arg3[%swap3A_21, %swap3A_22] : memref<1x10240xf32, #tpu.memory_space<vmem>>, vector<1x10240xf32>
    tpu.vector_store %arg3[%swap3A_21, %swap3A_22], %rsqrt3A_20 {strides = array<i32>} : memref<1x10240xf32, #tpu.memory_space<vmem>>, vector<1x10240xf32>,
    return
  }
}

module attributes {stable_mosaic.version = 14 : i64} {
  func.func @_fused0_body(%arg0: i32, %arg1: memref<1000x128xf32, #tpu.memory_space<vmem>>, %arg2: memref<128x128xf32, #tpu.memory_space<vmem>>, %arg3: memref<1x128xf32, #tpu.memory_space<vmem>>, %arg4: memref<128x128xf32, #tpu.memory_space<vmem>>, %arg5: memref<1000x1xf32, #tpu.memory_space<vmem>>, %arg6: memref<128x128xf32, #tpu.memory_space<vmem>>, %arg7: memref<1x128xf32, #tpu.memory_space<vmem>>, %arg8: memref<128x128xf32, #tpu.memory_space<vmem>>, %arg9: memref<1000x1xf32, #tpu.memory_space<vmem>>, %arg10: memref<1000x128xf32, #tpu.memory_space<vmem>>, %arg11: memref<1000x128xf32, #tpu.memory_space<vmem>>) attributes {dimension_semantics = [#tpu.dimension_semantics<arbitrary>], iteration_bounds = array<i64: 10>, scalar_prefetch = 0 : i64, scratch_operands = 0 : i64, tpu.core_type = #tpu.core_type<tc>, window_params = [{transform_indices = @transform_0, window_bounds = array<i64: 1000, 128>}, {pipeline_mode = #tpu.pipeline_mode<synchronous>, transform_indices = @transform_1, window_bounds = array<i64: 128, 128>}, {pipeline_mode = #tpu.pipeline_mode<synchronous>, transform_indices = @transform_2, window_bounds = array<i64: 1, 128>}, {pipeline_mode = #tpu.pipeline_mode<synchronous>, transform_indices = @transform_3, window_bounds = array<i64: 128, 128>}, {transform_indices = @transform_4, window_bounds = array<i64: 1000, 1>}, {pipeline_mode = #tpu.pipeline_mode<synchronous>, transform_indices = @transform_5, window_bounds = array<i64: 128, 128>}, {pipeline_mode = #tpu.pipeline_mode<synchronous>, transform_indices = @transform_6, window_bounds = array<i64: 1, 128>}, {pipeline_mode = #tpu.pipeline_mode<synchronous>, transform_indices = @transform_7, window_bounds = array<i64: 128, 128>}, {transform_indices = @transform_8, window_bounds = array<i64: 1000, 1>}, {transform_indices = @transform_9, window_bounds = array<i64: 1000, 128>}, {transform_indices = @transform_10, window_bounds = array<i64: 1000, 128>}]} {
    %get3A = arith.constant 0 : index
    %get3A_0 = arith.constant 0 : index
    %get3A_1 = vector.load %arg1[%get3A, %get3A_0] : memref<1000x128xf32, #tpu.memory_space<vmem>>, vector<1000x128xf32>
    %get3A_2 = arith.constant 0 : index
    %get3A_3 = arith.constant 0 : index
    %get3A_4 = vector.load %arg5[%get3A_2, %get3A_3] : memref<1000x1xf32, #tpu.memory_space<vmem>>, vector<1000x1xf32>
    %get3A_5 = arith.constant 0 : index
    %get3A_6 = arith.constant 0 : index
    %get3A_7 = vector.load %arg2[%get3A_5, %get3A_6] : memref<128x128xf32, #tpu.memory_space<vmem>>, vector<128x128xf32>
    %dot_general3A = arith.constant dense<0.000000e+00> : vector<1000x128xf32>
    %dot_general3A_8 = tpu.matmul %get3A_1, %get3A_7, %dot_general3A {dimension_numbers = #tpu.dot_dimension_numbers<[1], [0], [0], [1], [0, 0, 1, 1], [], []>, transpose_lhs_hint = false} : vector<1000x128xf32>, vector<128x128xf32>, vector<1000x128xf32> -> vector<1000x128xf32>
    %get3A_9 = arith.constant 0 : index
    %get3A_10 = arith.constant 0 : index
    %get3A_11 = vector.load %arg3[%get3A_9, %get3A_10] : memref<1x128xf32, #tpu.memory_space<vmem>>, vector<1x128xf32>
    %add3A = vector.broadcast %get3A_11 : vector<1x128xf32> to vector<1000x128xf32>
    %add3A_12 = arith.addf %dot_general3A_8, %add3A : vector<1000x128xf32>
    %max3A = arith.constant 0.000000e+00 : f32
    %max3A_13 = vector.broadcast %max3A : f32 to vector<1000x128xf32>
    %max3A_14 = arith.maximumf %add3A_12, %max3A_13 : vector<1000x128xf32>
    %get3A_15 = arith.constant 0 : index
    %get3A_16 = arith.constant 0 : index
    %get3A_17 = vector.load %arg4[%get3A_15, %get3A_16] : memref<128x128xf32, #tpu.memory_space<vmem>>, vector<128x128xf32>
    %dot_general3A_18 = arith.constant dense<0.000000e+00> : vector<1000x128xf32>
    %dot_general3A_19 = tpu.matmul %max3A_14, %get3A_17, %dot_general3A_18 {dimension_numbers = #tpu.dot_dimension_numbers<[1], [0], [0], [1], [0, 0, 1, 1], [], []>, transpose_lhs_hint = false} : vector<1000x128xf32>, vector<128x128xf32>, vector<1000x128xf32> -> vector<1000x128xf32>
    %mul3A = vector.broadcast %get3A_4 : vector<1000x1xf32> to vector<1000x128xf32>
    %mul3A_20 = arith.mulf %dot_general3A_19, %mul3A : vector<1000x128xf32>
    %swap3A = arith.constant 0 : index
    %swap3A_21 = arith.constant 0 : index
    %swap3A_22 = vector.load %arg10[%swap3A, %swap3A_21] : memref<1000x128xf32, #tpu.memory_space<vmem>>, vector<1000x128xf32>
    tpu.vector_store %arg10[%swap3A, %swap3A_21], %mul3A_20 {strides = array<i32>} : memref<1000x128xf32, #tpu.memory_space<vmem>>, vector<1000x128xf32>,
    %get3A_23 = arith.constant 0 : index
    %get3A_24 = arith.constant 0 : index
    %get3A_25 = vector.load %arg9[%get3A_23, %get3A_24] : memref<1000x1xf32, #tpu.memory_space<vmem>>, vector<1000x1xf32>
    %get3A_26 = arith.constant 0 : index
    %get3A_27 = arith.constant 0 : index
    %get3A_28 = vector.load %arg6[%get3A_26, %get3A_27] : memref<128x128xf32, #tpu.memory_space<vmem>>, vector<128x128xf32>
    %dot_general3A_29 = arith.constant dense<0.000000e+00> : vector<1000x128xf32>
    %dot_general3A_30 = tpu.matmul %get3A_1, %get3A_28, %dot_general3A_29 {dimension_numbers = #tpu.dot_dimension_numbers<[1], [0], [0], [1], [0, 0, 1, 1], [], []>, transpose_lhs_hint = false} : vector<1000x128xf32>, vector<128x128xf32>, vector<1000x128xf32> -> vector<1000x128xf32>
    %get3A_31 = arith.constant 0 : index
    %get3A_32 = arith.constant 0 : index
    %get3A_33 = vector.load %arg7[%get3A_31, %get3A_32] : memref<1x128xf32, #tpu.memory_space<vmem>>, vector<1x128xf32>
    %add3A_34 = vector.broadcast %get3A_33 : vector<1x128xf32> to vector<1000x128xf32>
    %add3A_35 = arith.addf %dot_general3A_30, %add3A_34 : vector<1000x128xf32>
    %max3A_36 = arith.constant 0.000000e+00 : f32
    %max3A_37 = vector.broadcast %max3A_36 : f32 to vector<1000x128xf32>
    %max3A_38 = arith.maximumf %add3A_35, %max3A_37 : vector<1000x128xf32>
    %get3A_39 = arith.constant 0 : index
    %get3A_40 = arith.constant 0 : index
    %get3A_41 = vector.load %arg8[%get3A_39, %get3A_40] : memref<128x128xf32, #tpu.memory_space<vmem>>, vector<128x128xf32>
    %dot_general3A_42 = arith.constant dense<0.000000e+00> : vector<1000x128xf32>
    %dot_general3A_43 = tpu.matmul %max3A_38, %get3A_41, %dot_general3A_42 {dimension_numbers = #tpu.dot_dimension_numbers<[1], [0], [0], [1], [0, 0, 1, 1], [], []>, transpose_lhs_hint = false} : vector<1000x128xf32>, vector<128x128xf32>, vector<1000x128xf32> -> vector<1000x128xf32>
    %mul3A_44 = vector.broadcast %get3A_25 : vector<1000x1xf32> to vector<1000x128xf32>
    %mul3A_45 = arith.mulf %dot_general3A_43, %mul3A_44 : vector<1000x128xf32>
    %swap3A_46 = arith.constant 0 : index
    %swap3A_47 = arith.constant 0 : index
    %swap3A_48 = vector.load %arg11[%swap3A_46, %swap3A_47] : memref<1000x128xf32, #tpu.memory_space<vmem>>, vector<1000x128xf32>
    tpu.vector_store %arg11[%swap3A_46, %swap3A_47], %mul3A_45 {strides = array<i32>} : memref<1000x128xf32, #tpu.memory_space<vmem>>, vector<1000x128xf32>,
    return
  }
  func.func @transform_0(%arg0: i32) -> (i32, i32) {
    %c0_i32 = arith.constant 0 : i32
    %c0_i32_0 = arith.constant 0 : i32
    return %arg0, %c0_i32 : i32, i32
  }
  func.func @transform_1(%arg0: i32) -> (i32, i32) {
    %c0_i32 = arith.constant 0 : i32
    %c0_i32_0 = arith.constant 0 : i32
    %c0_i32_1 = arith.constant 0 : i32
    return %c0_i32, %c0_i32_0 : i32, i32
  }
  func.func @transform_2(%arg0: i32) -> (i32, i32) {
    %c0_i32 = arith.constant 0 : i32
    %c0_i32_0 = arith.constant 0 : i32
    %c0_i32_1 = arith.constant 0 : i32
    return %c0_i32, %c0_i32_0 : i32, i32
  }
  func.func @transform_3(%arg0: i32) -> (i32, i32) {
    %c0_i32 = arith.constant 0 : i32
    %c0_i32_0 = arith.constant 0 : i32
    %c0_i32_1 = arith.constant 0 : i32
    return %c0_i32, %c0_i32_0 : i32, i32
  }
  func.func @transform_4(%arg0: i32) -> (i32, i32) {
    %c0_i32 = arith.constant 0 : i32
    %c0_i32_0 = arith.constant 0 : i32
    return %arg0, %c0_i32 : i32, i32
  }
  func.func @transform_5(%arg0: i32) -> (i32, i32) {
    %c0_i32 = arith.constant 0 : i32
    %c0_i32_0 = arith.constant 0 : i32
    %c0_i32_1 = arith.constant 0 : i32
    return %c0_i32, %c0_i32_0 : i32, i32
  }
  func.func @transform_6(%arg0: i32) -> (i32, i32) {
    %c0_i32 = arith.constant 0 : i32
    %c0_i32_0 = arith.constant 0 : i32
    %c0_i32_1 = arith.constant 0 : i32
    return %c0_i32, %c0_i32_0 : i32, i32
  }
  func.func @transform_7(%arg0: i32) -> (i32, i32) {
    %c0_i32 = arith.constant 0 : i32
    %c0_i32_0 = arith.constant 0 : i32
    %c0_i32_1 = arith.constant 0 : i32
    return %c0_i32, %c0_i32_0 : i32, i32
  }
  func.func @transform_8(%arg0: i32) -> (i32, i32) {
    %c0_i32 = arith.constant 0 : i32
    %c0_i32_0 = arith.constant 0 : i32
    return %arg0, %c0_i32 : i32, i32
  }
  func.func @transform_9(%arg0: i32) -> (i32, i32) {
    %c0_i32 = arith.constant 0 : i32
    %c0_i32_0 = arith.constant 0 : i32
    return %arg0, %c0_i32 : i32, i32
  }
  func.func @transform_10(%arg0: i32) -> (i32, i32) {
    %c0_i32 = arith.constant 0 : i32
    %c0_i32_0 = arith.constant 0 : i32
    return %arg0, %c0_i32 : i32, i32
  }
}

module attributes {stable_mosaic.version = 14 : i64} {
  func.func @_fused1_body(%arg0: i32, %arg1: memref<1000x128xf32, #tpu.memory_space<vmem>>, %arg2: memref<1000x128xf32, #tpu.memory_space<vmem>>, %arg3: memref<1000x128xf32, #tpu.memory_space<vmem>>, %arg4: memref<1x128xf32, #tpu.memory_space<vmem>>, %arg5: memref<1000x1xf32, #tpu.memory_space<vmem>>, %arg6: memref<1000x128xf32, #tpu.memory_space<vmem>>, %arg7: memref<1000x128xf32, #tpu.memory_space<vmem>>, %arg8: memref<1x128xf32, #tpu.memory_space<vmem>>, %arg9: memref<1000x1xf32, #tpu.memory_space<vmem>>, %arg10: memref<384x128xf32, #tpu.memory_space<vmem>>, %arg11: memref<1x128xf32, #tpu.memory_space<vmem>>, %arg12: memref<128x128xf32, #tpu.memory_space<vmem>>, %arg13: memref<384x128xf32, #tpu.memory_space<vmem>>, %arg14: memref<1x128xf32, #tpu.memory_space<vmem>>, %arg15: memref<128x128xf32, #tpu.memory_space<vmem>>, %arg16: memref<1000x128xf32, #tpu.memory_space<vmem>>, %arg17: memref<1000x128xf32, #tpu.memory_space<vmem>>, %arg18: memref<1000x128xf32, #tpu.memory_space<vmem>>, %arg19: memref<1000x128xf32, #tpu.memory_space<vmem>>) attributes {dimension_semantics = [#tpu.dimension_semantics<arbitrary>], iteration_bounds = array<i64: 10>, scalar_prefetch = 0 : i64, scratch_operands = 0 : i64, tpu.core_type = #tpu.core_type<tc>, window_params = [{transform_indices = @transform_0, window_bounds = array<i64: 1000, 128>}, {transform_indices = @transform_1, window_bounds = array<i64: 1000, 128>}, {transform_indices = @transform_2, window_bounds = array<i64: 1000, 128>}, {pipeline_mode = #tpu.pipeline_mode<synchronous>, transform_indices = @transform_3, window_bounds = array<i64: 1, 128>}, {transform_indices = @transform_4, window_bounds = array<i64: 1000, 1>}, {transform_indices = @transform_5, window_bounds = array<i64: 1000, 128>}, {transform_indices = @transform_6, window_bounds = array<i64: 1000, 128>}, {pipeline_mode = #tpu.pipeline_mode<synchronous>, transform_indices = @transform_7, window_bounds = array<i64: 1, 128>}, {transform_indices = @transform_8, window_bounds = array<i64: 1000, 1>}, {pipeline_mode = #tpu.pipeline_mode<synchronous>, transform_indices = @transform_9, window_bounds = array<i64: 384, 128>}, {pipeline_mode = #tpu.pipeline_mode<synchronous>, transform_indices = @transform_10, window_bounds = array<i64: 1, 128>}, {pipeline_mode = #tpu.pipeline_mode<synchronous>, transform_indices = @transform_11, window_bounds = array<i64: 128, 128>}, {pipeline_mode = #tpu.pipeline_mode<synchronous>, transform_indices = @transform_12, window_bounds = array<i64: 384, 128>}, {pipeline_mode = #tpu.pipeline_mode<synchronous>, transform_indices = @transform_13, window_bounds = array<i64: 1, 128>}, {pipeline_mode = #tpu.pipeline_mode<synchronous>, transform_indices = @transform_14, window_bounds = array<i64: 128, 128>}, {transform_indices = @transform_15, window_bounds = array<i64: 1000, 128>}, {transform_indices = @transform_16, window_bounds = array<i64: 1000, 128>}, {transform_indices = @transform_17, window_bounds = array<i64: 1000, 128>}, {transform_indices = @transform_18, window_bounds = array<i64: 1000, 128>}]} {
    %get3A = arith.constant 0 : index
    %get3A_0 = arith.constant 0 : index
    %get3A_1 = vector.load %arg5[%get3A, %get3A_0] : memref<1000x1xf32, #tpu.memory_space<vmem>>, vector<1000x1xf32>
    %get3A_2 = arith.constant 0 : index
    %get3A_3 = arith.constant 0 : index
    %get3A_4 = vector.load %arg9[%get3A_2, %get3A_3] : memref<1000x1xf32, #tpu.memory_space<vmem>>, vector<1000x1xf32>
    %get3A_5 = arith.constant 0 : index
    %get3A_6 = arith.constant 0 : index
    %get3A_7 = vector.load %arg2[%get3A_5, %get3A_6] : memref<1000x128xf32, #tpu.memory_space<vmem>>, vector<1000x128xf32>
    %get3A_8 = arith.constant 0 : index
    %get3A_9 = arith.constant 0 : index
    %get3A_10 = vector.load %arg3[%get3A_8, %get3A_9] : memref<1000x128xf32, #tpu.memory_space<vmem>>, vector<1000x128xf32>
    %add3A = arith.addf %get3A_7, %get3A_10 : vector<1000x128xf32>
    %mul3A = vector.broadcast %get3A_1 : vector<1000x1xf32> to vector<1000x128xf32>
    %mul3A_11 = arith.mulf %add3A, %mul3A : vector<1000x128xf32>
    %get3A_12 = arith.constant 0 : index
    %get3A_13 = arith.constant 0 : index
    %get3A_14 = vector.load %arg4[%get3A_12, %get3A_13] : memref<1x128xf32, #tpu.memory_space<vmem>>, vector<1x128xf32>
    %add3A_15 = vector.broadcast %get3A_14 : vector<1x128xf32> to vector<1000x128xf32>
    %add3A_16 = arith.addf %mul3A_11, %add3A_15 : vector<1000x128xf32>
    %max3A = arith.constant 0.000000e+00 : f32
    %max3A_17 = vector.broadcast %max3A : f32 to vector<1000x128xf32>
    %max3A_18 = arith.maximumf %add3A_16, %max3A_17 : vector<1000x128xf32>
    %get3A_19 = arith.constant 0 : index
    %get3A_20 = arith.constant 0 : index
    %get3A_21 = vector.load %arg6[%get3A_19, %get3A_20] : memref<1000x128xf32, #tpu.memory_space<vmem>>, vector<1000x128xf32>
    %get3A_22 = arith.constant 0 : index
    %get3A_23 = arith.constant 0 : index
    %get3A_24 = vector.load %arg7[%get3A_22, %get3A_23] : memref<1000x128xf32, #tpu.memory_space<vmem>>, vector<1000x128xf32>
    %add3A_25 = arith.addf %get3A_21, %get3A_24 : vector<1000x128xf32>
    %mul3A_26 = vector.broadcast %get3A_4 : vector<1000x1xf32> to vector<1000x128xf32>
    %mul3A_27 = arith.mulf %add3A_25, %mul3A_26 : vector<1000x128xf32>
    %get3A_28 = arith.constant 0 : index
    %get3A_29 = arith.constant 0 : index
    %get3A_30 = vector.load %arg8[%get3A_28, %get3A_29] : memref<1x128xf32, #tpu.memory_space<vmem>>, vector<1x128xf32>
    %add3A_31 = vector.broadcast %get3A_30 : vector<1x128xf32> to vector<1000x128xf32>
    %add3A_32 = arith.addf %mul3A_27, %add3A_31 : vector<1000x128xf32>
    %max3A_33 = arith.constant 0.000000e+00 : f32
    %max3A_34 = vector.broadcast %max3A_33 : f32 to vector<1000x128xf32>
    %max3A_35 = arith.maximumf %add3A_32, %max3A_34 : vector<1000x128xf32>
    %swap3A = arith.constant 0 : index
    %swap3A_36 = arith.constant 0 : index
    %swap3A_37 = vector.load %arg18[%swap3A, %swap3A_36] : memref<1000x128xf32, #tpu.memory_space<vmem>>, vector<1000x128xf32>
    tpu.vector_store %arg18[%swap3A, %swap3A_36], %max3A_18 {strides = array<i32>} : memref<1000x128xf32, #tpu.memory_space<vmem>>, vector<1000x128xf32>,
    %swap3A_38 = arith.constant 0 : index
    %swap3A_39 = arith.constant 0 : index
    %swap3A_40 = vector.load %arg19[%swap3A_38, %swap3A_39] : memref<1000x128xf32, #tpu.memory_space<vmem>>, vector<1000x128xf32>
    tpu.vector_store %arg19[%swap3A_38, %swap3A_39], %max3A_35 {strides = array<i32>} : memref<1000x128xf32, #tpu.memory_space<vmem>>, vector<1000x128xf32>,
    %get3A_41 = arith.constant 0 : index
    %get3A_42 = arith.constant 0 : index
    %get3A_43 = vector.load %arg1[%get3A_41, %get3A_42] : memref<1000x128xf32, #tpu.memory_space<vmem>>, vector<1000x128xf32>
    %get3A_44 = arith.constant 0 : index
    %get3A_45 = arith.constant 0 : index
    %get3A_46 = vector.load %arg10[%get3A_44, %get3A_45] : memref<384x128xf32, #tpu.memory_space<vmem>>, vector<128x128xf32>
    %dot_general3A = arith.constant dense<0.000000e+00> : vector<1000x128xf32>
    %dot_general3A_47 = tpu.matmul %get3A_43, %get3A_46, %dot_general3A {dimension_numbers = #tpu.dot_dimension_numbers<[1], [0], [0], [1], [0, 0, 1, 1], [], []>, transpose_lhs_hint = false} : vector<1000x128xf32>, vector<128x128xf32>, vector<1000x128xf32> -> vector<1000x128xf32>
    %get3A_48 = arith.constant 128 : index
    %get3A_49 = arith.constant 0 : index
    %get3A_50 = vector.load %arg10[%get3A_48, %get3A_49] : memref<384x128xf32, #tpu.memory_space<vmem>>, vector<128x128xf32>
    %dot_general3A_51 = arith.constant dense<0.000000e+00> : vector<1000x128xf32>
    %dot_general3A_52 = tpu.matmul %max3A_18, %get3A_50, %dot_general3A_51 {dimension_numbers = #tpu.dot_dimension_numbers<[1], [0], [0], [1], [0, 0, 1, 1], [], []>, transpose_lhs_hint = false} : vector<1000x128xf32>, vector<128x128xf32>, vector<1000x128xf32> -> vector<1000x128xf32>
    %add3A_53 = arith.addf %dot_general3A_47, %dot_general3A_52 : vector<1000x128xf32>
    %get3A_54 = arith.constant 256 : index
    %get3A_55 = arith.constant 0 : index
    %get3A_56 = vector.load %arg10[%get3A_54, %get3A_55] : memref<384x128xf32, #tpu.memory_space<vmem>>, vector<128x128xf32>
    %dot_general3A_57 = arith.constant dense<0.000000e+00> : vector<1000x128xf32>
    %dot_general3A_58 = tpu.matmul %max3A_35, %get3A_56, %dot_general3A_57 {dimension_numbers = #tpu.dot_dimension_numbers<[1], [0], [0], [1], [0, 0, 1, 1], [], []>, transpose_lhs_hint = false} : vector<1000x128xf32>, vector<128x128xf32>, vector<1000x128xf32> -> vector<1000x128xf32>
    %add3A_59 = arith.addf %add3A_53, %dot_general3A_58 : vector<1000x128xf32>
    %get3A_60 = arith.constant 0 : index
    %get3A_61 = arith.constant 0 : index
    %get3A_62 = vector.load %arg11[%get3A_60, %get3A_61] : memref<1x128xf32, #tpu.memory_space<vmem>>, vector<1x128xf32>
    %add3A_63 = vector.broadcast %get3A_62 : vector<1x128xf32> to vector<1000x128xf32>
    %add3A_64 = arith.addf %add3A_59, %add3A_63 : vector<1000x128xf32>
    %max3A_65 = arith.constant 0.000000e+00 : f32
    %max3A_66 = vector.broadcast %max3A_65 : f32 to vector<1000x128xf32>
    %max3A_67 = arith.maximumf %add3A_64, %max3A_66 : vector<1000x128xf32>
    %get3A_68 = arith.constant 0 : index
    %get3A_69 = arith.constant 0 : index
    %get3A_70 = vector.load %arg12[%get3A_68, %get3A_69] : memref<128x128xf32, #tpu.memory_space<vmem>>, vector<128x128xf32>
    %dot_general3A_71 = arith.constant dense<0.000000e+00> : vector<1000x128xf32>
    %dot_general3A_72 = tpu.matmul %max3A_67, %get3A_70, %dot_general3A_71 {dimension_numbers = #tpu.dot_dimension_numbers<[1], [0], [0], [1], [0, 0, 1, 1], [], []>, transpose_lhs_hint = false} : vector<1000x128xf32>, vector<128x128xf32>, vector<1000x128xf32> -> vector<1000x128xf32>
    %mul3A_73 = vector.broadcast %get3A_1 : vector<1000x1xf32> to vector<1000x128xf32>
    %mul3A_74 = arith.mulf %dot_general3A_72, %mul3A_73 : vector<1000x128xf32>
    %swap3A_75 = arith.constant 0 : index
    %swap3A_76 = arith.constant 0 : index
    %swap3A_77 = vector.load %arg16[%swap3A_75, %swap3A_76] : memref<1000x128xf32, #tpu.memory_space<vmem>>, vector<1000x128xf32>
    tpu.vector_store %arg16[%swap3A_75, %swap3A_76], %mul3A_74 {strides = array<i32>} : memref<1000x128xf32, #tpu.memory_space<vmem>>, vector<1000x128xf32>,
    %get3A_78 = arith.constant 0 : index
    %get3A_79 = arith.constant 0 : index
    %get3A_80 = vector.load %arg13[%get3A_78, %get3A_79] : memref<384x128xf32, #tpu.memory_space<vmem>>, vector<128x128xf32>
    %dot_general3A_81 = arith.constant dense<0.000000e+00> : vector<1000x128xf32>
    %dot_general3A_82 = tpu.matmul %get3A_43, %get3A_80, %dot_general3A_81 {dimension_numbers = #tpu.dot_dimension_numbers<[1], [0], [0], [1], [0, 0, 1, 1], [], []>, transpose_lhs_hint = false} : vector<1000x128xf32>, vector<128x128xf32>, vector<1000x128xf32> -> vector<1000x128xf32>
    %get3A_83 = arith.constant 128 : index
    %get3A_84 = arith.constant 0 : index
    %get3A_85 = vector.load %arg13[%get3A_83, %get3A_84] : memref<384x128xf32, #tpu.memory_space<vmem>>, vector<128x128xf32>
    %dot_general3A_86 = arith.constant dense<0.000000e+00> : vector<1000x128xf32>
    %dot_general3A_87 = tpu.matmul %max3A_18, %get3A_85, %dot_general3A_86 {dimension_numbers = #tpu.dot_dimension_numbers<[1], [0], [0], [1], [0, 0, 1, 1], [], []>, transpose_lhs_hint = false} : vector<1000x128xf32>, vector<128x128xf32>, vector<1000x128xf32> -> vector<1000x128xf32>
    %add3A_88 = arith.addf %dot_general3A_82, %dot_general3A_87 : vector<1000x128xf32>
    %get3A_89 = arith.constant 256 : index
    %get3A_90 = arith.constant 0 : index
    %get3A_91 = vector.load %arg13[%get3A_89, %get3A_90] : memref<384x128xf32, #tpu.memory_space<vmem>>, vector<128x128xf32>
    %dot_general3A_92 = arith.constant dense<0.000000e+00> : vector<1000x128xf32>
    %dot_general3A_93 = tpu.matmul %max3A_35, %get3A_91, %dot_general3A_92 {dimension_numbers = #tpu.dot_dimension_numbers<[1], [0], [0], [1], [0, 0, 1, 1], [], []>, transpose_lhs_hint = false} : vector<1000x128xf32>, vector<128x128xf32>, vector<1000x128xf32> -> vector<1000x128xf32>
    %add3A_94 = arith.addf %add3A_88, %dot_general3A_93 : vector<1000x128xf32>
    %get3A_95 = arith.constant 0 : index
    %get3A_96 = arith.constant 0 : index
    %get3A_97 = vector.load %arg14[%get3A_95, %get3A_96] : memref<1x128xf32, #tpu.memory_space<vmem>>, vector<1x128xf32>
    %add3A_98 = vector.broadcast %get3A_97 : vector<1x128xf32> to vector<1000x128xf32>
    %add3A_99 = arith.addf %add3A_94, %add3A_98 : vector<1000x128xf32>
    %max3A_100 = arith.constant 0.000000e+00 : f32
    %max3A_101 = vector.broadcast %max3A_100 : f32 to vector<1000x128xf32>
    %max3A_102 = arith.maximumf %add3A_99, %max3A_101 : vector<1000x128xf32>
    %get3A_103 = arith.constant 0 : index
    %get3A_104 = arith.constant 0 : index
    %get3A_105 = vector.load %arg15[%get3A_103, %get3A_104] : memref<128x128xf32, #tpu.memory_space<vmem>>, vector<128x128xf32>
    %dot_general3A_106 = arith.constant dense<0.000000e+00> : vector<1000x128xf32>
    %dot_general3A_107 = tpu.matmul %max3A_102, %get3A_105, %dot_general3A_106 {dimension_numbers = #tpu.dot_dimension_numbers<[1], [0], [0], [1], [0, 0, 1, 1], [], []>, transpose_lhs_hint = false} : vector<1000x128xf32>, vector<128x128xf32>, vector<1000x128xf32> -> vector<1000x128xf32>
    %mul3A_108 = vector.broadcast %get3A_4 : vector<1000x1xf32> to vector<1000x128xf32>
    %mul3A_109 = arith.mulf %dot_general3A_107, %mul3A_108 : vector<1000x128xf32>
    %swap3A_110 = arith.constant 0 : index
    %swap3A_111 = arith.constant 0 : index
    %swap3A_112 = vector.load %arg17[%swap3A_110, %swap3A_111] : memref<1000x128xf32, #tpu.memory_space<vmem>>, vector<1000x128xf32>
    tpu.vector_store %arg17[%swap3A_110, %swap3A_111], %mul3A_109 {strides = array<i32>} : memref<1000x128xf32, #tpu.memory_space<vmem>>, vector<1000x128xf32>,
    return
  }
  func.func @transform_0(%arg0: i32) -> (i32, i32) {
    %c0_i32 = arith.constant 0 : i32
    %c0_i32_0 = arith.constant 0 : i32
    return %arg0, %c0_i32 : i32, i32
  }
  func.func @transform_1(%arg0: i32) -> (i32, i32) {
    %c0_i32 = arith.constant 0 : i32
    %c0_i32_0 = arith.constant 0 : i32
    return %arg0, %c0_i32 : i32, i32
  }
  func.func @transform_2(%arg0: i32) -> (i32, i32) {
    %c0_i32 = arith.constant 0 : i32
    %c0_i32_0 = arith.constant 0 : i32
    return %arg0, %c0_i32 : i32, i32
  }
  func.func @transform_3(%arg0: i32) -> (i32, i32) {
    %c0_i32 = arith.constant 0 : i32
    %c0_i32_0 = arith.constant 0 : i32
    %c0_i32_1 = arith.constant 0 : i32
    return %c0_i32, %c0_i32_0 : i32, i32
  }
  func.func @transform_4(%arg0: i32) -> (i32, i32) {
    %c0_i32 = arith.constant 0 : i32
    %c0_i32_0 = arith.constant 0 : i32
    return %arg0, %c0_i32 : i32, i32
  }
  func.func @transform_5(%arg0: i32) -> (i32, i32) {
    %c0_i32 = arith.constant 0 : i32
    %c0_i32_0 = arith.constant 0 : i32
    return %arg0, %c0_i32 : i32, i32
  }
  func.func @transform_6(%arg0: i32) -> (i32, i32) {
    %c0_i32 = arith.constant 0 : i32
    %c0_i32_0 = arith.constant 0 : i32
    return %arg0, %c0_i32 : i32, i32
  }
  func.func @transform_7(%arg0: i32) -> (i32, i32) {
    %c0_i32 = arith.constant 0 : i32
    %c0_i32_0 = arith.constant 0 : i32
    %c0_i32_1 = arith.constant 0 : i32
    return %c0_i32, %c0_i32_0 : i32, i32
  }
  func.func @transform_8(%arg0: i32) -> (i32, i32) {
    %c0_i32 = arith.constant 0 : i32
    %c0_i32_0 = arith.constant 0 : i32
    return %arg0, %c0_i32 : i32, i32
  }
  func.func @transform_9(%arg0: i32) -> (i32, i32) {
    %c0_i32 = arith.constant 0 : i32
    %c0_i32_0 = arith.constant 0 : i32
    %c0_i32_1 = arith.constant 0 : i32
    return %c0_i32, %c0_i32_0 : i32, i32
  }
  func.func @transform_10(%arg0: i32) -> (i32, i32) {
    %c0_i32 = arith.constant 0 : i32
    %c0_i32_0 = arith.constant 0 : i32
    %c0_i32_1 = arith.constant 0 : i32
    return %c0_i32, %c0_i32_0 : i32, i32
  }
  func.func @transform_11(%arg0: i32) -> (i32, i32) {
    %c0_i32 = arith.constant 0 : i32
    %c0_i32_0 = arith.constant 0 : i32
    %c0_i32_1 = arith.constant 0 : i32
    return %c0_i32, %c0_i32_0 : i32, i32
  }
  func.func @transform_12(%arg0: i32) -> (i32, i32) {
    %c0_i32 = arith.constant 0 : i32
    %c0_i32_0 = arith.constant 0 : i32
    %c0_i32_1 = arith.constant 0 : i32
    return %c0_i32, %c0_i32_0 : i32, i32
  }
  func.func @transform_13(%arg0: i32) -> (i32, i32) {
    %c0_i32 = arith.constant 0 : i32
    %c0_i32_0 = arith.constant 0 : i32
    %c0_i32_1 = arith.constant 0 : i32
    return %c0_i32, %c0_i32_0 : i32, i32
  }
  func.func @transform_14(%arg0: i32) -> (i32, i32) {
    %c0_i32 = arith.constant 0 : i32
    %c0_i32_0 = arith.constant 0 : i32
    %c0_i32_1 = arith.constant 0 : i32
    return %c0_i32, %c0_i32_0 : i32, i32
  }
  func.func @transform_15(%arg0: i32) -> (i32, i32) {
    %c0_i32 = arith.constant 0 : i32
    %c0_i32_0 = arith.constant 0 : i32
    return %arg0, %c0_i32 : i32, i32
  }
  func.func @transform_16(%arg0: i32) -> (i32, i32) {
    %c0_i32 = arith.constant 0 : i32
    %c0_i32_0 = arith.constant 0 : i32
    return %arg0, %c0_i32 : i32, i32
  }
  func.func @transform_17(%arg0: i32) -> (i32, i32) {
    %c0_i32 = arith.constant 0 : i32
    %c0_i32_0 = arith.constant 0 : i32
    return %arg0, %c0_i32 : i32, i32
  }
  func.func @transform_18(%arg0: i32) -> (i32, i32) {
    %c0_i32 = arith.constant 0 : i32
    %c0_i32_0 = arith.constant 0 : i32
    return %arg0, %c0_i32 : i32, i32
  }
}

module attributes {stable_mosaic.version = 14 : i64} {
  func.func @_colsum_body(%arg0: i32, %arg1: memref<1000x128xf32, #tpu.memory_space<vmem>>, %arg2: memref<1000x128xf32, #tpu.memory_space<vmem>>, %arg3: memref<1000x128xf32, #tpu.memory_space<vmem>>, %arg4: memref<1000x128xf32, #tpu.memory_space<vmem>>, %arg5: memref<1000x128xf32, #tpu.memory_space<vmem>>, %arg6: memref<1x128xf32, #tpu.memory_space<vmem>>, %arg7: memref<1000x1xf32, #tpu.memory_space<vmem>>, %arg8: memref<1000x128xf32, #tpu.memory_space<vmem>>, %arg9: memref<1000x128xf32, #tpu.memory_space<vmem>>, %arg10: memref<1x128xf32, #tpu.memory_space<vmem>>, %arg11: memref<1000x1xf32, #tpu.memory_space<vmem>>, %arg12: memref<1x640xf32, #tpu.memory_space<vmem>>) attributes {dimension_semantics = [#tpu.dimension_semantics<arbitrary>], iteration_bounds = array<i64: 10>, scalar_prefetch = 0 : i64, scratch_operands = 0 : i64, tpu.core_type = #tpu.core_type<tc>, window_params = [{transform_indices = @transform_0, window_bounds = array<i64: 1000, 128>}, {transform_indices = @transform_1, window_bounds = array<i64: 1000, 128>}, {transform_indices = @transform_2, window_bounds = array<i64: 1000, 128>}, {transform_indices = @transform_3, window_bounds = array<i64: 1000, 128>}, {transform_indices = @transform_4, window_bounds = array<i64: 1000, 128>}, {pipeline_mode = #tpu.pipeline_mode<synchronous>, transform_indices = @transform_5, window_bounds = array<i64: 1, 128>}, {transform_indices = @transform_6, window_bounds = array<i64: 1000, 1>}, {transform_indices = @transform_7, window_bounds = array<i64: 1000, 128>}, {transform_indices = @transform_8, window_bounds = array<i64: 1000, 128>}, {pipeline_mode = #tpu.pipeline_mode<synchronous>, transform_indices = @transform_9, window_bounds = array<i64: 1, 128>}, {transform_indices = @transform_10, window_bounds = array<i64: 1000, 1>}, {pipeline_mode = #tpu.pipeline_mode<synchronous>, transform_indices = @transform_11, window_bounds = array<i64: 1, 640>}]} {
    %eq3A = arith.constant 0 : i32
    %eq3A_0 = arith.cmpi eq, %arg0, %eq3A : i32
    %convert_element_type3A = arith.extui %eq3A_0 : i1 to i32
    %cond3A = arith.constant 0 : i32
    %cond3A_1 = arith.cmpi ne, %convert_element_type3A, %cond3A : i32
    scf.if %cond3A_1 {
      %broadcast_in_dim3A_94 = arith.constant 0.000000e+00 : f32
      %broadcast_in_dim3A_95 = vector.broadcast %broadcast_in_dim3A_94 : f32 to vector<1x640xf32>
      %swap3A_96 = arith.constant 0 : index
      %swap3A_97 = arith.constant 0 : index
      %swap3A_98 = vector.load %arg12[%swap3A_96, %swap3A_97] : memref<1x640xf32, #tpu.memory_space<vmem>>, vector<1x640xf32>
      tpu.vector_store %arg12[%swap3A_96, %swap3A_97], %broadcast_in_dim3A_95 {strides = array<i32>} : memref<1x640xf32, #tpu.memory_space<vmem>>, vector<1x640xf32>,
    } else {
    }
    %get3A = arith.constant 0 : index
    %get3A_2 = arith.constant 0 : index
    %get3A_3 = vector.load %arg4[%get3A, %get3A_2] : memref<1000x128xf32, #tpu.memory_space<vmem>>, vector<1000x128xf32>
    %get3A_4 = arith.constant 0 : index
    %get3A_5 = arith.constant 0 : index
    %get3A_6 = vector.load %arg5[%get3A_4, %get3A_5] : memref<1000x128xf32, #tpu.memory_space<vmem>>, vector<1000x128xf32>
    %add3A = arith.addf %get3A_3, %get3A_6 : vector<1000x128xf32>
    %get3A_7 = arith.constant 0 : index
    %get3A_8 = arith.constant 0 : index
    %get3A_9 = vector.load %arg7[%get3A_7, %get3A_8] : memref<1000x1xf32, #tpu.memory_space<vmem>>, vector<1000x1xf32>
    %mul3A = vector.broadcast %get3A_9 : vector<1000x1xf32> to vector<1000x128xf32>
    %mul3A_10 = arith.mulf %add3A, %mul3A : vector<1000x128xf32>
    %get3A_11 = arith.constant 0 : index
    %get3A_12 = arith.constant 0 : index
    %get3A_13 = vector.load %arg6[%get3A_11, %get3A_12] : memref<1x128xf32, #tpu.memory_space<vmem>>, vector<1x128xf32>
    %add3A_14 = vector.broadcast %get3A_13 : vector<1x128xf32> to vector<1000x128xf32>
    %add3A_15 = arith.addf %mul3A_10, %add3A_14 : vector<1000x128xf32>
    %max3A = arith.constant 0.000000e+00 : f32
    %max3A_16 = vector.broadcast %max3A : f32 to vector<1000x128xf32>
    %max3A_17 = arith.maximumf %add3A_15, %max3A_16 : vector<1000x128xf32>
    %get3A_18 = arith.constant 0 : index
    %get3A_19 = arith.constant 0 : index
    %get3A_20 = vector.load %arg8[%get3A_18, %get3A_19] : memref<1000x128xf32, #tpu.memory_space<vmem>>, vector<1000x128xf32>
    %get3A_21 = arith.constant 0 : index
    %get3A_22 = arith.constant 0 : index
    %get3A_23 = vector.load %arg9[%get3A_21, %get3A_22] : memref<1000x128xf32, #tpu.memory_space<vmem>>, vector<1000x128xf32>
    %add3A_24 = arith.addf %get3A_20, %get3A_23 : vector<1000x128xf32>
    %get3A_25 = arith.constant 0 : index
    %get3A_26 = arith.constant 0 : index
    %get3A_27 = vector.load %arg11[%get3A_25, %get3A_26] : memref<1000x1xf32, #tpu.memory_space<vmem>>, vector<1000x1xf32>
    %mul3A_28 = vector.broadcast %get3A_27 : vector<1000x1xf32> to vector<1000x128xf32>
    %mul3A_29 = arith.mulf %add3A_24, %mul3A_28 : vector<1000x128xf32>
    %get3A_30 = arith.constant 0 : index
    %get3A_31 = arith.constant 0 : index
    %get3A_32 = vector.load %arg10[%get3A_30, %get3A_31] : memref<1x128xf32, #tpu.memory_space<vmem>>, vector<1x128xf32>
    %add3A_33 = vector.broadcast %get3A_32 : vector<1x128xf32> to vector<1000x128xf32>
    %add3A_34 = arith.addf %mul3A_29, %add3A_33 : vector<1000x128xf32>
    %max3A_35 = arith.constant 0.000000e+00 : f32
    %max3A_36 = vector.broadcast %max3A_35 : f32 to vector<1000x128xf32>
    %max3A_37 = arith.maximumf %add3A_34, %max3A_36 : vector<1000x128xf32>
    %get3A_38 = arith.constant 0 : index
    %get3A_39 = arith.constant 0 : index
    %get3A_40 = vector.load %arg1[%get3A_38, %get3A_39] : memref<1000x128xf32, #tpu.memory_space<vmem>>, vector<1000x128xf32>
    %get3A_41 = arith.constant 0 : index
    %get3A_42 = arith.constant 0 : index
    %get3A_43 = vector.load %arg2[%get3A_41, %get3A_42] : memref<1000x128xf32, #tpu.memory_space<vmem>>, vector<1000x128xf32>
    %get3A_44 = arith.constant 0 : index
    %get3A_45 = arith.constant 0 : index
    %get3A_46 = vector.load %arg3[%get3A_44, %get3A_45] : memref<1000x128xf32, #tpu.memory_space<vmem>>, vector<1000x128xf32>
    %get3A_47 = arith.constant 0 : index
    %get3A_48 = arith.constant 0 : index
    %get3A_49 = vector.load %arg12[%get3A_47, %get3A_48] : memref<1x640xf32, #tpu.memory_space<vmem>>, vector<1x128xf32>
    %reduce_sum3A = arith.constant dense<0.000000e+00> : vector<128xf32>
    %reduce_sum3A_50 = vector.multi_reduction <add>, %get3A_40, %reduce_sum3A [0] : vector<1000x128xf32> to vector<128xf32>
    %broadcast_in_dim3A = vector.shape_cast %reduce_sum3A_50 : vector<128xf32> to vector<1x128xf32>
    %add3A_51 = arith.addf %get3A_49, %broadcast_in_dim3A : vector<1x128xf32>
    %swap3A = arith.constant 0 : index
    %swap3A_52 = arith.constant 0 : index
    %swap3A_53 = vector.load %arg12[%swap3A, %swap3A_52] : memref<1x640xf32, #tpu.memory_space<vmem>>, vector<1x128xf32>
    tpu.vector_store %arg12[%swap3A, %swap3A_52], %add3A_51 {strides = array<i32>} : memref<1x640xf32, #tpu.memory_space<vmem>>, vector<1x128xf32>,
    %get3A_54 = arith.constant 0 : index
    %get3A_55 = arith.constant 128 : index
    %get3A_56 = vector.load %arg12[%get3A_54, %get3A_55] : memref<1x640xf32, #tpu.memory_space<vmem>>, vector<1x128xf32>
    %reduce_sum3A_57 = arith.constant dense<0.000000e+00> : vector<128xf32>
    %reduce_sum3A_58 = vector.multi_reduction <add>, %get3A_43, %reduce_sum3A_57 [0] : vector<1000x128xf32> to vector<128xf32>
    %broadcast_in_dim3A_59 = vector.shape_cast %reduce_sum3A_58 : vector<128xf32> to vector<1x128xf32>
    %add3A_60 = arith.addf %get3A_56, %broadcast_in_dim3A_59 : vector<1x128xf32>
    %swap3A_61 = arith.constant 0 : index
    %swap3A_62 = arith.constant 128 : index
    %swap3A_63 = vector.load %arg12[%swap3A_61, %swap3A_62] : memref<1x640xf32, #tpu.memory_space<vmem>>, vector<1x128xf32>
    tpu.vector_store %arg12[%swap3A_61, %swap3A_62], %add3A_60 {strides = array<i32>} : memref<1x640xf32, #tpu.memory_space<vmem>>, vector<1x128xf32>,
    %get3A_64 = arith.constant 0 : index
    %get3A_65 = arith.constant 256 : index
    %get3A_66 = vector.load %arg12[%get3A_64, %get3A_65] : memref<1x640xf32, #tpu.memory_space<vmem>>, vector<1x128xf32>
    %reduce_sum3A_67 = arith.constant dense<0.000000e+00> : vector<128xf32>
    %reduce_sum3A_68 = vector.multi_reduction <add>, %get3A_46, %reduce_sum3A_67 [0] : vector<1000x128xf32> to vector<128xf32>
    %broadcast_in_dim3A_69 = vector.shape_cast %reduce_sum3A_68 : vector<128xf32> to vector<1x128xf32>
    %add3A_70 = arith.addf %get3A_66, %broadcast_in_dim3A_69 : vector<1x128xf32>
    %swap3A_71 = arith.constant 0 : index
    %swap3A_72 = arith.constant 256 : index
    %swap3A_73 = vector.load %arg12[%swap3A_71, %swap3A_72] : memref<1x640xf32, #tpu.memory_space<vmem>>, vector<1x128xf32>
    tpu.vector_store %arg12[%swap3A_71, %swap3A_72], %add3A_70 {strides = array<i32>} : memref<1x640xf32, #tpu.memory_space<vmem>>, vector<1x128xf32>,
    %get3A_74 = arith.constant 0 : index
    %get3A_75 = arith.constant 384 : index
    %get3A_76 = vector.load %arg12[%get3A_74, %get3A_75] : memref<1x640xf32, #tpu.memory_space<vmem>>, vector<1x128xf32>
    %reduce_sum3A_77 = arith.constant dense<0.000000e+00> : vector<128xf32>
    %reduce_sum3A_78 = vector.multi_reduction <add>, %max3A_17, %reduce_sum3A_77 [0] : vector<1000x128xf32> to vector<128xf32>
    %broadcast_in_dim3A_79 = vector.shape_cast %reduce_sum3A_78 : vector<128xf32> to vector<1x128xf32>
    %add3A_80 = arith.addf %get3A_76, %broadcast_in_dim3A_79 : vector<1x128xf32>
    %swap3A_81 = arith.constant 0 : index
    %swap3A_82 = arith.constant 384 : index
    %swap3A_83 = vector.load %arg12[%swap3A_81, %swap3A_82] : memref<1x640xf32, #tpu.memory_space<vmem>>, vector<1x128xf32>
    tpu.vector_store %arg12[%swap3A_81, %swap3A_82], %add3A_80 {strides = array<i32>} : memref<1x640xf32, #tpu.memory_space<vmem>>, vector<1x128xf32>,
    %get3A_84 = arith.constant 0 : index
    %get3A_85 = arith.constant 512 : index
    %get3A_86 = vector.load %arg12[%get3A_84, %get3A_85] : memref<1x640xf32, #tpu.memory_space<vmem>>, vector<1x128xf32>
    %reduce_sum3A_87 = arith.constant dense<0.000000e+00> : vector<128xf32>
    %reduce_sum3A_88 = vector.multi_reduction <add>, %max3A_37, %reduce_sum3A_87 [0] : vector<1000x128xf32> to vector<128xf32>
    %broadcast_in_dim3A_89 = vector.shape_cast %reduce_sum3A_88 : vector<128xf32> to vector<1x128xf32>
    %add3A_90 = arith.addf %get3A_86, %broadcast_in_dim3A_89 : vector<1x128xf32>
    %swap3A_91 = arith.constant 0 : index
    %swap3A_92 = arith.constant 512 : index
    %swap3A_93 = vector.load %arg12[%swap3A_91, %swap3A_92] : memref<1x640xf32, #tpu.memory_space<vmem>>, vector<1x128xf32>
    tpu.vector_store %arg12[%swap3A_91, %swap3A_92], %add3A_90 {strides = array<i32>} : memref<1x640xf32, #tpu.memory_space<vmem>>, vector<1x128xf32>,
    return
  }
  func.func @transform_0(%arg0: i32) -> (i32, i32) {
    %c0_i32 = arith.constant 0 : i32
    %c0_i32_0 = arith.constant 0 : i32
    return %arg0, %c0_i32 : i32, i32
  }
  func.func @transform_1(%arg0: i32) -> (i32, i32) {
    %c0_i32 = arith.constant 0 : i32
    %c0_i32_0 = arith.constant 0 : i32
    return %arg0, %c0_i32 : i32, i32
  }
  func.func @transform_2(%arg0: i32) -> (i32, i32) {
    %c0_i32 = arith.constant 0 : i32
    %c0_i32_0 = arith.constant 0 : i32
    return %arg0, %c0_i32 : i32, i32
  }
  func.func @transform_3(%arg0: i32) -> (i32, i32) {
    %c0_i32 = arith.constant 0 : i32
    %c0_i32_0 = arith.constant 0 : i32
    return %arg0, %c0_i32 : i32, i32
  }
  func.func @transform_4(%arg0: i32) -> (i32, i32) {
    %c0_i32 = arith.constant 0 : i32
    %c0_i32_0 = arith.constant 0 : i32
    return %arg0, %c0_i32 : i32, i32
  }
  func.func @transform_5(%arg0: i32) -> (i32, i32) {
    %c0_i32 = arith.constant 0 : i32
    %c0_i32_0 = arith.constant 0 : i32
    %c0_i32_1 = arith.constant 0 : i32
    return %c0_i32, %c0_i32_0 : i32, i32
  }
  func.func @transform_6(%arg0: i32) -> (i32, i32) {
    %c0_i32 = arith.constant 0 : i32
    %c0_i32_0 = arith.constant 0 : i32
    return %arg0, %c0_i32 : i32, i32
  }
  func.func @transform_7(%arg0: i32) -> (i32, i32) {
    %c0_i32 = arith.constant 0 : i32
    %c0_i32_0 = arith.constant 0 : i32
    return %arg0, %c0_i32 : i32, i32
  }
  func.func @transform_8(%arg0: i32) -> (i32, i32) {
    %c0_i32 = arith.constant 0 : i32
    %c0_i32_0 = arith.constant 0 : i32
    return %arg0, %c0_i32 : i32, i32
  }
  func.func @transform_9(%arg0: i32) -> (i32, i32) {
    %c0_i32 = arith.constant 0 : i32
    %c0_i32_0 = arith.constant 0 : i32
    %c0_i32_1 = arith.constant 0 : i32
    return %c0_i32, %c0_i32_0 : i32, i32
  }
  func.func @transform_10(%arg0: i32) -> (i32, i32) {
    %c0_i32 = arith.constant 0 : i32
    %c0_i32_0 = arith.constant 0 : i32
    return %arg0, %c0_i32 : i32, i32
  }
  func.func @transform_11(%arg0: i32) -> (i32, i32) {
    %c0_i32 = arith.constant 0 : i32
    %c0_i32_0 = arith.constant 0 : i32
    %c0_i32_1 = arith.constant 0 : i32
    return %c0_i32, %c0_i32_0 : i32, i32
  }
}

module attributes {stable_mosaic.version = 14 : i64} {
  func.func @_mlp_body(%arg0: memref<1x640xf32, #tpu.memory_space<vmem>>, %arg1: memref<640x128xf32, #tpu.memory_space<vmem>>, %arg2: memref<1x128xf32, #tpu.memory_space<vmem>>, %arg3: memref<128x16xf32, #tpu.memory_space<vmem>>, %arg4: memref<1x16xf32, #tpu.memory_space<vmem>>, %arg5: memref<128x16xf32, #tpu.memory_space<vmem>>, %arg6: memref<1x16xf32, #tpu.memory_space<vmem>>, %arg7: memref<1x16xf32, #tpu.memory_space<vmem>>, %arg8: memref<1x16xf32, #tpu.memory_space<vmem>>) attributes {dimension_semantics = [], scalar_prefetch = 0 : i64, scratch_operands = 0 : i64, tpu.core_type = #tpu.core_type<tc>} {
    %get3A = arith.constant 0 : index
    %get3A_0 = arith.constant 0 : index
    %get3A_1 = vector.load %arg0[%get3A, %get3A_0] : memref<1x640xf32, #tpu.memory_space<vmem>>, vector<1x640xf32>
    %mul3A = arith.constant 9.99999974E-5 : f32
    %mul3A_2 = vector.broadcast %mul3A : f32 to vector<1x640xf32>
    %mul3A_3 = arith.mulf %get3A_1, %mul3A_2 : vector<1x640xf32>
    %get3A_4 = arith.constant 0 : index
    %get3A_5 = arith.constant 0 : index
    %get3A_6 = vector.load %arg1[%get3A_4, %get3A_5] : memref<640x128xf32, #tpu.memory_space<vmem>>, vector<640x128xf32>
    %dot_general3A = arith.constant dense<0.000000e+00> : vector<1x128xf32>
    %dot_general3A_7 = tpu.matmul %mul3A_3, %get3A_6, %dot_general3A {dimension_numbers = #tpu.dot_dimension_numbers<[1], [0], [0], [1], [0, 0, 1, 1], [], []>, transpose_lhs_hint = false} : vector<1x640xf32>, vector<640x128xf32>, vector<1x128xf32> -> vector<1x128xf32>
    %get3A_8 = arith.constant 0 : index
    %get3A_9 = arith.constant 0 : index
    %get3A_10 = vector.load %arg2[%get3A_8, %get3A_9] : memref<1x128xf32, #tpu.memory_space<vmem>>, vector<1x128xf32>
    %add3A = arith.addf %dot_general3A_7, %get3A_10 : vector<1x128xf32>
    %max3A = arith.constant 0.000000e+00 : f32
    %max3A_11 = vector.broadcast %max3A : f32 to vector<1x128xf32>
    %max3A_12 = arith.maximumf %add3A, %max3A_11 : vector<1x128xf32>
    %get3A_13 = arith.constant 0 : index
    %get3A_14 = arith.constant 0 : index
    %get3A_15 = vector.load %arg3[%get3A_13, %get3A_14] : memref<128x16xf32, #tpu.memory_space<vmem>>, vector<128x16xf32>
    %dot_general3A_16 = arith.constant dense<0.000000e+00> : vector<1x16xf32>
    %dot_general3A_17 = tpu.matmul %max3A_12, %get3A_15, %dot_general3A_16 {dimension_numbers = #tpu.dot_dimension_numbers<[1], [0], [0], [1], [0, 0, 1, 1], [], []>, transpose_lhs_hint = false} : vector<1x128xf32>, vector<128x16xf32>, vector<1x16xf32> -> vector<1x16xf32>
    %get3A_18 = arith.constant 0 : index
    %get3A_19 = arith.constant 0 : index
    %get3A_20 = vector.load %arg4[%get3A_18, %get3A_19] : memref<1x16xf32, #tpu.memory_space<vmem>>, vector<1x16xf32>
    %add3A_21 = arith.addf %dot_general3A_17, %get3A_20 : vector<1x16xf32>
    %tanh3A = math.tanh %add3A_21 : vector<1x16xf32>
    %mul3A_22 = arith.constant 2.000000e+00 : f32
    %mul3A_23 = vector.broadcast %mul3A_22 : f32 to vector<1x16xf32>
    %mul3A_24 = arith.mulf %mul3A_23, %tanh3A : vector<1x16xf32>
    %swap3A = arith.constant 0 : index
    %swap3A_25 = arith.constant 0 : index
    %swap3A_26 = vector.load %arg7[%swap3A, %swap3A_25] : memref<1x16xf32, #tpu.memory_space<vmem>>, vector<1x16xf32>
    tpu.vector_store %arg7[%swap3A, %swap3A_25], %mul3A_24 {strides = array<i32>} : memref<1x16xf32, #tpu.memory_space<vmem>>, vector<1x16xf32>,
    %get3A_27 = arith.constant 0 : index
    %get3A_28 = arith.constant 0 : index
    %get3A_29 = vector.load %arg5[%get3A_27, %get3A_28] : memref<128x16xf32, #tpu.memory_space<vmem>>, vector<128x16xf32>
    %dot_general3A_30 = arith.constant dense<0.000000e+00> : vector<1x16xf32>
    %dot_general3A_31 = tpu.matmul %max3A_12, %get3A_29, %dot_general3A_30 {dimension_numbers = #tpu.dot_dimension_numbers<[1], [0], [0], [1], [0, 0, 1, 1], [], []>, transpose_lhs_hint = false} : vector<1x128xf32>, vector<128x16xf32>, vector<1x16xf32> -> vector<1x16xf32>
    %get3A_32 = arith.constant 0 : index
    %get3A_33 = arith.constant 0 : index
    %get3A_34 = vector.load %arg6[%get3A_32, %get3A_33] : memref<1x16xf32, #tpu.memory_space<vmem>>, vector<1x16xf32>
    %add3A_35 = arith.addf %dot_general3A_31, %get3A_34 : vector<1x16xf32>
    %logistic3A = arith.negf %add3A_35 : vector<1x16xf32>
    %logistic3A_36 = math.exp %logistic3A : vector<1x16xf32>
    %logistic3A_37 = arith.constant 1.000000e+00 : f32
    %logistic3A_38 = vector.broadcast %logistic3A_37 : f32 to vector<1x16xf32>
    %logistic3A_39 = arith.addf %logistic3A_38, %logistic3A_36 : vector<1x16xf32>
    %logistic3A_40 = arith.divf %logistic3A_38, %logistic3A_39 : vector<1x16xf32>
    %mul3A_41 = arith.constant 2.000000e+00 : f32
    %mul3A_42 = vector.broadcast %mul3A_41 : f32 to vector<1x16xf32>
    %mul3A_43 = arith.mulf %mul3A_42, %logistic3A_40 : vector<1x16xf32>
    %swap3A_44 = arith.constant 0 : index
    %swap3A_45 = arith.constant 0 : index
    %swap3A_46 = vector.load %arg8[%swap3A_44, %swap3A_45] : memref<1x16xf32, #tpu.memory_space<vmem>>, vector<1x16xf32>
    tpu.vector_store %arg8[%swap3A_44, %swap3A_45], %mul3A_43 {strides = array<i32>} : memref<1x16xf32, #tpu.memory_space<vmem>>, vector<1x16xf32>,
    return
  }
}

</mosaic_0001>

<sc_bundles>
// kernel: kernel.10.cloned.1.call-start
scs
__scs_entry_jumppad:
0x0: {  	(pc) =	sbr.rel $0x88, $3  }
0x1: {  	(tag) =	ssettag $0x0;
	lr =	simm.s32 $0x1  }
0x2: {  	[smem:$0x3F88] =	sst lr;
	_ =	strace $0xD0000000  }
0x3: {  	_ = 	snop  }
0x4: {  	_ = 	snop  }
0x5: {  	_ = 	snop  }
0x6: {  	_ = 	snop  }
0x7: {  	_ = 	snop  }
__scs_overlays_trampoline_lowered:
0x8: {  	[smem:$0x3F97] =	sst s0  }
0x9: {  	[smem:$0x3F98] =	sst s1  }
0xa: {  	[smem:$0x3F99] =	sst s2  }
0xb: {  	[smem:$0x3F9A] =	sst s3  }
0xc: {  	[smem:$0x3F9B] =	sst s4  }
0xd: {  	[smem:$0x3F9C] =	sst s5  }
0xe: {  	[smem:$0x3F9D] =	sst s6  }
0xf: {  	[smem:$0x3F9E] =	sst s7  }
0x10: {  	[smem:$0x3F9F] =	sst s8  }
0x11: {  	[smem:$0x3FA0] =	sst s9;
	s0 =	simm.s32 @!p0 $0x0  }
0x12: {  	s1 =	sld [smem:$0x3F86];
	s0 =	simm.s32 @p0 $0x1  }
0x13: {  	[smem:$0x3FA1] =	sst s0;
	s0 =	simm.s32 @!p1 $0x0  }
0x14: {  	s2 =	sld [smem:$0x3F85];
	s0 =	simm.s32 @p1 $0x1  }
0x15: {  	[smem:$0x3FA2] =	sst s0;
	s0 =	simm.s32 @!p2 $0x0  }
0x16: {  	s3 =	sld [smem:$0x3FDB];
	s0 =	simm.s32 @p2 $0x1  }
0x17: {  	s4 =	simm.s32 $0x1BF5;
	[smem:$0x3FA4] =	sst s0  }
0x18: {  	s0 =	sld [smem:$0x3F87];
	_ =	swait.ge [sflag:s4], $0x0  }
0x19: {  	s7 =	sld [smem:$0x3F88]  }
0x1a: {  	s8 =	sadd.s32 $0xFFFFE003, lr  }
0x1b: {  	s9 =	sadd.s32 $0xFFFFFEF7, lr;
	s5 =	simm.s32 $0xFFFFFFFF;
	p2 =	slt.u32 s8, $0xFFFFF086  }
0x1c: {  	p1 =	slt.u32 s9, $0xF7A;
	s5 =	simm.s32 @!p2 $0x0  }
0x1d: {  	s5 =	simm.s32 @p1 $0x1;
	p0 =	seq.s32 s7, s2  }
0x1e: {  	s7 =	smul.u32 @!p0 $0xF7A, s2;
	p2 =	seq.s32 @!p0 s5, $0x0  }
0x1f: {  	s9 =	smul.u32 $0xF7A, s1;
	s8 =	simm.s32 @!p0 $0x1BF5;
	p2 =	por !p2, p0  }
0x20: {  	[sflag:s8] =	ssyncset.s32 @!p0 $0xFFFFF086;
	s6 =	sadd.s32 @!p0 s3, s7;
	s7 =	simm.s32 @!p0 $0x108  }
0x21: {  	s3 =	sadd.s32 s3, s9;
	s6 =	sadd.s32 @!p0 $0x88, s6;
	s7 =	simm.s32 @p2 $0x1082  }
0x22: {  	[simem:s7], [sflag:s8] =	dma.local @!p0 [hbm:s6], $0xF7A  }
0x23: {  	s9 =	sor.u32 $0xD0000000, s2;
	s6 =	simm.s32 $0x108;
	_ =	swait.ge @!p0 [sflag:s8], $0x0  }
0x24: {  	s3 =	sadd.s32 $0x88, s3;
	s6 =	simm.s32 @!p1 $0x1082;
	[sflag:s4] =	ssyncset.s32 $0xFFFFF086  }
0x25: {  	[simem:s6], [sflag:s4] =	dma.local [hbm:s3], $0xF7A  }
0x26: {  	[smem:$0x3F88] =	sst s1;
	(tag) =	ssettag s2;
	_ =	strace s9  }
0x27: {  	s1 =	sld [smem:$0x3F98]  }
0x28: {  	s2 =	sld [smem:$0x3F99]  }
0x29: {  	s4 =	sld [smem:$0x3F9B]  }
0x2a: {  	p0 =	seq.s32 s5, $0x0;
	s5 =	sld [smem:$0x3F9C]  }
0x2b: {  	s6 =	sld [smem:$0x3F9D]  }
0x2c: {  	s7 =	sld [smem:$0x3F9E]  }
0x2d: {  	s3 =	simm.s32 $0x108;
	s8 =	sld [smem:$0x3F9F]  }
0x2e: {  	s3 =	simm.s32 @!p0 $0x1082;
	s9 =	sld [smem:$0x3FA0]  }
0x2f: {  	lr =	sadd.s32 s0, s3;
	s0 =	sld [smem:$0x3F97]  }
0x30: {  	s3 =	sld [smem:$0x3F9A]  }
0x31: {  	[smem:$0x3FA3] =	sst s10  }
0x32: {  	s10 =	sld [smem:$0x3FA1];
	_ =	sdelay $0x3  }
0x33: {  	p0 =	seq.s32 s10, $0x1;
	s10 =	sld [smem:$0x3FA3];
	_ =	sdelay $0x3  }
0x34: {  	[smem:$0x3FA3] =	sst s10  }
0x35: {  	s10 =	sld [smem:$0x3FA2];
	_ =	sdelay $0x3  }
0x36: {  	p1 =	seq.s32 s10, $0x1;
	s10 =	sld [smem:$0x3FA3];
	_ =	sdelay $0x3  }
0x37: {  	[smem:$0x3FA3] =	sst s10  }
0x38: {  	s10 =	sld [smem:$0x3FA4]  }
0x39: {  	_ = 	snop;
	(pc) =	sbr.ind lr, $3  }
0x3a: {  	_ = 	snop  }
0x3b: {  	_ = 	snop  }
0x3c: {  	p2 =	seq.s32 s10, $0x1;
	s10 =	sld [smem:$0x3FA3]  }
0x3d: {  	_ =	shalt  }
0x3e: {  	_ =	shalt  }
0x3f: {  	_ =	shalt  }
0x40: {  	_ =	shalt  }
0x41: {  	_ =	shalt  }
0x42: {  	_ =	shalt  }
0x43: {  	_ =	shalt  }
0x44: {  	_ =	shalt  }
0x45: {  	_ =	shalt  }
0x46: {  	_ =	shalt  }
0x47: {  	_ =	shalt  }
0x48: {  	_ =	shalt  }
0x49: {  	_ =	shalt  }
0x4a: {  	_ =	shalt  }
0x4b: {  	_ =	shalt  }
0x4c: {  	_ =	shalt  }
0x4d: {  	_ =	shalt  }
0x4e: {  	_ =	shalt  }
0x4f: {  	_ =	shalt  }
0x50: {  	_ =	shalt  }
0x51: {  	_ =	shalt  }
0x52: {  	_ =	shalt  }
0x53: {  	_ =	shalt  }
0x54: {  	_ =	shalt  }
0x55: {  	_ =	shalt  }
0x56: {  	_ =	shalt  }
0x57: {  	_ =	shalt  }
0x58: {  	_ =	shalt  }
0x59: {  	_ =	shalt  }
0x5a: {  	_ =	shalt  }
0x5b: {  	_ =	shalt  }
0x5c: {  	_ =	shalt  }
0x5d: {  	_ =	shalt  }
0x5e: {  	_ =	shalt  }
0x5f: {  	_ =	shalt  }
0x60: {  	_ =	shalt  }
0x61: {  	_ =	shalt  }
0x62: {  	_ =	shalt  }
0x63: {  	_ =	shalt  }
0x64: {  	_ =	shalt  }
0x65: {  	_ =	shalt  }
0x66: {  	_ =	shalt  }
0x67: {  	_ =	shalt  }
0x68: {  	_ =	shalt  }
0x69: {  	_ =	shalt  }
0x6a: {  	_ =	shalt  }
0x6b: {  	_ =	shalt  }
0x6c: {  	_ =	shalt  }
0x6d: {  	_ =	shalt  }
0x6e: {  	_ =	shalt  }
0x6f: {  	_ =	shalt  }
0x70: {  	_ =	shalt  }
0x71: {  	_ =	shalt  }
0x72: {  	_ =	shalt  }
0x73: {  	_ =	shalt  }
0x74: {  	_ =	shalt  }
0x75: {  	_ =	shalt  }
0x76: {  	_ =	shalt  }
0x77: {  	_ =	shalt  }
0x78: {  	_ =	shalt  }
0x79: {  	_ =	shalt  }
0x7a: {  	_ =	shalt  }
0x7b: {  	_ =	shalt  }
0x7c: {  	_ =	shalt  }
0x7d: {  	_ =	shalt  }
0x7e: {  	_ =	shalt  }
0x7f: {  	_ =	shalt  }
0x80: {  	_ =	shalt  }
0x81: {  	_ =	shalt  }
0x82: {  	_ =	shalt  }
0x83: {  	_ =	shalt  }
0x84: {  	_ =	shalt  }
0x85: {  	_ =	shalt  }
0x86: {  	_ =	shalt  }
0x87: {  	_ =	shalt  }
.Lfunc_end0:
.L_simem_size_0:
called_computation_lowered:
.L_overlay_start_0:
0x88: {  	s2 =	sld [smem:$0x3FD9]  }
0x89: {  	s3 =	sld [smem:$0x3FFE];
	_ =	sdelay $0x1  }
0x8a: {  	s1 =	srdreg.scid  }
0x8b: {  	s0 =	sand.u32 $0x1, s1  }
0x8c: {  	s14 =	sshll.u32 s0, $0xA;
	s2 =	sadd.s32 s3, s2  }
0x8d: {  	s2 =	sadd.s32 s2, s14  }
0x8e: {  	[smem:$0x3FAF] =	sst s2  }
0x8f: {  	_ = 	snop  }
0x90: {  	s2 =	sld [smem:$0x3FD0];
	_ =	sdelay $0x2  }
0x91: {  	s4 =	simm.s32 $0xA;
	s5 =	simm.s32 $0x10;
	s15 =	sld [smem:$0x3FC7]  }
0x92: {  	[smem:s5], [sflag:s4] =	dma.local [hbm:s2], $0x1  }
0x93: {  	_ =	swait.eq [sflag:s4], $0x1  }
0x94: {  	[sflag:s4] =	ssyncset.done $0x0  }
0x95: {  	[sflag:s4] =	ssyncadd.s32 $0xFFFFFFFF  }
0x96: {  	s16 =	sld [smem:$0x11];
	(tm) =	ssettm $0x1  }
0x97: {  	s17 =	sld [smem:$0x3FFB];
	_ =	sdelay $0x3  }
0x98: {  	_ =	strace s17  }
0x99: {  	s4 =	sld [smem:$0x3FFC];
	_ =	sdelay $0x3  }
0x9a: {  	_ =	strace s4  }
0x9b: {  	s4 =	sld [smem:$0x3FFD];
	_ =	sdelay $0x3  }
0x9c: {  	_ =	strace s4  }
0x9d: {  	_ =	strace $0x8FFFFFFF  }
0x9e: {  	s18 =	sld [smem:$0x3FDB];
	_ =	sdelay $0x1  }
0x9f: {  	s19 =	simm.s32 $_scs_section_size  }
0xa0: {  	s6 =	simm.s32 $_size__tile_overlayer_lowered;
	s7 =	simm.s32 $_tile_overlayer_lowered  }
0xa1: {  	s22 =	simm.s32 $0x1BFF;
	s21 =	sshll.u32 s7, $0x1;
	s4 =	sadd.s32 s19, s18  }
0xa2: {  	s8 =	simm.s32 $0x0;
	s20 =	sshll.u32 s6, $0x1;
	s6 =	sadd.s32 s21, s4  }
0xa3: {  	[timem:s8], [sflag:s22] =	dma.local [hbm:s6], s20  }
0xa4: {  	_ =	swait.ge [sflag:s22], s20  }
0xa5: {  	s5 =	ssub.s32 $0x0, s20;
	[sflag:s22] =	ssyncset.done $0x0  }
0xa6: {  	[sflag:s22] =	ssyncadd.s32 s5;
	_ =	sdelay $0x1  }
0xa7: {  	s23 =	simm.s32 $0x1B8B  }
0xa8: {  	_ =	swait.ge [sflag:s23], $0x1  }
0xa9: {  	[sflag:s23] =	ssyncset.done $0x0  }
0xaa: {  	s25 =	simm.s32 $0x1B8E;
	s24 =	sld [smem:$0x3FFE];
	[sflag:s23] =	ssyncadd.s32 $0xFFFFFFFF  }
0xab: {  	s26 =	simm.s32 $execute0_lowered;
	[smem:$0x3FD2] =	sst s25  }
0xac: {  	s6 =	sshll.u32 s26, $0x1;
	_ =	strace $0x80000046;
	[dreg:$0x1] =	wrdreg $0xFFFFFFFF  }
0xad: {  	s28 =	simm.s32 $_size_execute0_lowered;
	s4 =	sadd.s32 s4, s6;
	[dreg:$0x0] =	wrdreg $0x0  }
0xae: {  	s6 =	sshll.u32 s28, $0x1;
	[dreg:$0x2] =	wrdreg s4  }
0xaf: {  	[dreg:$0x3] =	wrdreg s6  }
0xb0: {  	[dreg:$0x4] =	wrdreg $0xC0  }
0xb1: {  	_ =	task [dreg:s8], $0x5FFFF  }
0xb2: {  	[dreg:$0x1] =	wrdreg $0xFFFFFFFF  }
0xb3: {  	[dreg:$0x0] =	wrdreg $0x60  }
0xb4: {  	[dreg:$0x2] =	wrdreg s24  }
0xb5: {  	[dreg:$0x3] =	wrdreg s15  }
0xb6: {  	[dreg:$0x4] =	wrdreg s16  }
0xb7: {  	[dreg:$0x5] =	wrdreg $0xA2800  }
0xb8: {  	[dreg:$0x6] =	wrdreg $0xA5000  }
0xb9: {  	[dreg:$0x7] =	wrdreg $0x9  }
0xba: {  	_ =	task.clear_ibuf [dreg:s8], $0x8FFFF;
	_ =	strace $0x90000046  }
0xbb: {  	s29 =	simm.s32 $0x9;
	_ =	strace $0x80000048  }
0xbc: {  	_ =	swait.ge [sflag:s29], $0x1  }
0xbd: {  	[sflag:s29] =	ssyncadd.s32 $0xFFFFFFFF  }
0xbe: {  	_ =	strace $0x90000048  }
0xbf: {  	_ =	sfence  }
0xc0: {  	s30 =	sld [smem:$0x0];
	_ =	sdelay $0x2  }
0xc1: {  	s31 =	sshll.u32 s1, $0xD;
	s1 =	sshrl.u32 s1, $0x2  }
0xc2: {  	s3 =	sand.u32 $0x4000, s31;
	s1 =	sadd.s32 s1, s30  }
0xc3: {  	s0 =	sor.u32 s3, s0;
	s1 =	sshll.u32 s1, $0x11  }
0xc4: {  	s0 =	sor.u32 s1, s0  }
0xc5: {  	s0 =	sadd.s32 $0x8F2B, s0  }
0xc6: {  	[sflag:s0] =	ssyncadd.remote.s32 $0x1  }
0xc7: {  	_ =	sfence.sel $0xFFFF  }
0xc8: {  	[dreg:$0x0] =	wrdreg $0xFFFFFFFF;
	(pc) =	sbr.abs _section_cstart, $3  }
0xc9: {  	[dreg:$0x1] =	wrdreg $0xFFFFFFFF  }
0xca: {  	_ =	task.clear_ibuf [dreg:s8], $0x2FFFF;
	_ =	strace $0x9FFFFFFF  }
0xcb: {  	(tm) =	ssettm $0x7FFFFFFF  }
tec
execute0_lowered:
.L_overlay_start_1:
0x0: {  	(tag) =	ssettag $0x1  }
0x1: {  	s0 =	rddreg [dreg:$0x0]  }
0x2: {  	s2 =	srdreg.scid;
	s1 =	rddreg [dreg:$0x1]  }
0x3: {  	s8 =	stileid.u32;
	s4 =	rddreg [dreg:$0x3]  }
0x4: {  	s5 =	rddreg [dreg:$0x4];
	s6 =	simm.s32 $0x0;
	s20 =	simm.s32 $0x5  }
0x5: {  	s21 =	simm.s32 $0x2A00;
	s29 =	simm.s32 $0x50;
	s30 =	simm.s32 $0x5200  }
0x6: {  	s31 =	simm.s32 $0x7A00;
	s28 =	simm.s32 $0x0;
	s2 =	sand.u32 $0x1, s2  }
0x7: {  	[smem:$0x7FF] =	sst s6;
	s3 =	sshll.u32 s2, $0x4;
	s10 =	smul.u32 $0x2800, s2  }
0x8: {  	s13 =	sadd.s32 $0x31000, s0;
	s3 =	sor.u32 s8, s3;
	s8 =	smul.u32 $0x280, s8  }
0x9: {  	_ =	strace $0x80000047;
	s2 =	ssub.s32 $0x2, s2;
	s7 =	smul.u32 $0x500, s3  }
0xa: {  	s22 =	sshrl.u32 s2, $0x1;
	s9 =	sshll.u32 s3, $0x6;
	s12 =	smul.u32 $0xA000, s3  }
0xb: {  	s2 =	ssub.s32 s2, s22;
	s3 =	smul.u32 $0x1400, s3;
	s22 =	simm.s32 $0xA200  }
0xc: {  	s9 =	sadd.s32 s9, s0;
	s11 =	sshrl.u32 s8, $0x3;
	s10 =	sadd.s32 s8, s10  }
0xd: {  	s26 =	sadd.s32 s8, s4;
	s8 =	sadd.s32 s8, s5;
	s19 =	smax.u32 s2, $0x1  }
0xe: {  	s7 =	sadd.s32 s7, s0;
	s11 =	sadd.s32 s11, s0;
	[dreg:$0x9] =	wrdreg s26  }
0xf: {  	s10 =	sshrl.u32 s10, $0x3;
	s24 =	sadd.s32 $0x6E00, s9;
	[dreg:$0xa] =	wrdreg s8  }
0x10: {  	s25 =	sshrl.u32 s12, $0x3;
	s3 =	sadd.s32 s13, s3;
	[dreg:$0x8] =	wrdreg s24  }
0x11: {  	s0 =	sadd.s32 s10, s0;
	s23 =	sadd.s32 $0x11600, s7;
	[dreg:$0xb] =	wrdreg s3  }
0x12: {  	s7 =	sadd.s32 $0x1B600, s7;
	s11 =	sadd.s32 $0x2F600, s11;
	[dreg:$0x6] =	wrdreg s23  }
0x13: {  	s24 =	simm.s32 $0x3;
	s3 =	simm.s32 $0x1;
	[dreg:$0x7] =	wrdreg s7  }
0x14: {  	s7 =	sadd.s32 s13, s25;
	s17 =	sadd.s32 $0x2FC00, s0;
	s18 =	sadd.s32 $0x30600, s0  }
0x15: {  	s23 =	simm.s32 $0x80;
	s25 =	simm.s32 $0x4;
	s0 =	simm.s32 $0x2  }
0x16: {  	s14 =	sadd.s32 $0x500, s7;
	s15 =	sadd.s32 $0xA00, s7;
	s16 =	sadd.s32 $0xF00, s7  }
.LBB2_1:
0x17: {  	s8 =	simm.s32 $0x200;
	s2 =	rddreg [dreg:$0x6]  }
0x18: {  	[tilespmem:s8], [sflag:$0x5] =	stream.linear.gather [hbm4b:s2+s6], $0x2800, $0x38;
	[tilespmem:$0xA780] =	vst v63  }
0x19: {  	_ =	swait.ge [sflag:s20], $0x2800  }
0x1a: {  	[sflag:s20] =	ssyncset.done $0x0  }
0x1b: {  	s13 =	rddreg [dreg:$0x7];
	[sflag:s20] =	ssyncadd.s32 $0xFFFFD800  }
0x1c: {  	[tilespmem:s21], [sflag:$0x5] =	stream.linear.gather [hbm4b:s13+s6], $0x2800, $0x38;
	[tilespmem:$0xA780] =	vst v63  }
0x1d: {  	_ =	swait.ge [sflag:s20], $0x2800  }
0x1e: {  	[sflag:s20] =	ssyncset.done $0x0  }
0x1f: {  	s26 =	rddreg [dreg:$0x8];
	[sflag:s20] =	ssyncadd.s32 $0xFFFFD800  }
0x20: {  	[tilespmem:s6], [sflag:$0x5] =	stream.linear.gather [hbm4b:s26+s6], $0x200, $0x38;
	[tilespmem:$0xA780] =	vst v63  }
0x21: {  	_ =	swait.ge [sflag:s20], $0x200  }
0x22: {  	[sflag:s20] =	ssyncset.done $0x0  }
0x23: {  	[sflag:s20] =	ssyncadd.s32 $0xFFFFFE00  }
0x24: {  	s7 =	rddreg [dreg:$0x2]  }
0x25: {  	[tilespmem:s22], [sflag:$0x5] =	stream.linear.gather [hbm4b:s7+s6], $0x80, $0x38;
	[tilespmem:$0xA780] =	vst v63  }
0x26: {  	s9 =	stileid.u32;
	_ =	swait.ge [sflag:s20], $0x80  }
0x27: {  	s2 =	sshll.u32 s9, $0x6;
	[sflag:s20] =	ssyncset.done $0x0;
	s7 =	rddreg [dreg:$0x9]  }
0x28: {  	s2 =	sor.u32 $0x1C05, s2;
	[sflag:s20] =	ssyncadd.s32 $0xFFFFFF80;
	s26 =	sshrl.u32 s7, $0x3  }
0x29: {  	[spmem:s26], [sflag:s2] =	dma.local [hbm:s11], $0x50  }
0x2a: {  	_ =	swait.ge [sflag:s20], $0x50  }
0x2b: {  	[sflag:s20] =	ssyncset.done $0x0;
	s10 =	rddreg [dreg:$0xa]  }
0x2c: {  	[sflag:s20] =	ssyncadd.s32 $0xFFFFFFB0;
	s7 =	sshrl.u32 s10, $0x3  }
0x2d: {  	[spmem:s7], [sflag:s2] =	dma.local [hbm:s11], $0x50  }
0x2e: {  	_ =	swait.ge [sflag:s20], $0x50  }
0x2f: {  	[sflag:s20] =	ssyncset.done $0x0  }
0x30: {  	[sflag:s20] =	ssyncadd.s32 $0xFFFFFFB0  }
0x31: {  	[bflag:$0x0] =	sbarrier.arrive $0xFFFF  }
0x32: {  	[spmem:s4] =	stream.indirect.scatter.add.f32 [tilespmem:s22], [sflag:$0x3], $0x1, s21, s23, $0xb8;
	[tilespmem:$0xA780] =	vst v63  }
0x33: {  	_ = 	snop  }
0x34: {  	[spmem:s5] =	stream.indirect.scatter.add.f32 [tilespmem:s22], [sflag:$0x4], $0x1, s8, s23, $0xb8;
	[tilespmem:$0xA780] =	vst v63  }
0x35: {  	s12 =	simm.s32 $0x2A80  }
0x36: {  	[spmem:s4] =	stream.indirect.scatter.add.f32 [tilespmem:s22], [sflag:$0x3], $0x1, s12, s23, $0xb8;
	[tilespmem:$0xA780] =	vst v63  }
0x37: {  	s13 =	simm.s32 $0x280  }
0x38: {  	[spmem:s5] =	stream.indirect.scatter.add.f32 [tilespmem:s22], [sflag:$0x4], $0x1, s13, s23, $0xb8;
	[tilespmem:$0xA780] =	vst v63  }
0x39: {  	_ =	swait.ge [sflag:s24], $0x80  }
0x3a: {  	[sflag:s24] =	ssyncset.done $0x0  }
0x3b: {  	[sflag:s24] =	ssyncadd.s32 $0xFFFFFF80  }
0x3c: {  	_ =	swait.ge [sflag:s25], $0x80  }
0x3d: {  	s9 =	simm.s32 $0x600;
	s8 =	simm.s32 $0x100;
	[sflag:s25] =	ssyncset.done $0x0  }
.LBB2_2:
0x3e: {  	s10 =	sadd.s32 $0x2A00, s8  }
0x3f: {  	[sflag:s25] =	ssyncadd.s32 $0xFFFFFF80;
	s12 =	smov.u32 s9;
	s13 =	sadd.s32 $0x200, s9  }
0x40: {  	[spmem:s4] =	stream.indirect.scatter.add.f32 [tilespmem:s22], [sflag:$0x3], $0x1, s10, s23, $0xb8;
	[tilespmem:$0xA780] =	vst v63  }
0x41: {  	p0 =	sne.s32 s9, $0x4E00;
	s8 =	sadd.s32 $0x200, s8  }
0x42: {  	[spmem:s5] =	stream.indirect.scatter.add.f32 [tilespmem:s22], [sflag:$0x4], $0x1, s8, s23, $0xb8;
	[tilespmem:$0xA780] =	vst v63  }
.Ltmp0:
0x43: {  	_ =	swait.ge [sflag:s24], $0x80;
	(pc) =	sbr.rel @p0 .LBB2_2-.Ltmp0, $4  }
0x44: {  	[sflag:s24] =	ssyncset.done $0x0  }
0x45: {  	[sflag:s24] =	ssyncadd.s32 $0xFFFFFF80  }
0x46: {  	_ =	swait.ge [sflag:s25], $0x80  }
0x47: {  	s9 =	smov.u32 s13;
	s8 =	sshra.s32 s12, $0x2;
	[sflag:s25] =	ssyncset.done $0x0  }
0x48: {  	s9 =	sadd.s32 $0x2A00, s8;
	[sflag:s25] =	ssyncadd.s32 $0xFFFFFF80  }
0x49: {  	[spmem:s4] =	stream.indirect.scatter.add.f32 [tilespmem:s22], [sflag:$0x3], $0x1, s9, s23, $0xb8;
	[tilespmem:$0xA780] =	vst v63  }
0x4a: {  	s13 =	sadd.s32 $0x200, s8  }
0x4b: {  	[spmem:s5] =	stream.indirect.scatter.add.f32 [tilespmem:s22], [sflag:$0x4], $0x1, s13, s23, $0xb8;
	[tilespmem:$0xA780] =	vst v63  }
0x4c: {  	_ =	swait.ge [sflag:s24], $0x80  }
0x4d: {  	[sflag:s24] =	ssyncset.done $0x0  }
0x4e: {  	[sflag:s24] =	ssyncadd.s32 $0xFFFFFF80  }
0x4f: {  	_ =	swait.ge [sflag:s25], $0x80  }
0x50: {  	[sflag:s25] =	ssyncset.done $0x0  }
0x51: {  	s9 =	simm.s32 $0x3E00;
	[sflag:s25] =	ssyncadd.s32 $0xFFFFFF80  }
0x52: {  	[spmem:s4] =	stream.indirect.scatter.add.f32 [tilespmem:s22], [sflag:$0x3], $0x1, s9, s23, $0xb8;
	[tilespmem:$0xA780] =	vst v63  }
0x53: {  	s10 =	simm.s32 $0x1600  }
0x54: {  	[spmem:s5] =	stream.indirect.scatter.add.f32 [tilespmem:s22], [sflag:$0x4], $0x1, s10, s23, $0xb8;
	[tilespmem:$0xA780] =	vst v63  }
0x55: {  	_ =	swait.ge [sflag:s24], $0x80  }
0x56: {  	[sflag:s24] =	ssyncset.done $0x0  }
0x57: {  	[sflag:s24] =	ssyncadd.s32 $0xFFFFFF80  }
0x58: {  	_ =	swait.ge [sflag:s25], $0x80  }
0x59: {  	[sflag:s25] =	ssyncset.done $0x0  }
0x5a: {  	s12 =	simm.s32 $0x3E80;
	[sflag:s25] =	ssyncadd.s32 $0xFFFFFF80  }
0x5b: {  	[spmem:s4] =	stream.indirect.scatter.add.f32 [tilespmem:s22], [sflag:$0x3], $0x1, s12, s23, $0xb8;
	[tilespmem:$0xA780] =	vst v63  }
0x5c: {  	s13 =	simm.s32 $0x1680  }
0x5d: {  	[spmem:s5] =	stream.indirect.scatter.add.f32 [tilespmem:s22], [sflag:$0x4], $0x1, s13, s23, $0xb8;
	[tilespmem:$0xA780] =	vst v63  }
0x5e: {  	_ =	swait.ge [sflag:s24], $0x80  }
0x5f: {  	[sflag:s24] =	ssyncset.done $0x0  }
0x60: {  	[sflag:s24] =	ssyncadd.s32 $0xFFFFFF80  }
0x61: {  	_ =	swait.ge [sflag:s25], $0x80  }
0x62: {  	s8 =	simm.s32 $0x80;
	s9 =	simm.s32 $0x400;
	[sflag:s25] =	ssyncset.done $0x0  }
.LBB2_4:
0x63: {  	s10 =	sadd.s32 $0x3E80, s8  }
0x64: {  	[sflag:s25] =	ssyncadd.s32 $0xFFFFFF80;
	s12 =	smov.u32 s9;
	s13 =	sadd.s32 $0x200, s9  }
0x65: {  	[spmem:s4] =	stream.indirect.scatter.add.f32 [tilespmem:s22], [sflag:$0x3], $0x1, s10, s23, $0xb8;
	[tilespmem:$0xA780] =	vst v63  }
0x66: {  	p0 =	sne.s32 s9, $0x4C00;
	s8 =	sadd.s32 $0x1680, s8  }
0x67: {  	[spmem:s5] =	stream.indirect.scatter.add.f32 [tilespmem:s22], [sflag:$0x4], $0x1, s8, s23, $0xb8;
	[tilespmem:$0xA780] =	vst v63  }
.Ltmp1:
0x68: {  	_ =	swait.ge [sflag:s24], $0x80;
	(pc) =	sbr.rel @p0 .LBB2_4-.Ltmp1, $4  }
0x69: {  	[sflag:s24] =	ssyncset.done $0x0  }
0x6a: {  	[sflag:s24] =	ssyncadd.s32 $0xFFFFFF80  }
0x6b: {  	_ =	swait.ge [sflag:s25], $0x80  }
0x6c: {  	s9 =	smov.u32 s13;
	s8 =	sshra.s32 s12, $0x2;
	[sflag:s25] =	ssyncset.done $0x0  }
0x6d: {  	s9 =	sadd.s32 $0x3E80, s8;
	[sflag:s25] =	ssyncadd.s32 $0xFFFFFF80  }
0x6e: {  	[spmem:s4] =	stream.indirect.scatter.add.f32 [tilespmem:s22], [sflag:$0x3], $0x1, s9, s23, $0xb8;
	[tilespmem:$0xA780] =	vst v63  }
0x6f: {  	s9 =	sadd.s32 $0x1680, s8  }
0x70: {  	[spmem:s5] =	stream.indirect.scatter.add.f32 [tilespmem:s22], [sflag:$0x4], $0x1, s9, s23, $0xb8;
	[tilespmem:$0xA780] =	vst v63  }
0x71: {  	_ =	swait.ge [sflag:s24], $0x80  }
0x72: {  	[sflag:s24] =	ssyncset.done $0x0  }
0x73: {  	[sflag:s24] =	ssyncadd.s32 $0xFFFFFF80  }
0x74: {  	_ =	swait.ge [sflag:s25], $0x80  }
0x75: {  	[sflag:s25] =	ssyncset.done $0x0  }
0x76: {  	[sflag:s25] =	ssyncadd.s32 $0xFFFFFF80  }
0x77: {  	_ =	swait.ge [sflag:s24], $0x80  }
0x78: {  	[sflag:s24] =	ssyncset.done $0x0  }
0x79: {  	[sflag:s24] =	ssyncadd.s32 $0xFFFFFF80  }
0x7a: {  	_ =	swait.ge [sflag:s25], $0x80  }
0x7b: {  	[sflag:s25] =	ssyncset.done $0x0  }
0x7c: {  	[sflag:s25] =	ssyncadd.s32 $0xFFFFFF80  }
0x7d: {  	[tilespmem:s30], [sflag:$0x1] =	stream.indirect.gather [hbm4b:s1+s29], $0x80, s6, s29, $0xb8;
	[tilespmem:$0xA780] =	vst v63  }
0x7e: {  	_ = 	snop  }
0x7f: {  	[tilespmem:s31], [sflag:$0x2] =	stream.indirect.gather [hbm4b:s1+s29], $0x80, s23, s29, $0xb8;
	[tilespmem:$0xA780] =	vst v63  }
0x80: {  	_ =	swait.ge [sflag:s3], $0x2800  }
0x81: {  	[sflag:s3] =	ssyncset.done $0x0  }
0x82: {  	s10 =	rddreg [dreg:$0xb];
	[sflag:s3] =	ssyncadd.s32 $0xFFFFD800  }
0x83: {  	[hbm4b:s10+s6] =	stream.linear.scatter [tilespmem:s30], [sflag:$0x5], $0x2800, $0x38;
	[tilespmem:$0xA780] =	vst v63  }
0x84: {  	_ =	swait.ge [sflag:s20], $0x2800  }
0x85: {  	[sflag:s20] =	ssyncset.done $0x0  }
0x86: {  	s12 =	simm.s32 $0x100;
	[sflag:s20] =	ssyncadd.s32 $0xFFFFD800  }
0x87: {  	[tilespmem:s30], [sflag:$0x1] =	stream.indirect.gather [hbm4b:s1+s29], $0x80, s12, s29, $0xb8;
	[tilespmem:$0xA780] =	vst v63  }
0x88: {  	_ =	swait.ge [sflag:s0], $0x2800  }
0x89: {  	[sflag:s0] =	ssyncset.done $0x0  }
0x8a: {  	[sflag:s0] =	ssyncadd.s32 $0xFFFFD800  }
0x8b: {  	[hbm4b:s14+s6] =	stream.linear.scatter [tilespmem:s31], [sflag:$0x5], $0x2800, $0x38;
	[tilespmem:$0xA780] =	vst v63  }
0x8c: {  	_ =	swait.ge [sflag:s20], $0x2800  }
0x8d: {  	[sflag:s20] =	ssyncset.done $0x0  }
0x8e: {  	s13 =	simm.s32 $0x180;
	[sflag:s20] =	ssyncadd.s32 $0xFFFFD800  }
0x8f: {  	[tilespmem:s31], [sflag:$0x2] =	stream.indirect.gather [hbm4b:s1+s29], $0x80, s13, s29, $0xb8;
	[tilespmem:$0xA780] =	vst v63  }
0x90: {  	_ =	swait.ge [sflag:s3], $0x2800  }
0x91: {  	[sflag:s3] =	ssyncset.done $0x0  }
0x92: {  	[sflag:s3] =	ssyncadd.s32 $0xFFFFD800  }
0x93: {  	[hbm4b:s15+s6] =	stream.linear.scatter [tilespmem:s30], [sflag:$0x5], $0x2800, $0x38;
	[tilespmem:$0xA780] =	vst v63  }
0x94: {  	_ =	swait.ge [sflag:s20], $0x2800  }
0x95: {  	[sflag:s20] =	ssyncset.done $0x0  }
0x96: {  	[sflag:s20] =	ssyncadd.s32 $0xFFFFD800  }
0x97: {  	_ =	swait.ge [sflag:s0], $0x2800  }
0x98: {  	[sflag:s0] =	ssyncset.done $0x0  }
0x99: {  	[sflag:s0] =	ssyncadd.s32 $0xFFFFD800  }
0x9a: {  	[hbm4b:s16+s6] =	stream.linear.scatter [tilespmem:s31], [sflag:$0x5], $0x2800, $0x38;
	[tilespmem:$0xA780] =	vst v63  }
0x9b: {  	_ =	swait.ge [sflag:s20], $0x2800  }
0x9c: {  	[sflag:s20] =	ssyncset.done $0x0  }
0x9d: {  	[sflag:s20] =	ssyncadd.s32 $0xFFFFD800  }
0x9e: {  	[bflag:$0x0] =	sbarrier.arrive $0xFFFF  }
0x9f: {  	[hbm:s17], [sflag:s2] =	dma.local [spmem:s26], $0x50  }
0xa0: {  	s28 =	sadd.s32 $0x1, s28;
	_ =	swait.ge [sflag:s20], $0x50  }
0xa1: {  	p0 =	sne.s32 s28, s19;
	[sflag:s20] =	ssyncset.done $0x0  }
.Ltmp2:
0xa2: {  	[sflag:s20] =	ssyncadd.s32 $0xFFFFFFB0;
	(pc) =	sbr.rel @p0 .LBB2_1-.Ltmp2, $4  }
0xa3: {  	[hbm:s18], [sflag:s2] =	dma.local [spmem:s7], $0x50  }
0xa4: {  	_ =	swait.ge [sflag:s20], $0x50  }
0xa5: {  	[sflag:s20] =	ssyncset.done $0x0  }
0xa6: {  	[sflag:s20] =	ssyncadd.s32 $0xFFFFFFB0  }
0xa7: {  	_ =	sfence.sel $0x180000  }
0xa8: {  	[bflag:$0x0] =	sbarrier.arrive $0xFFFF  }
0xa9: {  	_ =	strace $0x90000047  }
0xaa: {  	s0 =	stileid.u32;
	[bflag:$0x2] =	sbarrier.arrive $0xFFFF  }
0xab: {  	p0 =	sne.s32 s0, $0x0;
	s0 =	rddreg [dreg:$0x5]  }
0xac: {  	s0 =	sadd.s32 @!p0 $0x100000, s0  }
0xad: {  	[sflag:s0] =	ssyncadd.tile.s32 @!p0 $0x1;
	_ =	shalt  }
.Lfunc_end2:
_tile_overlayer_lowered:
.L_overlay_start_2:
0xae: {  	(tag) =	ssettag $0x2  }
0xaf: {  	s0 =	rddreg [dreg:$0x0];
	s2 =	stileid.u32  }
0xb0: {  	s1 =	rddreg [dreg:$0x1];
	p0 =	sne.s32 s2, $0x0  }
0xb1: {  	s3 =	rddreg [dreg:$0x2];
	[bflag:$0x3] =	sbarrier.arrive $0xFFFF;
	s2 =	simm.s32 @!p0 $0x1C05  }
0xb2: {  	[timem:s3], [sflag:s2] =	dma.local @!p0 [hbm:s0], s1  }
0xb3: {  	s0 =	simm.s32 @!p0 $0x5  }
0xb4: {  	_ =	swait.ge @!p0 [sflag:s0], s1  }
0xb5: {  	s1 =	ssub.s32 @!p0 $0x0, s1;
	[sflag:s0] =	ssyncset.done @!p0 $0x0  }
0xb6: {  	[sflag:s0] =	ssyncadd.s32 @!p0 s1  }
0xb7: {  	[bflag:$0x3] =	sbarrier.arrive $0xFFFF  }
0xb8: {  	_ =	shalt  }

// kernel: kernel.13.cloned.1.call-start
scs
__scs_entry_jumppad:
0x0: {  	(pc) =	sbr.rel $0x88, $3  }
0x1: {  	(tag) =	ssettag $0x0;
	lr =	simm.s32 $0x1  }
0x2: {  	[smem:$0x3F88] =	sst lr;
	_ =	strace $0xD0000000  }
0x3: {  	_ = 	snop  }
0x4: {  	_ = 	snop  }
0x5: {  	_ = 	snop  }
0x6: {  	_ = 	snop  }
0x7: {  	_ = 	snop  }
__scs_overlays_trampoline_lowered:
0x8: {  	[smem:$0x3F97] =	sst s0  }
0x9: {  	[smem:$0x3F98] =	sst s1  }
0xa: {  	[smem:$0x3F99] =	sst s2  }
0xb: {  	[smem:$0x3F9A] =	sst s3  }
0xc: {  	[smem:$0x3F9B] =	sst s4  }
0xd: {  	[smem:$0x3F9C] =	sst s5  }
0xe: {  	[smem:$0x3F9D] =	sst s6  }
0xf: {  	[smem:$0x3F9E] =	sst s7  }
0x10: {  	[smem:$0x3F9F] =	sst s8  }
0x11: {  	[smem:$0x3FA0] =	sst s9;
	s0 =	simm.s32 @!p0 $0x0  }
0x12: {  	s1 =	sld [smem:$0x3F86];
	s0 =	simm.s32 @p0 $0x1  }
0x13: {  	[smem:$0x3FA1] =	sst s0;
	s0 =	simm.s32 @!p1 $0x0  }
0x14: {  	s2 =	sld [smem:$0x3F85];
	s0 =	simm.s32 @p1 $0x1  }
0x15: {  	[smem:$0x3FA2] =	sst s0;
	s0 =	simm.s32 @!p2 $0x0  }
0x16: {  	s3 =	sld [smem:$0x3FDB];
	s0 =	simm.s32 @p2 $0x1  }
0x17: {  	s4 =	simm.s32 $0x1BF5;
	[smem:$0x3FA4] =	sst s0  }
0x18: {  	s0 =	sld [smem:$0x3F87];
	_ =	swait.ge [sflag:s4], $0x0  }
0x19: {  	s7 =	sld [smem:$0x3F88]  }
0x1a: {  	s8 =	sadd.s32 $0xFFFFE003, lr  }
0x1b: {  	s9 =	sadd.s32 $0xFFFFFEF7, lr;
	s5 =	simm.s32 $0xFFFFFFFF;
	p2 =	slt.u32 s8, $0xFFFFF086  }
0x1c: {  	p1 =	slt.u32 s9, $0xF7A;
	s5 =	simm.s32 @!p2 $0x0  }
0x1d: {  	s5 =	simm.s32 @p1 $0x1;
	p0 =	seq.s32 s7, s2  }
0x1e: {  	s7 =	smul.u32 @!p0 $0xF7A, s2;
	p2 =	seq.s32 @!p0 s5, $0x0  }
0x1f: {  	s9 =	smul.u32 $0xF7A, s1;
	s8 =	simm.s32 @!p0 $0x1BF5;
	p2 =	por !p2, p0  }
0x20: {  	[sflag:s8] =	ssyncset.s32 @!p0 $0xFFFFF086;
	s6 =	sadd.s32 @!p0 s3, s7;
	s7 =	simm.s32 @!p0 $0x108  }
0x21: {  	s3 =	sadd.s32 s3, s9;
	s6 =	sadd.s32 @!p0 $0x88, s6;
	s7 =	simm.s32 @p2 $0x1082  }
0x22: {  	[simem:s7], [sflag:s8] =	dma.local @!p0 [hbm:s6], $0xF7A  }
0x23: {  	s9 =	sor.u32 $0xD0000000, s2;
	s6 =	simm.s32 $0x108;
	_ =	swait.ge @!p0 [sflag:s8], $0x0  }
0x24: {  	s3 =	sadd.s32 $0x88, s3;
	s6 =	simm.s32 @!p1 $0x1082;
	[sflag:s4] =	ssyncset.s32 $0xFFFFF086  }
0x25: {  	[simem:s6], [sflag:s4] =	dma.local [hbm:s3], $0xF7A  }
0x26: {  	[smem:$0x3F88] =	sst s1;
	(tag) =	ssettag s2;
	_ =	strace s9  }
0x27: {  	s1 =	sld [smem:$0x3F98]  }
0x28: {  	s2 =	sld [smem:$0x3F99]  }
0x29: {  	s4 =	sld [smem:$0x3F9B]  }
0x2a: {  	p0 =	seq.s32 s5, $0x0;
	s5 =	sld [smem:$0x3F9C]  }
0x2b: {  	s6 =	sld [smem:$0x3F9D]  }
0x2c: {  	s7 =	sld [smem:$0x3F9E]  }
0x2d: {  	s3 =	simm.s32 $0x108;
	s8 =	sld [smem:$0x3F9F]  }
0x2e: {  	s3 =	simm.s32 @!p0 $0x1082;
	s9 =	sld [smem:$0x3FA0]  }
0x2f: {  	lr =	sadd.s32 s0, s3;
	s0 =	sld [smem:$0x3F97]  }
0x30: {  	s3 =	sld [smem:$0x3F9A]  }
0x31: {  	[smem:$0x3FA3] =	sst s10  }
0x32: {  	s10 =	sld [smem:$0x3FA1];
	_ =	sdelay $0x3  }
0x33: {  	p0 =	seq.s32 s10, $0x1;
	s10 =	sld [smem:$0x3FA3];
	_ =	sdelay $0x3  }
0x34: {  	[smem:$0x3FA3] =	sst s10  }
0x35: {  	s10 =	sld [smem:$0x3FA2];
	_ =	sdelay $0x3  }
0x36: {  	p1 =	seq.s32 s10, $0x1;
	s10 =	sld [smem:$0x3FA3];
	_ =	sdelay $0x3  }
0x37: {  	[smem:$0x3FA3] =	sst s10  }
0x38: {  	s10 =	sld [smem:$0x3FA4]  }
0x39: {  	_ = 	snop;
	(pc) =	sbr.ind lr, $3  }
0x3a: {  	_ = 	snop  }
0x3b: {  	_ = 	snop  }
0x3c: {  	p2 =	seq.s32 s10, $0x1;
	s10 =	sld [smem:$0x3FA3]  }
0x3d: {  	_ =	shalt  }
0x3e: {  	_ =	shalt  }
0x3f: {  	_ =	shalt  }
0x40: {  	_ =	shalt  }
0x41: {  	_ =	shalt  }
0x42: {  	_ =	shalt  }
0x43: {  	_ =	shalt  }
0x44: {  	_ =	shalt  }
0x45: {  	_ =	shalt  }
0x46: {  	_ =	shalt  }
0x47: {  	_ =	shalt  }
0x48: {  	_ =	shalt  }
0x49: {  	_ =	shalt  }
0x4a: {  	_ =	shalt  }
0x4b: {  	_ =	shalt  }
0x4c: {  	_ =	shalt  }
0x4d: {  	_ =	shalt  }
0x4e: {  	_ =	shalt  }
0x4f: {  	_ =	shalt  }
0x50: {  	_ =	shalt  }
0x51: {  	_ =	shalt  }
0x52: {  	_ =	shalt  }
0x53: {  	_ =	shalt  }
0x54: {  	_ =	shalt  }
0x55: {  	_ =	shalt  }
0x56: {  	_ =	shalt  }
0x57: {  	_ =	shalt  }
0x58: {  	_ =	shalt  }
0x59: {  	_ =	shalt  }
0x5a: {  	_ =	shalt  }
0x5b: {  	_ =	shalt  }
0x5c: {  	_ =	shalt  }
0x5d: {  	_ =	shalt  }
0x5e: {  	_ =	shalt  }
0x5f: {  	_ =	shalt  }
0x60: {  	_ =	shalt  }
0x61: {  	_ =	shalt  }
0x62: {  	_ =	shalt  }
0x63: {  	_ =	shalt  }
0x64: {  	_ =	shalt  }
0x65: {  	_ =	shalt  }
0x66: {  	_ =	shalt  }
0x67: {  	_ =	shalt  }
0x68: {  	_ =	shalt  }
0x69: {  	_ =	shalt  }
0x6a: {  	_ =	shalt  }
0x6b: {  	_ =	shalt  }
0x6c: {  	_ =	shalt  }
0x6d: {  	_ =	shalt  }
0x6e: {  	_ =	shalt  }
0x6f: {  	_ =	shalt  }
0x70: {  	_ =	shalt  }
0x71: {  	_ =	shalt  }
0x72: {  	_ =	shalt  }
0x73: {  	_ =	shalt  }
0x74: {  	_ =	shalt  }
0x75: {  	_ =	shalt  }
0x76: {  	_ =	shalt  }
0x77: {  	_ =	shalt  }
0x78: {  	_ =	shalt  }
0x79: {  	_ =	shalt  }
0x7a: {  	_ =	shalt  }
0x7b: {  	_ =	shalt  }
0x7c: {  	_ =	shalt  }
0x7d: {  	_ =	shalt  }
0x7e: {  	_ =	shalt  }
0x7f: {  	_ =	shalt  }
0x80: {  	_ =	shalt  }
0x81: {  	_ =	shalt  }
0x82: {  	_ =	shalt  }
0x83: {  	_ =	shalt  }
0x84: {  	_ =	shalt  }
0x85: {  	_ =	shalt  }
0x86: {  	_ =	shalt  }
0x87: {  	_ =	shalt  }
.Lfunc_end0:
.L_simem_size_0:
called_computation.1_lowered:
.L_overlay_start_0:
0x88: {  	s2 =	sld [smem:$0x3FD9]  }
0x89: {  	s3 =	sld [smem:$0x3FFE];
	_ =	sdelay $0x1  }
0x8a: {  	s1 =	srdreg.scid  }
0x8b: {  	s0 =	sand.u32 $0x1, s1  }
0x8c: {  	s16 =	sshll.u32 s0, $0xA;
	s2 =	sadd.s32 s3, s2  }
0x8d: {  	s2 =	sadd.s32 s2, s16  }
0x8e: {  	[smem:$0x3FAF] =	sst s2  }
0x8f: {  	_ = 	snop  }
0x90: {  	(tm) =	ssettm $0x1  }
0x91: {  	s17 =	sld [smem:$0x3FFB];
	_ =	sdelay $0x3  }
0x92: {  	_ =	strace s17  }
0x93: {  	s2 =	sld [smem:$0x3FFC];
	_ =	sdelay $0x3  }
0x94: {  	_ =	strace s2  }
0x95: {  	s2 =	sld [smem:$0x3FFD];
	_ =	sdelay $0x3  }
0x96: {  	_ =	strace s2  }
0x97: {  	_ =	strace $0x8FFFFFFF  }
0x98: {  	s18 =	sld [smem:$0x3FDB];
	_ =	sdelay $0x1  }
0x99: {  	s19 =	simm.s32 $_scs_section_size  }
0x9a: {  	s4 =	simm.s32 $_size__tile_overlayer_lowered;
	s5 =	simm.s32 $_tile_overlayer_lowered  }
0x9b: {  	s22 =	simm.s32 $0x1BFF;
	s21 =	sshll.u32 s5, $0x1;
	s2 =	sadd.s32 s19, s18  }
0x9c: {  	s6 =	simm.s32 $0x0;
	s20 =	sshll.u32 s4, $0x1;
	s4 =	sadd.s32 s21, s2  }
0x9d: {  	[timem:s6], [sflag:s22] =	dma.local [hbm:s4], s20  }
0x9e: {  	_ =	swait.ge [sflag:s22], s20  }
0x9f: {  	s3 =	ssub.s32 $0x0, s20;
	[sflag:s22] =	ssyncset.done $0x0  }
0xa0: {  	[sflag:s22] =	ssyncadd.s32 s3;
	_ =	sdelay $0x1  }
0xa1: {  	s23 =	simm.s32 $0x1B8B  }
0xa2: {  	_ =	swait.ge [sflag:s23], $0x1  }
0xa3: {  	[sflag:s23] =	ssyncset.done $0x0  }
0xa4: {  	s25 =	simm.s32 $0x1B8E;
	s24 =	sld [smem:$0x3FFE];
	[sflag:s23] =	ssyncadd.s32 $0xFFFFFFFF  }
0xa5: {  	s26 =	simm.s32 $execute0_lowered;
	[smem:$0x3FD2] =	sst s25  }
0xa6: {  	s4 =	sshll.u32 s26, $0x1;
	_ =	strace $0x80000049;
	[dreg:$0x1] =	wrdreg $0xFFFFFFFF  }
0xa7: {  	s28 =	simm.s32 $_size_execute0_lowered;
	s2 =	sadd.s32 s2, s4;
	[dreg:$0x0] =	wrdreg $0x0  }
0xa8: {  	s4 =	sshll.u32 s28, $0x1;
	[dreg:$0x2] =	wrdreg s2  }
0xa9: {  	[dreg:$0x3] =	wrdreg s4  }
0xaa: {  	[dreg:$0x4] =	wrdreg $0xC0  }
0xab: {  	_ =	task [dreg:s6], $0x5FFFF  }
0xac: {  	[dreg:$0x1] =	wrdreg $0xFFFFFFFF  }
0xad: {  	[dreg:$0x0] =	wrdreg $0x60  }
0xae: {  	[dreg:$0x2] =	wrdreg s24  }
0xaf: {  	[dreg:$0x3] =	wrdreg $0xA8000  }
0xb0: {  	[dreg:$0x4] =	wrdreg $0x9  }
0xb1: {  	_ =	task.clear_ibuf [dreg:s6], $0x5FFFF;
	_ =	strace $0x90000049  }
0xb2: {  	s29 =	simm.s32 $0x9;
	_ =	strace $0x8000004B  }
0xb3: {  	_ =	swait.ge [sflag:s29], $0x1  }
0xb4: {  	[sflag:s29] =	ssyncadd.s32 $0xFFFFFFFF  }
0xb5: {  	_ =	strace $0x9000004B  }
0xb6: {  	_ =	sfence  }
0xb7: {  	s30 =	sld [smem:$0x0];
	_ =	sdelay $0x2  }
0xb8: {  	s31 =	sshll.u32 s1, $0xD;
	s1 =	sshrl.u32 s1, $0x2  }
0xb9: {  	s3 =	sand.u32 $0x4000, s31;
	s1 =	sadd.s32 s1, s30  }
0xba: {  	s0 =	sor.u32 s3, s0;
	s1 =	sshll.u32 s1, $0x11  }
0xbb: {  	s0 =	sor.u32 s1, s0  }
0xbc: {  	s0 =	sadd.s32 $0x8F2B, s0  }
0xbd: {  	[sflag:s0] =	ssyncadd.remote.s32 $0x1  }
0xbe: {  	_ =	sfence.sel $0xFFFF  }
0xbf: {  	[dreg:$0x0] =	wrdreg $0xFFFFFFFF;
	(pc) =	sbr.abs _section_cstart, $3  }
0xc0: {  	[dreg:$0x1] =	wrdreg $0xFFFFFFFF  }
0xc1: {  	_ =	task.clear_ibuf [dreg:s6], $0x2FFFF;
	_ =	strace $0x9FFFFFFF  }
0xc2: {  	(tm) =	ssettm $0x7FFFFFFF  }
0xc3: {  	_ =	shalt  }
tec
execute0_lowered:
.L_overlay_start_1:
0x0: {  	(tag) =	ssettag $0x1  }
0x1: {  	s0 =	rddreg [dreg:$0x0]  }
0x2: {  	s1 =	rddreg [dreg:$0x1]  }
0x3: {  	s2 =	simm.s32 $0x0;
	s8 =	srdreg.scid;
	s4 =	stileid.u32  }
0x4: {  	s19 =	simm.s32 $0x2800;
	s20 =	simm.s32 $0x3;
	s21 =	simm.s32 $0x1400  }
0x5: {  	s22 =	simm.s32 $0x80;
	s23 =	simm.s32 $0x6800;
	s24 =	simm.s32 $0x1  }
0x6: {  	s25 =	simm.s32 $0x2;
	s28 =	simm.s32 $0x2700;
	s29 =	simm.s32 $0x2780  }
0x7: {  	[smem:$0x7FF] =	sst s2;
	s3 =	sadd.s32 $0xA7400, s0;
	s5 =	sadd.s32 $0xCE600, s0  }
0x8: {  	s6 =	sadd.s32 $0x7600, s0;
	s7 =	sadd.s32 $0x25600, s0;
	s10 =	sand.u32 $0x1, s8  }
0x9: {  	s8 =	sadd.s32 $0x11600, s0;
	s13 =	smul.u32 $0x50000, s4;
	s9 =	sadd.s32 $0x1B600, s0  }
0xa: {  	s11 =	sadd.s32 $0xF5800, s0;
	s0 =	sadd.s32 $0x11D800, s0;
	s31 =	smul.u32 $0x2800, s4  }
0xb: {  	_ =	strace $0x8000004A;
	s12 =	ssub.s32 $0x2, s10;
	[dreg:$0x3] =	wrdreg s11  }
.Ltmp0:
0xc: {  	[dreg:$0x4] =	wrdreg s0;
	s14 =	sshrl.u32 s12, $0x1;
	(pc) =	sbr.rel .LBB2_1-.Ltmp0, $4  }
0xd: {  	p0 =	sne.s32 s10, $0x0;
	s30 =	sshrl.u32 s13, $0x2;
	s26 =	ssub.s32 s12, s14  }
0xe: {  	[dreg:$0x5] =	wrdreg s31;
	s12 =	sadd.s32 s30, s1;
	s0 =	smax.u32 s26, $0x1  }
0xf: {  	s15 =	sadd.s32 $0x4000, s12;
	s16 =	sadd.s32 $0x8000, s12;
	s17 =	sadd.s32 $0xC000, s12  }
0x10: {  	v0 =	vimm.f32 $0.0e+00;
	s18 =	sadd.s32 $0x10000, s12;
	s26 =	simm.s32 $0x1380;
	[dreg:$0x6] =	wrdreg s0  }
.LBB2_16:
0x11: {  	s10 =	rddreg [dreg:$0x5];
	s30 =	sshll.u32 s4, $0x6;
	[bflag:$0x0] =	sbarrier.arrive $0xFFFF  }
0x12: {  	s11 =	sshrl.u32 s12, $0x3;
	s0 =	sadd.s32 s0, s10;
	s10 =	sor.u32 $0x1C03, s30  }
0x13: {  	[hbm:s0], [sflag:s10] =	dma.local [spmem:s11], $0x2800  }
0x14: {  	_ =	swait.ge [sflag:s20], $0x2800  }
0x15: {  	s2 =	sadd.s32 $0x1, s2;
	s31 =	rddreg [dreg:$0x6]  }
0x16: {  	p1 =	sne.s32 s2, s31  }
.Ltmp1:
0x17: {  	_ = 	snop;
	(pc) =	sbr.rel @!p1 .LBB2_17-.Ltmp1, $3  }
0x18: {  	_ =	sdelay $0x1  }
0x19: {  	[sflag:s20] =	ssyncset.done $0x0  }
0x1a: {  	[sflag:s20] =	ssyncadd.s32 $0xFFFFD800  }
.LBB2_1:
0x1b: {  	s0 =	simm.s32 $0x0;
	s30 =	simm.s32 $0x200  }
.LBB2_2:
0x1c: {  	p1 =	sne.s32 s30, $0xFE00;
	[tilespmem:s0+$0x2870] =	vst v0  }
0x1d: {  	[tilespmem:s0+$0x2800] =	vst v0  }
0x1e: {  	[tilespmem:s0+$0x2810] =	vst v0  }
.Ltmp2:
0x1f: {  	[tilespmem:s0+$0x2820] =	vst v0;
	(pc) =	sbr.rel @p1 .LBB2_2-.Ltmp2, $4  }
0x20: {  	[tilespmem:s0+$0x2830] =	vst v0  }
0x21: {  	[tilespmem:s0+$0x2840] =	vst v0  }
0x22: {  	[tilespmem:s0+$0x2850] =	vst v0  }
0x23: {  	[tilespmem:s0+$0x2860] =	vst v0;
	s0 =	sshra.s32 s30, $0x2;
	s30 =	sadd.s32 $0x200, s30  }
0x24: {  	[tilespmem:s0+$0x2870] =	vst v0  }
0x25: {  	[tilespmem:s0+$0x2800] =	vst v0  }
0x26: {  	[tilespmem:s0+$0x2810] =	vst v0  }
0x27: {  	[tilespmem:s0+$0x2820] =	vst v0  }
0x28: {  	[tilespmem:s0+$0x2830] =	vst v0  }
0x29: {  	[tilespmem:s0+$0x2840] =	vst v0  }
0x2a: {  	[tilespmem:s0+$0x2850] =	vst v0  }
0x2b: {  	[tilespmem:s0+$0x2860] =	vst v0  }
0x2c: {  	[spmem:s12] =	stream.linear.scatter [tilespmem:s19], [sflag:$0x3], $0x4000, $0x38;
	[tilespmem:$0x1E800] =	vst v63  }
0x2d: {  	_ =	swait.ge [sflag:s20], $0x4000  }
0x2e: {  	[sflag:s20] =	ssyncset.done $0x0  }
0x2f: {  	[sflag:s20] =	ssyncadd.s32 $0xFFFFC000  }
0x30: {  	[spmem:s15] =	stream.linear.scatter [tilespmem:s19], [sflag:$0x3], $0x4000, $0x38;
	[tilespmem:$0x1E800] =	vst v63  }
0x31: {  	_ =	swait.ge [sflag:s20], $0x4000  }
0x32: {  	[sflag:s20] =	ssyncset.done $0x0  }
0x33: {  	[sflag:s20] =	ssyncadd.s32 $0xFFFFC000  }
0x34: {  	[spmem:s16] =	stream.linear.scatter [tilespmem:s19], [sflag:$0x3], $0x4000, $0x38;
	[tilespmem:$0x1E800] =	vst v63  }
0x35: {  	_ =	swait.ge [sflag:s20], $0x4000  }
0x36: {  	[sflag:s20] =	ssyncset.done $0x0  }
0x37: {  	[sflag:s20] =	ssyncadd.s32 $0xFFFFC000  }
0x38: {  	[spmem:s17] =	stream.linear.scatter [tilespmem:s19], [sflag:$0x3], $0x4000, $0x38;
	[tilespmem:$0x1E800] =	vst v63  }
0x39: {  	_ =	swait.ge [sflag:s20], $0x4000  }
0x3a: {  	[sflag:s20] =	ssyncset.done $0x0  }
0x3b: {  	[sflag:s20] =	ssyncadd.s32 $0xFFFFC000  }
0x3c: {  	[spmem:s18] =	stream.linear.scatter [tilespmem:s19], [sflag:$0x3], $0x4000, $0x38;
	[tilespmem:$0x1E800] =	vst v63  }
.Ltmp3:
0x3d: {  	_ =	swait.ge [sflag:s20], $0x4000;
	(pc) =	sbr.rel @p0 .LBB2_10-.Ltmp3, $4  }
0x3e: {  	[sflag:s20] =	ssyncset.done $0x0  }
0x3f: {  	[sflag:s20] =	ssyncadd.s32 $0xFFFFC000  }
0x40: {  	s30 =	simm.s32 $0x0;
	[bflag:$0x0] =	sbarrier.arrive $0xFFFF  }
0x41: {  	p2 =	por $0x1, $0x1;
	s0 =	simm.s32 $0x0;
	s10 =	simm.s32 $0x0  }
.LBB2_4:
0x42: {  	s0 =	sor.u32 s4, s0  }
0x43: {  	s0 =	smul.u32 $0x2800, s0;
	_ =	sdelay $0x1  }
0x44: {  	s31 =	sshrl.u32 s0, $0x3  }
0x45: {  	s0 =	sadd.s32 s6, s31  }
0x46: {  	[tilespmem:s30], [sflag:$0x3] =	stream.linear.gather [hbm4b:s0+s30], $0x1400, $0x38;
	[tilespmem:$0x1E800] =	vst v63  }
0x47: {  	_ =	swait.ge [sflag:s20], $0x1400  }
0x48: {  	[sflag:s20] =	ssyncset.done $0x0  }
0x49: {  	s14 =	sadd.s32 s9, s31;
	[sflag:s20] =	ssyncadd.s32 $0xFFFFEC00  }
0x4a: {  	[tilespmem:s21], [sflag:$0x3] =	stream.linear.gather [hbm4b:s14+s30], $0x1400, $0x38;
	[tilespmem:$0x1E800] =	vst v63  }
0x4b: {  	_ =	swait.ge [sflag:s20], $0x1400  }
0x4c: {  	[sflag:s20] =	ssyncset.done $0x0  }
0x4d: {  	[sflag:s20] =	ssyncadd.s32 $0xFFFFEC00  }
0x4e: {  	[tilespmem:s19], [sflag:$0x1] =	stream.indirect.gather [hbm4b:s3+s22], $0x80, s30, s22, $0xb8;
	[tilespmem:$0x1E800] =	vst v63  }
0x4f: {  	s10 =	simm.s32 $0x80  }
0x50: {  	[tilespmem:s23], [sflag:$0x2] =	stream.indirect.gather [hbm4b:s3+s22], $0x80, s10, s22, $0xb8;
	[tilespmem:$0x1E800] =	vst v63  }
0x51: {  	_ =	swait.ge [sflag:s24], $0x4000  }
0x52: {  	[sflag:s24] =	ssyncset.done $0x0  }
0x53: {  	s11 =	simm.s32 $0x1400;
	[sflag:s24] =	ssyncadd.s32 $0xFFFFC000  }
0x54: {  	[spmem:s1] =	stream.indirect.scatter.add.f32 [tilespmem:s19], [sflag:$0x3], $0x80, s11, s22, $0xb8;
	[tilespmem:$0x1E800] =	vst v63  }
0x55: {  	_ =	swait.ge [sflag:s20], $0x4000  }
0x56: {  	[sflag:s20] =	ssyncset.done $0x0  }
0x57: {  	s13 =	simm.s32 $0x100;
	[sflag:s20] =	ssyncadd.s32 $0xFFFFC000  }
0x58: {  	[tilespmem:s19], [sflag:$0x1] =	stream.indirect.gather [hbm4b:s3+s22], $0x80, s13, s22, $0xb8;
	[tilespmem:$0x1E800] =	vst v63  }
0x59: {  	_ =	swait.ge [sflag:s25], $0x4000  }
0x5a: {  	[sflag:s25] =	ssyncset.done $0x0  }
0x5b: {  	s14 =	simm.s32 $0x1480;
	[sflag:s25] =	ssyncadd.s32 $0xFFFFC000  }
0x5c: {  	[spmem:s1] =	stream.indirect.scatter.add.f32 [tilespmem:s23], [sflag:$0x3], $0x80, s14, s22, $0xb8;
	[tilespmem:$0x1E800] =	vst v63  }
0x5d: {  	p1 =	por p2, p2;
	_ =	swait.ge [sflag:s20], $0x4000  }
0x5e: {  	s0 =	simm.s32 $0x100;
	s10 =	simm.s32 $0x800;
	[sflag:s20] =	ssyncset.done $0x0  }
.LBB2_5:
0x5f: {  	s11 =	sadd.s32 $0x80, s0  }
0x60: {  	[sflag:s20] =	ssyncadd.s32 $0xFFFFC000;
	s13 =	smov.u32 s10;
	s14 =	sadd.s32 $0x400, s10  }
0x61: {  	[tilespmem:s23], [sflag:$0x2] =	stream.indirect.gather [hbm4b:s3+s22], $0x80, s11, s22, $0xb8;
	[tilespmem:$0x1E800] =	vst v63  }
0x62: {  	p2 =	sne.s32 s10, $0x4800;
	_ =	swait.ge [sflag:s24], $0x4000  }
0x63: {  	[sflag:s24] =	ssyncset.done $0x0  }
0x64: {  	s10 =	sadd.s32 $0x1400, s0;
	[sflag:s24] =	ssyncadd.s32 $0xFFFFC000  }
0x65: {  	[spmem:s1] =	stream.indirect.scatter.add.f32 [tilespmem:s19], [sflag:$0x3], $0x80, s10, s22, $0xb8;
	[tilespmem:$0x1E800] =	vst v63  }
0x66: {  	_ =	swait.ge [sflag:s20], $0x4000  }
0x67: {  	[sflag:s20] =	ssyncset.done $0x0  }
0x68: {  	s10 =	sadd.s32 $0x100, s0;
	[sflag:s20] =	ssyncadd.s32 $0xFFFFC000  }
0x69: {  	[tilespmem:s19], [sflag:$0x1] =	stream.indirect.gather [hbm4b:s3+s22], $0x80, s10, s22, $0xb8;
	[tilespmem:$0x1E800] =	vst v63  }
0x6a: {  	_ =	swait.ge [sflag:s25], $0x4000  }
.Ltmp4:
0x6b: {  	[sflag:s25] =	ssyncset.done $0x0;
	(pc) =	sbr.rel @p2 .LBB2_5-.Ltmp4, $4  }
0x6c: {  	s0 =	sadd.s32 $0x1480, s0;
	[sflag:s25] =	ssyncadd.s32 $0xFFFFC000  }
0x6d: {  	[spmem:s1] =	stream.indirect.scatter.add.f32 [tilespmem:s23], [sflag:$0x3], $0x80, s0, s22, $0xb8;
	[tilespmem:$0x1E800] =	vst v63  }
0x6e: {  	_ =	swait.ge [sflag:s20], $0x4000  }
0x6f: {  	s10 =	smov.u32 s14;
	s0 =	sshra.s32 s13, $0x2;
	[sflag:s20] =	ssyncset.done $0x0  }
0x70: {  	s10 =	sadd.s32 $0x80, s0;
	[sflag:s20] =	ssyncadd.s32 $0xFFFFC000  }
0x71: {  	[tilespmem:s23], [sflag:$0x2] =	stream.indirect.gather [hbm4b:s3+s22], $0x80, s10, s22, $0xb8;
	[tilespmem:$0x1E800] =	vst v63  }
0x72: {  	_ =	swait.ge [sflag:s24], $0x4000  }
0x73: {  	[sflag:s24] =	ssyncset.done $0x0  }
0x74: {  	s14 =	sadd.s32 $0x1400, s0;
	[sflag:s24] =	ssyncadd.s32 $0xFFFFC000  }
0x75: {  	[spmem:s1] =	stream.indirect.scatter.add.f32 [tilespmem:s19], [sflag:$0x3], $0x80, s14, s22, $0xb8;
	[tilespmem:$0x1E800] =	vst v63  }
0x76: {  	_ =	swait.ge [sflag:s20], $0x4000  }
0x77: {  	[sflag:s20] =	ssyncset.done $0x0  }
0x78: {  	s11 =	sadd.s32 $0x100, s0;
	[sflag:s20] =	ssyncadd.s32 $0xFFFFC000  }
0x79: {  	[tilespmem:s19], [sflag:$0x1] =	stream.indirect.gather [hbm4b:s3+s22], $0x80, s11, s22, $0xb8;
	[tilespmem:$0x1E800] =	vst v63  }
0x7a: {  	_ =	swait.ge [sflag:s25], $0x4000  }
0x7b: {  	[sflag:s25] =	ssyncset.done $0x0  }
0x7c: {  	s13 =	sadd.s32 $0x1480, s0;
	[sflag:s25] =	ssyncadd.s32 $0xFFFFC000  }
0x7d: {  	[spmem:s1] =	stream.indirect.scatter.add.f32 [tilespmem:s23], [sflag:$0x3], $0x80, s13, s22, $0xb8;
	[tilespmem:$0x1E800] =	vst v63  }
0x7e: {  	_ =	swait.ge [sflag:s20], $0x4000  }
0x7f: {  	[sflag:s20] =	ssyncset.done $0x0  }
0x80: {  	[sflag:s20] =	ssyncadd.s32 $0xFFFFC000  }
0x81: {  	[tilespmem:s23], [sflag:$0x2] =	stream.indirect.gather [hbm4b:s3+s22], $0x80, s26, s22, $0xb8;
	[tilespmem:$0x1E800] =	vst v63  }
0x82: {  	_ =	swait.ge [sflag:s24], $0x4000  }
0x83: {  	[sflag:s24] =	ssyncset.done $0x0  }
0x84: {  	[sflag:s24] =	ssyncadd.s32 $0xFFFFC000  }
0x85: {  	[spmem:s1] =	stream.indirect.scatter.add.f32 [tilespmem:s19], [sflag:$0x3], $0x80, s28, s22, $0xb8;
	[tilespmem:$0x1E800] =	vst v63  }
0x86: {  	_ =	swait.ge [sflag:s20], $0x4000  }
0x87: {  	[sflag:s20] =	ssyncset.done $0x0  }
0x88: {  	[sflag:s20] =	ssyncadd.s32 $0xFFFFC000  }
0x89: {  	_ =	swait.ge [sflag:s25], $0x4000  }
0x8a: {  	[sflag:s25] =	ssyncset.done $0x0  }
0x8b: {  	[sflag:s25] =	ssyncadd.s32 $0xFFFFC000  }
0x8c: {  	[spmem:s1] =	stream.indirect.scatter.add.f32 [tilespmem:s23], [sflag:$0x3], $0x80, s29, s22, $0xb8;
	[tilespmem:$0x1E800] =	vst v63  }
0x8d: {  	_ =	swait.ge [sflag:s20], $0x4000  }
0x8e: {  	s14 =	sadd.s32 $0x280, s31;
	[sflag:s20] =	ssyncset.done $0x0  }
0x8f: {  	s31 =	sadd.s32 s6, s14;
	s11 =	simm.s32 $0x0;
	[sflag:s20] =	ssyncadd.s32 $0xFFFFC000  }
0x90: {  	[tilespmem:s11], [sflag:$0x3] =	stream.linear.gather [hbm4b:s31+s11], $0x1400, $0x38;
	[tilespmem:$0x1E800] =	vst v63  }
0x91: {  	_ =	swait.ge [sflag:s20], $0x1400  }
0x92: {  	[sflag:s20] =	ssyncset.done $0x0  }
0x93: {  	s0 =	sadd.s32 s9, s14;
	[sflag:s20] =	ssyncadd.s32 $0xFFFFEC00  }
0x94: {  	[tilespmem:s21], [sflag:$0x3] =	stream.linear.gather [hbm4b:s0+s11], $0x1400, $0x38;
	[tilespmem:$0x1E800] =	vst v63  }
0x95: {  	_ =	swait.ge [sflag:s20], $0x1400  }
0x96: {  	[sflag:s20] =	ssyncset.done $0x0  }
0x97: {  	[sflag:s20] =	ssyncadd.s32 $0xFFFFEC00  }
0x98: {  	[tilespmem:s19], [sflag:$0x1] =	stream.indirect.gather [hbm4b:s3+s22], $0x80, s11, s22, $0xb8;
	[tilespmem:$0x1E800] =	vst v63  }
0x99: {  	s11 =	simm.s32 $0x80  }
0x9a: {  	[tilespmem:s23], [sflag:$0x2] =	stream.indirect.gather [hbm4b:s3+s22], $0x80, s11, s22, $0xb8;
	[tilespmem:$0x1E800] =	vst v63  }
0x9b: {  	_ =	swait.ge [sflag:s24], $0x4000  }
0x9c: {  	[sflag:s24] =	ssyncset.done $0x0  }
0x9d: {  	s13 =	simm.s32 $0x1400;
	[sflag:s24] =	ssyncadd.s32 $0xFFFFC000  }
0x9e: {  	[spmem:s1] =	stream.indirect.scatter.add.f32 [tilespmem:s19], [sflag:$0x3], $0x80, s13, s22, $0xb8;
	[tilespmem:$0x1E800] =	vst v63  }
0x9f: {  	_ =	swait.ge [sflag:s20], $0x4000  }
0xa0: {  	[sflag:s20] =	ssyncset.done $0x0  }
0xa1: {  	s14 =	simm.s32 $0x100;
	[sflag:s20] =	ssyncadd.s32 $0xFFFFC000  }
0xa2: {  	[tilespmem:s19], [sflag:$0x1] =	stream.indirect.gather [hbm4b:s3+s22], $0x80, s14, s22, $0xb8;
	[tilespmem:$0x1E800] =	vst v63  }
0xa3: {  	_ =	swait.ge [sflag:s25], $0x4000  }
0xa4: {  	[sflag:s25] =	ssyncset.done $0x0  }
0xa5: {  	s31 =	simm.s32 $0x1480;
	[sflag:s25] =	ssyncadd.s32 $0xFFFFC000  }
0xa6: {  	[spmem:s1] =	stream.indirect.scatter.add.f32 [tilespmem:s23], [sflag:$0x3], $0x80, s31, s22, $0xb8;
	[tilespmem:$0x1E800] =	vst v63  }
0xa7: {  	_ =	swait.ge [sflag:s20], $0x4000  }
0xa8: {  	s10 =	simm.s32 $0x800;
	s0 =	simm.s32 $0x100;
	[sflag:s20] =	ssyncset.done $0x0  }
.LBB2_7:
0xa9: {  	s11 =	sadd.s32 $0x80, s0  }
0xaa: {  	[sflag:s20] =	ssyncadd.s32 $0xFFFFC000;
	s13 =	smov.u32 s10;
	s14 =	sadd.s32 $0x400, s10  }
0xab: {  	[tilespmem:s23], [sflag:$0x2] =	stream.indirect.gather [hbm4b:s3+s22], $0x80, s11, s22, $0xb8;
	[tilespmem:$0x1E800] =	vst v63  }
0xac: {  	p2 =	sne.s32 s10, $0x4800;
	_ =	swait.ge [sflag:s24], $0x4000  }
0xad: {  	[sflag:s24] =	ssyncset.done $0x0  }
0xae: {  	s10 =	sadd.s32 $0x1400, s0;
	[sflag:s24] =	ssyncadd.s32 $0xFFFFC000  }
0xaf: {  	[spmem:s1] =	stream.indirect.scatter.add.f32 [tilespmem:s19], [sflag:$0x3], $0x80, s10, s22, $0xb8;
	[tilespmem:$0x1E800] =	vst v63  }
0xb0: {  	_ =	swait.ge [sflag:s20], $0x4000  }
0xb1: {  	[sflag:s20] =	ssyncset.done $0x0  }
0xb2: {  	s10 =	sadd.s32 $0x100, s0;
	[sflag:s20] =	ssyncadd.s32 $0xFFFFC000  }
0xb3: {  	[tilespmem:s19], [sflag:$0x1] =	stream.indirect.gather [hbm4b:s3+s22], $0x80, s10, s22, $0xb8;
	[tilespmem:$0x1E800] =	vst v63  }
0xb4: {  	_ =	swait.ge [sflag:s25], $0x4000  }
.Ltmp5:
0xb5: {  	[sflag:s25] =	ssyncset.done $0x0;
	(pc) =	sbr.rel @p2 .LBB2_7-.Ltmp5, $4  }
0xb6: {  	s0 =	sadd.s32 $0x1480, s0;
	[sflag:s25] =	ssyncadd.s32 $0xFFFFC000  }
0xb7: {  	[spmem:s1] =	stream.indirect.scatter.add.f32 [tilespmem:s23], [sflag:$0x3], $0x80, s0, s22, $0xb8;
	[tilespmem:$0x1E800] =	vst v63  }
0xb8: {  	_ =	swait.ge [sflag:s20], $0x4000  }
0xb9: {  	s10 =	smov.u32 s14;
	s0 =	sshra.s32 s13, $0x2;
	[sflag:s20] =	ssyncset.done $0x0  }
0xba: {  	s10 =	sadd.s32 $0x80, s0;
	[sflag:s20] =	ssyncadd.s32 $0xFFFFC000  }
0xbb: {  	[tilespmem:s23], [sflag:$0x2] =	stream.indirect.gather [hbm4b:s3+s22], $0x80, s10, s22, $0xb8;
	[tilespmem:$0x1E800] =	vst v63  }
0xbc: {  	_ =	swait.ge [sflag:s24], $0x4000  }
0xbd: {  	[sflag:s24] =	ssyncset.done $0x0  }
0xbe: {  	s13 =	sadd.s32 $0x1400, s0;
	[sflag:s24] =	ssyncadd.s32 $0xFFFFC000  }
0xbf: {  	[spmem:s1] =	stream.indirect.scatter.add.f32 [tilespmem:s19], [sflag:$0x3], $0x80, s13, s22, $0xb8;
	[tilespmem:$0x1E800] =	vst v63  }
0xc0: {  	_ =	swait.ge [sflag:s20], $0x4000  }
0xc1: {  	[sflag:s20] =	ssyncset.done $0x0  }
0xc2: {  	s14 =	sadd.s32 $0x100, s0;
	[sflag:s20] =	ssyncadd.s32 $0xFFFFC000  }
0xc3: {  	[tilespmem:s19], [sflag:$0x1] =	stream.indirect.gather [hbm4b:s3+s22], $0x80, s14, s22, $0xb8;
	[tilespmem:$0x1E800] =	vst v63  }
0xc4: {  	_ =	swait.ge [sflag:s25], $0x4000  }
0xc5: {  	[sflag:s25] =	ssyncset.done $0x0  }
0xc6: {  	s31 =	sadd.s32 $0x1480, s0;
	[sflag:s25] =	ssyncadd.s32 $0xFFFFC000  }
0xc7: {  	[spmem:s1] =	stream.indirect.scatter.add.f32 [tilespmem:s23], [sflag:$0x3], $0x80, s31, s22, $0xb8;
	[tilespmem:$0x1E800] =	vst v63  }
0xc8: {  	_ =	swait.ge [sflag:s20], $0x4000  }
0xc9: {  	[sflag:s20] =	ssyncset.done $0x0  }
0xca: {  	[sflag:s20] =	ssyncadd.s32 $0xFFFFC000  }
0xcb: {  	[tilespmem:s23], [sflag:$0x2] =	stream.indirect.gather [hbm4b:s3+s22], $0x80, s26, s22, $0xb8;
	[tilespmem:$0x1E800] =	vst v63  }
0xcc: {  	_ =	swait.ge [sflag:s24], $0x4000  }
0xcd: {  	[sflag:s24] =	ssyncset.done $0x0  }
0xce: {  	[sflag:s24] =	ssyncadd.s32 $0xFFFFC000  }
0xcf: {  	[spmem:s1] =	stream.indirect.scatter.add.f32 [tilespmem:s19], [sflag:$0x3], $0x80, s28, s22, $0xb8;
	[tilespmem:$0x1E800] =	vst v63  }
0xd0: {  	_ =	swait.ge [sflag:s20], $0x4000  }
0xd1: {  	[sflag:s20] =	ssyncset.done $0x0  }
0xd2: {  	[sflag:s20] =	ssyncadd.s32 $0xFFFFC000  }
0xd3: {  	_ =	swait.ge [sflag:s25], $0x4000  }
0xd4: {  	[sflag:s25] =	ssyncset.done $0x0  }
.Ltmp6:
0xd5: {  	[sflag:s25] =	ssyncadd.s32 $0xFFFFC000;
	(pc) =	sbr.rel @p1 .LBB2_4-.Ltmp6, $4  }
0xd6: {  	[spmem:s1] =	stream.indirect.scatter.add.f32 [tilespmem:s23], [sflag:$0x3], $0x80, s29, s22, $0xb8;
	[tilespmem:$0x1E800] =	vst v63  }
0xd7: {  	_ =	swait.ge [sflag:s20], $0x4000  }
0xd8: {  	[sflag:s20] =	ssyncset.done $0x0  }
0xd9: {  	s0 =	simm.s32 $0x10;
	p2 =	por $0x0, $0x0;
	[sflag:s20] =	ssyncadd.s32 $0xFFFFC000  }
.Ltmp7:
0xda: {  	(pc) =	sbr.rel .LBB2_16-.Ltmp7, $2  }
0xdb: {  	_ =	sdelay $0x2  }
0xdc: {  	s0 =	rddreg [dreg:$0x3]  }
.LBB2_10:
0xdd: {  	s0 =	sor.u32 s4, s10  }
0xde: {  	s0 =	smul.u32 $0x2800, s0;
	_ =	sdelay $0x1  }
0xdf: {  	s31 =	sshrl.u32 s0, $0x3  }
0xe0: {  	s0 =	sadd.s32 s7, s31  }
0xe1: {  	[tilespmem:s30], [sflag:$0x3] =	stream.linear.gather [hbm4b:s0+s30], $0x1400, $0x38;
	[tilespmem:$0x1E800] =	vst v63  }
0xe2: {  	_ =	swait.ge [sflag:s20], $0x1400  }
0xe3: {  	[sflag:s20] =	ssyncset.done $0x0  }
0xe4: {  	s14 =	sadd.s32 s8, s31;
	[sflag:s20] =	ssyncadd.s32 $0xFFFFEC00  }
0xe5: {  	[tilespmem:s21], [sflag:$0x3] =	stream.linear.gather [hbm4b:s14+s30], $0x1400, $0x38;
	[tilespmem:$0x1E800] =	vst v63  }
0xe6: {  	_ =	swait.ge [sflag:s20], $0x1400  }
0xe7: {  	[sflag:s20] =	ssyncset.done $0x0  }
0xe8: {  	[sflag:s20] =	ssyncadd.s32 $0xFFFFEC00  }
0xe9: {  	[tilespmem:s19], [sflag:$0x1] =	stream.indirect.gather [hbm4b:s5+s22], $0x80, s30, s22, $0xb8;
	[tilespmem:$0x1E800] =	vst v63  }
0xea: {  	s10 =	simm.s32 $0x80  }
0xeb: {  	[tilespmem:s23], [sflag:$0x2] =	stream.indirect.gather [hbm4b:s5+s22], $0x80, s10, s22, $0xb8;
	[tilespmem:$0x1E800] =	vst v63  }
0xec: {  	_ =	swait.ge [sflag:s24], $0x4000  }
0xed: {  	[sflag:s24] =	ssyncset.done $0x0  }
0xee: {  	s11 =	simm.s32 $0x1400;
	[sflag:s24] =	ssyncadd.s32 $0xFFFFC000  }
0xef: {  	[spmem:s1] =	stream.indirect.scatter.add.f32 [tilespmem:s19], [sflag:$0x3], $0x80, s11, s22, $0xb8;
	[tilespmem:$0x1E800] =	vst v63  }
0xf0: {  	_ =	swait.ge [sflag:s20], $0x4000  }
0xf1: {  	[sflag:s20] =	ssyncset.done $0x0  }
0xf2: {  	s13 =	simm.s32 $0x100;
	[sflag:s20] =	ssyncadd.s32 $0xFFFFC000  }
0xf3: {  	[tilespmem:s19], [sflag:$0x1] =	stream.indirect.gather [hbm4b:s5+s22], $0x80, s13, s22, $0xb8;
	[tilespmem:$0x1E800] =	vst v63  }
0xf4: {  	_ =	swait.ge [sflag:s25], $0x4000  }
0xf5: {  	[sflag:s25] =	ssyncset.done $0x0  }
0xf6: {  	s14 =	simm.s32 $0x1480;
	[sflag:s25] =	ssyncadd.s32 $0xFFFFC000  }
0xf7: {  	[spmem:s1] =	stream.indirect.scatter.add.f32 [tilespmem:s23], [sflag:$0x3], $0x80, s14, s22, $0xb8;
	[tilespmem:$0x1E800] =	vst v63  }
0xf8: {  	p1 =	por p2, p2;
	_ =	swait.ge [sflag:s20], $0x4000  }
0xf9: {  	s0 =	simm.s32 $0x100;
	s10 =	simm.s32 $0x800;
	[sflag:s20] =	ssyncset.done $0x0  }
.LBB2_11:
0xfa: {  	s11 =	sadd.s32 $0x80, s0  }
0xfb: {  	[sflag:s20] =	ssyncadd.s32 $0xFFFFC000;
	s13 =	smov.u32 s10;
	s14 =	sadd.s32 $0x400, s10  }
0xfc: {  	[tilespmem:s23], [sflag:$0x2] =	stream.indirect.gather [hbm4b:s5+s22], $0x80, s11, s22, $0xb8;
	[tilespmem:$0x1E800] =	vst v63  }
0xfd: {  	p2 =	sne.s32 s10, $0x4800;
	_ =	swait.ge [sflag:s24], $0x4000  }
0xfe: {  	[sflag:s24] =	ssyncset.done $0x0  }
0xff: {  	s10 =	sadd.s32 $0x1400, s0;
	[sflag:s24] =	ssyncadd.s32 $0xFFFFC000  }
0x100: {  	[spmem:s1] =	stream.indirect.scatter.add.f32 [tilespmem:s19], [sflag:$0x3], $0x80, s10, s22, $0xb8;
	[tilespmem:$0x1E800] =	vst v63  }
0x101: {  	_ =	swait.ge [sflag:s20], $0x4000  }
0x102: {  	[sflag:s20] =	ssyncset.done $0x0  }
0x103: {  	s10 =	sadd.s32 $0x100, s0;
	[sflag:s20] =	ssyncadd.s32 $0xFFFFC000  }
0x104: {  	[tilespmem:s19], [sflag:$0x1] =	stream.indirect.gather [hbm4b:s5+s22], $0x80, s10, s22, $0xb8;
	[tilespmem:$0x1E800] =	vst v63  }
0x105: {  	_ =	swait.ge [sflag:s25], $0x4000  }
.Ltmp8:
0x106: {  	[sflag:s25] =	ssyncset.done $0x0;
	(pc) =	sbr.rel @p2 .LBB2_11-.Ltmp8, $4  }
0x107: {  	s0 =	sadd.s32 $0x1480, s0;
	[sflag:s25] =	ssyncadd.s32 $0xFFFFC000  }
0x108: {  	[spmem:s1] =	stream.indirect.scatter.add.f32 [tilespmem:s23], [sflag:$0x3], $0x80, s0, s22, $0xb8;
	[tilespmem:$0x1E800] =	vst v63  }
0x109: {  	_ =	swait.ge [sflag:s20], $0x4000  }
0x10a: {  	s10 =	smov.u32 s14;
	s0 =	sshra.s32 s13, $0x2;
	[sflag:s20] =	ssyncset.done $0x0  }
0x10b: {  	s10 =	sadd.s32 $0x80, s0;
	[sflag:s20] =	ssyncadd.s32 $0xFFFFC000  }
0x10c: {  	[tilespmem:s23], [sflag:$0x2] =	stream.indirect.gather [hbm4b:s5+s22], $0x80, s10, s22, $0xb8;
	[tilespmem:$0x1E800] =	vst v63  }
0x10d: {  	_ =	swait.ge [sflag:s24], $0x4000  }
0x10e: {  	[sflag:s24] =	ssyncset.done $0x0  }
0x10f: {  	s14 =	sadd.s32 $0x1400, s0;
	[sflag:s24] =	ssyncadd.s32 $0xFFFFC000  }
0x110: {  	[spmem:s1] =	stream.indirect.scatter.add.f32 [tilespmem:s19], [sflag:$0x3], $0x80, s14, s22, $0xb8;
	[tilespmem:$0x1E800] =	vst v63  }
0x111: {  	_ =	swait.ge [sflag:s20], $0x4000  }
0x112: {  	[sflag:s20] =	ssyncset.done $0x0  }
0x113: {  	s11 =	sadd.s32 $0x100, s0;
	[sflag:s20] =	ssyncadd.s32 $0xFFFFC000  }
0x114: {  	[tilespmem:s19], [sflag:$0x1] =	stream.indirect.gather [hbm4b:s5+s22], $0x80, s11, s22, $0xb8;
	[tilespmem:$0x1E800] =	vst v63  }
0x115: {  	_ =	swait.ge [sflag:s25], $0x4000  }
0x116: {  	[sflag:s25] =	ssyncset.done $0x0  }
0x117: {  	s13 =	sadd.s32 $0x1480, s0;
	[sflag:s25] =	ssyncadd.s32 $0xFFFFC000  }
0x118: {  	[spmem:s1] =	stream.indirect.scatter.add.f32 [tilespmem:s23], [sflag:$0x3], $0x80, s13, s22, $0xb8;
	[tilespmem:$0x1E800] =	vst v63  }
0x119: {  	_ =	swait.ge [sflag:s20], $0x4000  }
0x11a: {  	[sflag:s20] =	ssyncset.done $0x0  }
0x11b: {  	[sflag:s20] =	ssyncadd.s32 $0xFFFFC000  }
0x11c: {  	[tilespmem:s23], [sflag:$0x2] =	stream.indirect.gather [hbm4b:s5+s22], $0x80, s26, s22, $0xb8;
	[tilespmem:$0x1E800] =	vst v63  }
0x11d: {  	_ =	swait.ge [sflag:s24], $0x4000  }
0x11e: {  	[sflag:s24] =	ssyncset.done $0x0  }
0x11f: {  	[sflag:s24] =	ssyncadd.s32 $0xFFFFC000  }
0x120: {  	[spmem:s1] =	stream.indirect.scatter.add.f32 [tilespmem:s19], [sflag:$0x3], $0x80, s28, s22, $0xb8;
	[tilespmem:$0x1E800] =	vst v63  }
0x121: {  	_ =	swait.ge [sflag:s20], $0x4000  }
0x122: {  	[sflag:s20] =	ssyncset.done $0x0  }
0x123: {  	[sflag:s20] =	ssyncadd.s32 $0xFFFFC000  }
0x124: {  	_ =	swait.ge [sflag:s25], $0x4000  }
0x125: {  	[sflag:s25] =	ssyncset.done $0x0  }
0x126: {  	[sflag:s25] =	ssyncadd.s32 $0xFFFFC000  }
0x127: {  	[spmem:s1] =	stream.indirect.scatter.add.f32 [tilespmem:s23], [sflag:$0x3], $0x80, s29, s22, $0xb8;
	[tilespmem:$0x1E800] =	vst v63  }
0x128: {  	_ =	swait.ge [sflag:s20], $0x4000  }
0x129: {  	s14 =	sadd.s32 $0x280, s31;
	[sflag:s20] =	ssyncset.done $0x0  }
0x12a: {  	s31 =	sadd.s32 s7, s14;
	s11 =	simm.s32 $0x0;
	[sflag:s20] =	ssyncadd.s32 $0xFFFFC000  }
0x12b: {  	[tilespmem:s11], [sflag:$0x3] =	stream.linear.gather [hbm4b:s31+s11], $0x1400, $0x38;
	[tilespmem:$0x1E800] =	vst v63  }
0x12c: {  	_ =	swait.ge [sflag:s20], $0x1400  }
0x12d: {  	[sflag:s20] =	ssyncset.done $0x0  }
0x12e: {  	s0 =	sadd.s32 s8, s14;
	[sflag:s20] =	ssyncadd.s32 $0xFFFFEC00  }
0x12f: {  	[tilespmem:s21], [sflag:$0x3] =	stream.linear.gather [hbm4b:s0+s11], $0x1400, $0x38;
	[tilespmem:$0x1E800] =	vst v63  }
0x130: {  	_ =	swait.ge [sflag:s20], $0x1400  }
0x131: {  	[sflag:s20] =	ssyncset.done $0x0  }
0x132: {  	[sflag:s20] =	ssyncadd.s32 $0xFFFFEC00  }
0x133: {  	[tilespmem:s19], [sflag:$0x1] =	stream.indirect.gather [hbm4b:s5+s22], $0x80, s11, s22, $0xb8;
	[tilespmem:$0x1E800] =	vst v63  }
0x134: {  	s11 =	simm.s32 $0x80  }
0x135: {  	[tilespmem:s23], [sflag:$0x2] =	stream.indirect.gather [hbm4b:s5+s22], $0x80, s11, s22, $0xb8;
	[tilespmem:$0x1E800] =	vst v63  }
0x136: {  	_ =	swait.ge [sflag:s24], $0x4000  }
0x137: {  	[sflag:s24] =	ssyncset.done $0x0  }
0x138: {  	s13 =	simm.s32 $0x1400;
	[sflag:s24] =	ssyncadd.s32 $0xFFFFC000  }
0x139: {  	[spmem:s1] =	stream.indirect.scatter.add.f32 [tilespmem:s19], [sflag:$0x3], $0x80, s13, s22, $0xb8;
	[tilespmem:$0x1E800] =	vst v63  }
0x13a: {  	_ =	swait.ge [sflag:s20], $0x4000  }
0x13b: {  	[sflag:s20] =	ssyncset.done $0x0  }
0x13c: {  	s14 =	simm.s32 $0x100;
	[sflag:s20] =	ssyncadd.s32 $0xFFFFC000  }
0x13d: {  	[tilespmem:s19], [sflag:$0x1] =	stream.indirect.gather [hbm4b:s5+s22], $0x80, s14, s22, $0xb8;
	[tilespmem:$0x1E800] =	vst v63  }
0x13e: {  	_ =	swait.ge [sflag:s25], $0x4000  }
0x13f: {  	[sflag:s25] =	ssyncset.done $0x0  }
0x140: {  	s31 =	simm.s32 $0x1480;
	[sflag:s25] =	ssyncadd.s32 $0xFFFFC000  }
0x141: {  	[spmem:s1] =	stream.indirect.scatter.add.f32 [tilespmem:s23], [sflag:$0x3], $0x80, s31, s22, $0xb8;
	[tilespmem:$0x1E800] =	vst v63  }
0x142: {  	_ =	swait.ge [sflag:s20], $0x4000  }
0x143: {  	s10 =	simm.s32 $0x800;
	s0 =	simm.s32 $0x100;
	[sflag:s20] =	ssyncset.done $0x0  }
.LBB2_13:
0x144: {  	s11 =	sadd.s32 $0x80, s0  }
0x145: {  	[sflag:s20] =	ssyncadd.s32 $0xFFFFC000;
	s13 =	smov.u32 s10;
	s14 =	sadd.s32 $0x400, s10  }
0x146: {  	[tilespmem:s23], [sflag:$0x2] =	stream.indirect.gather [hbm4b:s5+s22], $0x80, s11, s22, $0xb8;
	[tilespmem:$0x1E800] =	vst v63  }
0x147: {  	p2 =	sne.s32 s10, $0x4800;
	_ =	swait.ge [sflag:s24], $0x4000  }
0x148: {  	[sflag:s24] =	ssyncset.done $0x0  }
0x149: {  	s10 =	sadd.s32 $0x1400, s0;
	[sflag:s24] =	ssyncadd.s32 $0xFFFFC000  }
0x14a: {  	[spmem:s1] =	stream.indirect.scatter.add.f32 [tilespmem:s19], [sflag:$0x3], $0x80, s10, s22, $0xb8;
	[tilespmem:$0x1E800] =	vst v63  }
0x14b: {  	_ =	swait.ge [sflag:s20], $0x4000  }
0x14c: {  	[sflag:s20] =	ssyncset.done $0x0  }
0x14d: {  	s10 =	sadd.s32 $0x100, s0;
	[sflag:s20] =	ssyncadd.s32 $0xFFFFC000  }
0x14e: {  	[tilespmem:s19], [sflag:$0x1] =	stream.indirect.gather [hbm4b:s5+s22], $0x80, s10, s22, $0xb8;
	[tilespmem:$0x1E800] =	vst v63  }
0x14f: {  	_ =	swait.ge [sflag:s25], $0x4000  }
.Ltmp9:
0x150: {  	[sflag:s25] =	ssyncset.done $0x0;
	(pc) =	sbr.rel @p2 .LBB2_13-.Ltmp9, $4  }
0x151: {  	s0 =	sadd.s32 $0x1480, s0;
	[sflag:s25] =	ssyncadd.s32 $0xFFFFC000  }
0x152: {  	[spmem:s1] =	stream.indirect.scatter.add.f32 [tilespmem:s23], [sflag:$0x3], $0x80, s0, s22, $0xb8;
	[tilespmem:$0x1E800] =	vst v63  }
0x153: {  	_ =	swait.ge [sflag:s20], $0x4000  }
0x154: {  	s10 =	smov.u32 s14;
	s0 =	sshra.s32 s13, $0x2;
	[sflag:s20] =	ssyncset.done $0x0  }
0x155: {  	s10 =	sadd.s32 $0x80, s0;
	[sflag:s20] =	ssyncadd.s32 $0xFFFFC000  }
0x156: {  	[tilespmem:s23], [sflag:$0x2] =	stream.indirect.gather [hbm4b:s5+s22], $0x80, s10, s22, $0xb8;
	[tilespmem:$0x1E800] =	vst v63  }
0x157: {  	_ =	swait.ge [sflag:s24], $0x4000  }
0x158: {  	[sflag:s24] =	ssyncset.done $0x0  }
0x159: {  	s13 =	sadd.s32 $0x1400, s0;
	[sflag:s24] =	ssyncadd.s32 $0xFFFFC000  }
0x15a: {  	[spmem:s1] =	stream.indirect.scatter.add.f32 [tilespmem:s19], [sflag:$0x3], $0x80, s13, s22, $0xb8;
	[tilespmem:$0x1E800] =	vst v63  }
0x15b: {  	_ =	swait.ge [sflag:s20], $0x4000  }
0x15c: {  	[sflag:s20] =	ssyncset.done $0x0  }
0x15d: {  	s14 =	sadd.s32 $0x100, s0;
	[sflag:s20] =	ssyncadd.s32 $0xFFFFC000  }
0x15e: {  	[tilespmem:s19], [sflag:$0x1] =	stream.indirect.gather [hbm4b:s5+s22], $0x80, s14, s22, $0xb8;
	[tilespmem:$0x1E800] =	vst v63  }
0x15f: {  	_ =	swait.ge [sflag:s25], $0x4000  }
0x160: {  	[sflag:s25] =	ssyncset.done $0x0  }
0x161: {  	s31 =	sadd.s32 $0x1480, s0;
	[sflag:s25] =	ssyncadd.s32 $0xFFFFC000  }
0x162: {  	[spmem:s1] =	stream.indirect.scatter.add.f32 [tilespmem:s23], [sflag:$0x3], $0x80, s31, s22, $0xb8;
	[tilespmem:$0x1E800] =	vst v63  }
0x163: {  	_ =	swait.ge [sflag:s20], $0x4000  }
0x164: {  	[sflag:s20] =	ssyncset.done $0x0  }
0x165: {  	[sflag:s20] =	ssyncadd.s32 $0xFFFFC000  }
0x166: {  	[tilespmem:s23], [sflag:$0x2] =	stream.indirect.gather [hbm4b:s5+s22], $0x80, s26, s22, $0xb8;
	[tilespmem:$0x1E800] =	vst v63  }
0x167: {  	_ =	swait.ge [sflag:s24], $0x4000  }
0x168: {  	[sflag:s24] =	ssyncset.done $0x0  }
0x169: {  	[sflag:s24] =	ssyncadd.s32 $0xFFFFC000  }
0x16a: {  	[spmem:s1] =	stream.indirect.scatter.add.f32 [tilespmem:s19], [sflag:$0x3], $0x80, s28, s22, $0xb8;
	[tilespmem:$0x1E800] =	vst v63  }
0x16b: {  	_ =	swait.ge [sflag:s20], $0x4000  }
0x16c: {  	[sflag:s20] =	ssyncset.done $0x0  }
0x16d: {  	[sflag:s20] =	ssyncadd.s32 $0xFFFFC000  }
0x16e: {  	_ =	swait.ge [sflag:s25], $0x4000  }
0x16f: {  	[sflag:s25] =	ssyncset.done $0x0  }
.Ltmp10:
0x170: {  	[sflag:s25] =	ssyncadd.s32 $0xFFFFC000;
	(pc) =	sbr.rel @p1 .LBB2_10-.Ltmp10, $4  }
0x171: {  	[spmem:s1] =	stream.indirect.scatter.add.f32 [tilespmem:s23], [sflag:$0x3], $0x80, s29, s22, $0xb8;
	[tilespmem:$0x1E800] =	vst v63  }
0x172: {  	_ =	swait.ge [sflag:s20], $0x4000  }
0x173: {  	[sflag:s20] =	ssyncset.done $0x0  }
0x174: {  	p2 =	por $0x0, $0x0;
	s10 =	simm.s32 $0x10;
	[sflag:s20] =	ssyncadd.s32 $0xFFFFC000  }
.Ltmp11:
0x175: {  	(pc) =	sbr.rel .LBB2_16-.Ltmp11, $2  }
0x176: {  	_ =	sdelay $0x2  }
0x177: {  	s0 =	rddreg [dreg:$0x4]  }
.LBB2_17:
0x178: {  	_ =	sfence.sel $0x180000  }
0x179: {  	[bflag:$0x0] =	sbarrier.arrive $0xFFFF  }
0x17a: {  	_ =	strace $0x9000004A  }
0x17b: {  	[bflag:$0x2] =	sbarrier.arrive $0xFFFF  }
0x17c: {  	p0 =	sne.s32 s4, $0x0;
	s0 =	rddreg [dreg:$0x2]  }
0x17d: {  	s0 =	sadd.s32 @!p0 $0x100000, s0  }
0x17e: {  	[sflag:s0] =	ssyncadd.tile.s32 @!p0 $0x1;
	_ =	shalt  }
.Lfunc_end2:
_tile_overlayer_lowered:
.L_overlay_start_2:
0x17f: {  	(tag) =	ssettag $0x2  }
0x180: {  	s0 =	rddreg [dreg:$0x0];
	s2 =	stileid.u32  }
0x181: {  	s1 =	rddreg [dreg:$0x1];
	p0 =	sne.s32 s2, $0x0  }
0x182: {  	s3 =	rddreg [dreg:$0x2];
	[bflag:$0x3] =	sbarrier.arrive $0xFFFF;
	s2 =	simm.s32 @!p0 $0x1C03  }
0x183: {  	[timem:s3], [sflag:s2] =	dma.local @!p0 [hbm:s0], s1  }
0x184: {  	s0 =	simm.s32 @!p0 $0x3  }
0x185: {  	_ =	swait.ge @!p0 [sflag:s0], s1  }
0x186: {  	s1 =	ssub.s32 @!p0 $0x0, s1;
	[sflag:s0] =	ssyncset.done @!p0 $0x0  }
0x187: {  	[sflag:s0] =	ssyncadd.s32 @!p0 s1  }
0x188: {  	[bflag:$0x3] =	sbarrier.arrive $0xFFFF  }
0x189: {  	_ =	shalt  }

// kernel: kernel.16.cloned.1.call-start
scs
__scs_entry_jumppad:
0x0: {  	(pc) =	sbr.rel $0x88, $3  }
0x1: {  	(tag) =	ssettag $0x0;
	lr =	simm.s32 $0x1  }
0x2: {  	[smem:$0x3F88] =	sst lr;
	_ =	strace $0xD0000000  }
0x3: {  	_ = 	snop  }
0x4: {  	_ = 	snop  }
0x5: {  	_ = 	snop  }
0x6: {  	_ = 	snop  }
0x7: {  	_ = 	snop  }
__scs_overlays_trampoline_lowered:
0x8: {  	[smem:$0x3F97] =	sst s0  }
0x9: {  	[smem:$0x3F98] =	sst s1  }
0xa: {  	[smem:$0x3F99] =	sst s2  }
0xb: {  	[smem:$0x3F9A] =	sst s3  }
0xc: {  	[smem:$0x3F9B] =	sst s4  }
0xd: {  	[smem:$0x3F9C] =	sst s5  }
0xe: {  	[smem:$0x3F9D] =	sst s6  }
0xf: {  	[smem:$0x3F9E] =	sst s7  }
0x10: {  	[smem:$0x3F9F] =	sst s8  }
0x11: {  	[smem:$0x3FA0] =	sst s9;
	s0 =	simm.s32 @!p0 $0x0  }
0x12: {  	s1 =	sld [smem:$0x3F86];
	s0 =	simm.s32 @p0 $0x1  }
0x13: {  	[smem:$0x3FA1] =	sst s0;
	s0 =	simm.s32 @!p1 $0x0  }
0x14: {  	s2 =	sld [smem:$0x3F85];
	s0 =	simm.s32 @p1 $0x1  }
0x15: {  	[smem:$0x3FA2] =	sst s0;
	s0 =	simm.s32 @!p2 $0x0  }
0x16: {  	s3 =	sld [smem:$0x3FDB];
	s0 =	simm.s32 @p2 $0x1  }
0x17: {  	s4 =	simm.s32 $0x1BF5;
	[smem:$0x3FA4] =	sst s0  }
0x18: {  	s0 =	sld [smem:$0x3F87];
	_ =	swait.ge [sflag:s4], $0x0  }
0x19: {  	s7 =	sld [smem:$0x3F88]  }
0x1a: {  	s8 =	sadd.s32 $0xFFFFE003, lr  }
0x1b: {  	s9 =	sadd.s32 $0xFFFFFEF7, lr;
	s5 =	simm.s32 $0xFFFFFFFF;
	p2 =	slt.u32 s8, $0xFFFFF086  }
0x1c: {  	p1 =	slt.u32 s9, $0xF7A;
	s5 =	simm.s32 @!p2 $0x0  }
0x1d: {  	s5 =	simm.s32 @p1 $0x1;
	p0 =	seq.s32 s7, s2  }
0x1e: {  	s7 =	smul.u32 @!p0 $0xF7A, s2;
	p2 =	seq.s32 @!p0 s5, $0x0  }
0x1f: {  	s9 =	smul.u32 $0xF7A, s1;
	s8 =	simm.s32 @!p0 $0x1BF5;
	p2 =	por !p2, p0  }
0x20: {  	[sflag:s8] =	ssyncset.s32 @!p0 $0xFFFFF086;
	s6 =	sadd.s32 @!p0 s3, s7;
	s7 =	simm.s32 @!p0 $0x108  }
0x21: {  	s3 =	sadd.s32 s3, s9;
	s6 =	sadd.s32 @!p0 $0x88, s6;
	s7 =	simm.s32 @p2 $0x1082  }
0x22: {  	[simem:s7], [sflag:s8] =	dma.local @!p0 [hbm:s6], $0xF7A  }
0x23: {  	s9 =	sor.u32 $0xD0000000, s2;
	s6 =	simm.s32 $0x108;
	_ =	swait.ge @!p0 [sflag:s8], $0x0  }
0x24: {  	s3 =	sadd.s32 $0x88, s3;
	s6 =	simm.s32 @!p1 $0x1082;
	[sflag:s4] =	ssyncset.s32 $0xFFFFF086  }
0x25: {  	[simem:s6], [sflag:s4] =	dma.local [hbm:s3], $0xF7A  }
0x26: {  	[smem:$0x3F88] =	sst s1;
	(tag) =	ssettag s2;
	_ =	strace s9  }
0x27: {  	s1 =	sld [smem:$0x3F98]  }
0x28: {  	s2 =	sld [smem:$0x3F99]  }
0x29: {  	s4 =	sld [smem:$0x3F9B]  }
0x2a: {  	p0 =	seq.s32 s5, $0x0;
	s5 =	sld [smem:$0x3F9C]  }
0x2b: {  	s6 =	sld [smem:$0x3F9D]  }
0x2c: {  	s7 =	sld [smem:$0x3F9E]  }
0x2d: {  	s3 =	simm.s32 $0x108;
	s8 =	sld [smem:$0x3F9F]  }
0x2e: {  	s3 =	simm.s32 @!p0 $0x1082;
	s9 =	sld [smem:$0x3FA0]  }
0x2f: {  	lr =	sadd.s32 s0, s3;
	s0 =	sld [smem:$0x3F97]  }
0x30: {  	s3 =	sld [smem:$0x3F9A]  }
0x31: {  	[smem:$0x3FA3] =	sst s10  }
0x32: {  	s10 =	sld [smem:$0x3FA1];
	_ =	sdelay $0x3  }
0x33: {  	p0 =	seq.s32 s10, $0x1;
	s10 =	sld [smem:$0x3FA3];
	_ =	sdelay $0x3  }
0x34: {  	[smem:$0x3FA3] =	sst s10  }
0x35: {  	s10 =	sld [smem:$0x3FA2];
	_ =	sdelay $0x3  }
0x36: {  	p1 =	seq.s32 s10, $0x1;
	s10 =	sld [smem:$0x3FA3];
	_ =	sdelay $0x3  }
0x37: {  	[smem:$0x3FA3] =	sst s10  }
0x38: {  	s10 =	sld [smem:$0x3FA4]  }
0x39: {  	_ = 	snop;
	(pc) =	sbr.ind lr, $3  }
0x3a: {  	_ = 	snop  }
0x3b: {  	_ = 	snop  }
0x3c: {  	p2 =	seq.s32 s10, $0x1;
	s10 =	sld [smem:$0x3FA3]  }
0x3d: {  	_ =	shalt  }
0x3e: {  	_ =	shalt  }
0x3f: {  	_ =	shalt  }
0x40: {  	_ =	shalt  }
0x41: {  	_ =	shalt  }
0x42: {  	_ =	shalt  }
0x43: {  	_ =	shalt  }
0x44: {  	_ =	shalt  }
0x45: {  	_ =	shalt  }
0x46: {  	_ =	shalt  }
0x47: {  	_ =	shalt  }
0x48: {  	_ =	shalt  }
0x49: {  	_ =	shalt  }
0x4a: {  	_ =	shalt  }
0x4b: {  	_ =	shalt  }
0x4c: {  	_ =	shalt  }
0x4d: {  	_ =	shalt  }
0x4e: {  	_ =	shalt  }
0x4f: {  	_ =	shalt  }
0x50: {  	_ =	shalt  }
0x51: {  	_ =	shalt  }
0x52: {  	_ =	shalt  }
0x53: {  	_ =	shalt  }
0x54: {  	_ =	shalt  }
0x55: {  	_ =	shalt  }
0x56: {  	_ =	shalt  }
0x57: {  	_ =	shalt  }
0x58: {  	_ =	shalt  }
0x59: {  	_ =	shalt  }
0x5a: {  	_ =	shalt  }
0x5b: {  	_ =	shalt  }
0x5c: {  	_ =	shalt  }
0x5d: {  	_ =	shalt  }
0x5e: {  	_ =	shalt  }
0x5f: {  	_ =	shalt  }
0x60: {  	_ =	shalt  }
0x61: {  	_ =	shalt  }
0x62: {  	_ =	shalt  }
0x63: {  	_ =	shalt  }
0x64: {  	_ =	shalt  }
0x65: {  	_ =	shalt  }
0x66: {  	_ =	shalt  }
0x67: {  	_ =	shalt  }
0x68: {  	_ =	shalt  }
0x69: {  	_ =	shalt  }
0x6a: {  	_ =	shalt  }
0x6b: {  	_ =	shalt  }
0x6c: {  	_ =	shalt  }
0x6d: {  	_ =	shalt  }
0x6e: {  	_ =	shalt  }
0x6f: {  	_ =	shalt  }
0x70: {  	_ =	shalt  }
0x71: {  	_ =	shalt  }
0x72: {  	_ =	shalt  }
0x73: {  	_ =	shalt  }
0x74: {  	_ =	shalt  }
0x75: {  	_ =	shalt  }
0x76: {  	_ =	shalt  }
0x77: {  	_ =	shalt  }
0x78: {  	_ =	shalt  }
0x79: {  	_ =	shalt  }
0x7a: {  	_ =	shalt  }
0x7b: {  	_ =	shalt  }
0x7c: {  	_ =	shalt  }
0x7d: {  	_ =	shalt  }
0x7e: {  	_ =	shalt  }
0x7f: {  	_ =	shalt  }
0x80: {  	_ =	shalt  }
0x81: {  	_ =	shalt  }
0x82: {  	_ =	shalt  }
0x83: {  	_ =	shalt  }
0x84: {  	_ =	shalt  }
0x85: {  	_ =	shalt  }
0x86: {  	_ =	shalt  }
0x87: {  	_ =	shalt  }
.Lfunc_end0:
.L_simem_size_0:
called_computation.2_lowered:
.L_overlay_start_0:
0x88: {  	s2 =	sld [smem:$0x3FD9]  }
0x89: {  	s3 =	sld [smem:$0x3FFE];
	_ =	sdelay $0x1  }
0x8a: {  	s1 =	srdreg.scid  }
0x8b: {  	s0 =	sand.u32 $0x1, s1  }
0x8c: {  	s16 =	sshll.u32 s0, $0xA;
	s2 =	sadd.s32 s3, s2  }
0x8d: {  	s2 =	sadd.s32 s2, s16  }
0x8e: {  	[smem:$0x3FAF] =	sst s2  }
0x8f: {  	_ = 	snop  }
0x90: {  	(tm) =	ssettm $0x1  }
0x91: {  	s17 =	sld [smem:$0x3FFB];
	_ =	sdelay $0x3  }
0x92: {  	_ =	strace s17  }
0x93: {  	s2 =	sld [smem:$0x3FFC];
	_ =	sdelay $0x3  }
0x94: {  	_ =	strace s2  }
0x95: {  	s2 =	sld [smem:$0x3FFD];
	_ =	sdelay $0x3  }
0x96: {  	_ =	strace s2  }
0x97: {  	_ =	strace $0x8FFFFFFF  }
0x98: {  	s18 =	sld [smem:$0x3FDB];
	_ =	sdelay $0x1  }
0x99: {  	s19 =	simm.s32 $_scs_section_size  }
0x9a: {  	s4 =	simm.s32 $_size__tile_overlayer_lowered;
	s5 =	simm.s32 $_tile_overlayer_lowered  }
0x9b: {  	s22 =	simm.s32 $0x1BFF;
	s21 =	sshll.u32 s5, $0x1;
	s2 =	sadd.s32 s19, s18  }
0x9c: {  	s6 =	simm.s32 $0x0;
	s20 =	sshll.u32 s4, $0x1;
	s4 =	sadd.s32 s21, s2  }
0x9d: {  	[timem:s6], [sflag:s22] =	dma.local [hbm:s4], s20  }
0x9e: {  	_ =	swait.ge [sflag:s22], s20  }
0x9f: {  	s3 =	ssub.s32 $0x0, s20;
	[sflag:s22] =	ssyncset.done $0x0  }
0xa0: {  	[sflag:s22] =	ssyncadd.s32 s3;
	_ =	sdelay $0x1  }
0xa1: {  	s23 =	simm.s32 $0x1B8B  }
0xa2: {  	_ =	swait.ge [sflag:s23], $0x1  }
0xa3: {  	[sflag:s23] =	ssyncset.done $0x0  }
0xa4: {  	s25 =	simm.s32 $0x1B8E;
	s24 =	sld [smem:$0x3FFE];
	[sflag:s23] =	ssyncadd.s32 $0xFFFFFFFF  }
0xa5: {  	s26 =	simm.s32 $execute0_lowered;
	[smem:$0x3FD2] =	sst s25  }
0xa6: {  	s4 =	sshll.u32 s26, $0x1;
	_ =	strace $0x8000004C;
	[dreg:$0x1] =	wrdreg $0xFFFFFFFF  }
0xa7: {  	s28 =	simm.s32 $_size_execute0_lowered;
	s2 =	sadd.s32 s2, s4;
	[dreg:$0x0] =	wrdreg $0x0  }
0xa8: {  	s4 =	sshll.u32 s28, $0x1;
	[dreg:$0x2] =	wrdreg s2  }
0xa9: {  	[dreg:$0x3] =	wrdreg s4  }
0xaa: {  	[dreg:$0x4] =	wrdreg $0xC0  }
0xab: {  	_ =	task [dreg:s6], $0x5FFFF  }
0xac: {  	[dreg:$0x1] =	wrdreg $0xFFFFFFFF  }
0xad: {  	[dreg:$0x0] =	wrdreg $0x60  }
0xae: {  	[dreg:$0x2] =	wrdreg s24  }
0xaf: {  	[dreg:$0x3] =	wrdreg $0xA8000  }
0xb0: {  	[dreg:$0x4] =	wrdreg $0x9  }
0xb1: {  	_ =	task.clear_ibuf [dreg:s6], $0x5FFFF;
	_ =	strace $0x9000004C  }
0xb2: {  	s29 =	simm.s32 $0x9;
	_ =	strace $0x8000004E  }
0xb3: {  	_ =	swait.ge [sflag:s29], $0x1  }
0xb4: {  	[sflag:s29] =	ssyncadd.s32 $0xFFFFFFFF  }
0xb5: {  	_ =	strace $0x9000004E  }
0xb6: {  	_ =	sfence  }
0xb7: {  	s30 =	sld [smem:$0x0];
	_ =	sdelay $0x2  }
0xb8: {  	s31 =	sshll.u32 s1, $0xD;
	s1 =	sshrl.u32 s1, $0x2  }
0xb9: {  	s3 =	sand.u32 $0x4000, s31;
	s1 =	sadd.s32 s1, s30  }
0xba: {  	s0 =	sor.u32 s3, s0;
	s1 =	sshll.u32 s1, $0x11  }
0xbb: {  	s0 =	sor.u32 s1, s0  }
0xbc: {  	s0 =	sadd.s32 $0x8F2B, s0  }
0xbd: {  	[sflag:s0] =	ssyncadd.remote.s32 $0x1  }
0xbe: {  	_ =	sfence.sel $0xFFFF  }
0xbf: {  	[dreg:$0x0] =	wrdreg $0xFFFFFFFF;
	(pc) =	sbr.abs _section_cstart, $3  }
0xc0: {  	[dreg:$0x1] =	wrdreg $0xFFFFFFFF  }
0xc1: {  	_ =	task.clear_ibuf [dreg:s6], $0x2FFFF;
	_ =	strace $0x9FFFFFFF  }
0xc2: {  	(tm) =	ssettm $0x7FFFFFFF  }
0xc3: {  	_ =	shalt  }
tec
execute0_lowered:
.L_overlay_start_1:
0x0: {  	(tag) =	ssettag $0x1  }
0x1: {  	s0 =	rddreg [dreg:$0x0]  }
0x2: {  	s1 =	rddreg [dreg:$0x1]  }
0x3: {  	s2 =	simm.s32 $0x0;
	s8 =	srdreg.scid;
	s4 =	stileid.u32  }
0x4: {  	s19 =	simm.s32 $0x2800;
	s20 =	simm.s32 $0x3;
	s21 =	simm.s32 $0x1400  }
0x5: {  	s22 =	simm.s32 $0x80;
	s23 =	simm.s32 $0x6800;
	s24 =	simm.s32 $0x1  }
0x6: {  	s25 =	simm.s32 $0x2;
	s28 =	simm.s32 $0x2700;
	s29 =	simm.s32 $0x2780  }
0x7: {  	[smem:$0x7FF] =	sst s2;
	s3 =	sadd.s32 $0xA7400, s0;
	s5 =	sadd.s32 $0xCE600, s0  }
0x8: {  	s6 =	sadd.s32 $0x7600, s0;
	s7 =	sadd.s32 $0x25600, s0;
	s10 =	sand.u32 $0x1, s8  }
0x9: {  	s8 =	sadd.s32 $0x11600, s0;
	s13 =	smul.u32 $0x50000, s4;
	s9 =	sadd.s32 $0x1B600, s0  }
0xa: {  	s11 =	sadd.s32 $0xF5800, s0;
	s0 =	sadd.s32 $0x11D800, s0;
	s31 =	smul.u32 $0x2800, s4  }
0xb: {  	_ =	strace $0x8000004D;
	s12 =	ssub.s32 $0x2, s10;
	[dreg:$0x3] =	wrdreg s11  }
.Ltmp0:
0xc: {  	[dreg:$0x4] =	wrdreg s0;
	s14 =	sshrl.u32 s12, $0x1;
	(pc) =	sbr.rel .LBB2_1-.Ltmp0, $4  }
0xd: {  	p0 =	sne.s32 s10, $0x0;
	s30 =	sshrl.u32 s13, $0x2;
	s26 =	ssub.s32 s12, s14  }
0xe: {  	[dreg:$0x5] =	wrdreg s31;
	s12 =	sadd.s32 s30, s1;
	s0 =	smax.u32 s26, $0x1  }
0xf: {  	s15 =	sadd.s32 $0x4000, s12;
	s16 =	sadd.s32 $0x8000, s12;
	s17 =	sadd.s32 $0xC000, s12  }
0x10: {  	v0 =	vimm.f32 $0.0e+00;
	s18 =	sadd.s32 $0x10000, s12;
	s26 =	simm.s32 $0x1380;
	[dreg:$0x6] =	wrdreg s0  }
.LBB2_16:
0x11: {  	s10 =	rddreg [dreg:$0x5];
	s30 =	sshll.u32 s4, $0x6;
	[bflag:$0x0] =	sbarrier.arrive $0xFFFF  }
0x12: {  	s11 =	sshrl.u32 s12, $0x3;
	s0 =	sadd.s32 s0, s10;
	s10 =	sor.u32 $0x1C03, s30  }
0x13: {  	[hbm:s0], [sflag:s10] =	dma.local [spmem:s11], $0x2800  }
0x14: {  	_ =	swait.ge [sflag:s20], $0x2800  }
0x15: {  	s2 =	sadd.s32 $0x1, s2;
	s31 =	rddreg [dreg:$0x6]  }
0x16: {  	p1 =	sne.s32 s2, s31  }
.Ltmp1:
0x17: {  	_ = 	snop;
	(pc) =	sbr.rel @!p1 .LBB2_17-.Ltmp1, $3  }
0x18: {  	_ =	sdelay $0x1  }
0x19: {  	[sflag:s20] =	ssyncset.done $0x0  }
0x1a: {  	[sflag:s20] =	ssyncadd.s32 $0xFFFFD800  }
.LBB2_1:
0x1b: {  	s0 =	simm.s32 $0x0;
	s30 =	simm.s32 $0x200  }
.LBB2_2:
0x1c: {  	p1 =	sne.s32 s30, $0xFE00;
	[tilespmem:s0+$0x2870] =	vst v0  }
0x1d: {  	[tilespmem:s0+$0x2800] =	vst v0  }
0x1e: {  	[tilespmem:s0+$0x2810] =	vst v0  }
.Ltmp2:
0x1f: {  	[tilespmem:s0+$0x2820] =	vst v0;
	(pc) =	sbr.rel @p1 .LBB2_2-.Ltmp2, $4  }
0x20: {  	[tilespmem:s0+$0x2830] =	vst v0  }
0x21: {  	[tilespmem:s0+$0x2840] =	vst v0  }
0x22: {  	[tilespmem:s0+$0x2850] =	vst v0  }
0x23: {  	[tilespmem:s0+$0x2860] =	vst v0;
	s0 =	sshra.s32 s30, $0x2;
	s30 =	sadd.s32 $0x200, s30  }
0x24: {  	[tilespmem:s0+$0x2870] =	vst v0  }
0x25: {  	[tilespmem:s0+$0x2800] =	vst v0  }
0x26: {  	[tilespmem:s0+$0x2810] =	vst v0  }
0x27: {  	[tilespmem:s0+$0x2820] =	vst v0  }
0x28: {  	[tilespmem:s0+$0x2830] =	vst v0  }
0x29: {  	[tilespmem:s0+$0x2840] =	vst v0  }
0x2a: {  	[tilespmem:s0+$0x2850] =	vst v0  }
0x2b: {  	[tilespmem:s0+$0x2860] =	vst v0  }
0x2c: {  	[spmem:s12] =	stream.linear.scatter [tilespmem:s19], [sflag:$0x3], $0x4000, $0x38;
	[tilespmem:$0x1E800] =	vst v63  }
0x2d: {  	_ =	swait.ge [sflag:s20], $0x4000  }
0x2e: {  	[sflag:s20] =	ssyncset.done $0x0  }
0x2f: {  	[sflag:s20] =	ssyncadd.s32 $0xFFFFC000  }
0x30: {  	[spmem:s15] =	stream.linear.scatter [tilespmem:s19], [sflag:$0x3], $0x4000, $0x38;
	[tilespmem:$0x1E800] =	vst v63  }
0x31: {  	_ =	swait.ge [sflag:s20], $0x4000  }
0x32: {  	[sflag:s20] =	ssyncset.done $0x0  }
0x33: {  	[sflag:s20] =	ssyncadd.s32 $0xFFFFC000  }
0x34: {  	[spmem:s16] =	stream.linear.scatter [tilespmem:s19], [sflag:$0x3], $0x4000, $0x38;
	[tilespmem:$0x1E800] =	vst v63  }
0x35: {  	_ =	swait.ge [sflag:s20], $0x4000  }
0x36: {  	[sflag:s20] =	ssyncset.done $0x0  }
0x37: {  	[sflag:s20] =	ssyncadd.s32 $0xFFFFC000  }
0x38: {  	[spmem:s17] =	stream.linear.scatter [tilespmem:s19], [sflag:$0x3], $0x4000, $0x38;
	[tilespmem:$0x1E800] =	vst v63  }
0x39: {  	_ =	swait.ge [sflag:s20], $0x4000  }
0x3a: {  	[sflag:s20] =	ssyncset.done $0x0  }
0x3b: {  	[sflag:s20] =	ssyncadd.s32 $0xFFFFC000  }
0x3c: {  	[spmem:s18] =	stream.linear.scatter [tilespmem:s19], [sflag:$0x3], $0x4000, $0x38;
	[tilespmem:$0x1E800] =	vst v63  }
.Ltmp3:
0x3d: {  	_ =	swait.ge [sflag:s20], $0x4000;
	(pc) =	sbr.rel @p0 .LBB2_10-.Ltmp3, $4  }
0x3e: {  	[sflag:s20] =	ssyncset.done $0x0  }
0x3f: {  	[sflag:s20] =	ssyncadd.s32 $0xFFFFC000  }
0x40: {  	s30 =	simm.s32 $0x0;
	[bflag:$0x0] =	sbarrier.arrive $0xFFFF  }
0x41: {  	p2 =	por $0x1, $0x1;
	s0 =	simm.s32 $0x0;
	s10 =	simm.s32 $0x0  }
.LBB2_4:
0x42: {  	s0 =	sor.u32 s4, s0  }
0x43: {  	s0 =	smul.u32 $0x2800, s0;
	_ =	sdelay $0x1  }
0x44: {  	s31 =	sshrl.u32 s0, $0x3  }
0x45: {  	s0 =	sadd.s32 s6, s31  }
0x46: {  	[tilespmem:s30], [sflag:$0x3] =	stream.linear.gather [hbm4b:s0+s30], $0x1400, $0x38;
	[tilespmem:$0x1E800] =	vst v63  }
0x47: {  	_ =	swait.ge [sflag:s20], $0x1400  }
0x48: {  	[sflag:s20] =	ssyncset.done $0x0  }
0x49: {  	s14 =	sadd.s32 s9, s31;
	[sflag:s20] =	ssyncadd.s32 $0xFFFFEC00  }
0x4a: {  	[tilespmem:s21], [sflag:$0x3] =	stream.linear.gather [hbm4b:s14+s30], $0x1400, $0x38;
	[tilespmem:$0x1E800] =	vst v63  }
0x4b: {  	_ =	swait.ge [sflag:s20], $0x1400  }
0x4c: {  	[sflag:s20] =	ssyncset.done $0x0  }
0x4d: {  	[sflag:s20] =	ssyncadd.s32 $0xFFFFEC00  }
0x4e: {  	[tilespmem:s19], [sflag:$0x1] =	stream.indirect.gather [hbm4b:s3+s22], $0x80, s30, s22, $0xb8;
	[tilespmem:$0x1E800] =	vst v63  }
0x4f: {  	s10 =	simm.s32 $0x80  }
0x50: {  	[tilespmem:s23], [sflag:$0x2] =	stream.indirect.gather [hbm4b:s3+s22], $0x80, s10, s22, $0xb8;
	[tilespmem:$0x1E800] =	vst v63  }
0x51: {  	_ =	swait.ge [sflag:s24], $0x4000  }
0x52: {  	[sflag:s24] =	ssyncset.done $0x0  }
0x53: {  	s11 =	simm.s32 $0x1400;
	[sflag:s24] =	ssyncadd.s32 $0xFFFFC000  }
0x54: {  	[spmem:s1] =	stream.indirect.scatter.add.f32 [tilespmem:s19], [sflag:$0x3], $0x80, s11, s22, $0xb8;
	[tilespmem:$0x1E800] =	vst v63  }
0x55: {  	_ =	swait.ge [sflag:s20], $0x4000  }
0x56: {  	[sflag:s20] =	ssyncset.done $0x0  }
0x57: {  	s13 =	simm.s32 $0x100;
	[sflag:s20] =	ssyncadd.s32 $0xFFFFC000  }
0x58: {  	[tilespmem:s19], [sflag:$0x1] =	stream.indirect.gather [hbm4b:s3+s22], $0x80, s13, s22, $0xb8;
	[tilespmem:$0x1E800] =	vst v63  }
0x59: {  	_ =	swait.ge [sflag:s25], $0x4000  }
0x5a: {  	[sflag:s25] =	ssyncset.done $0x0  }
0x5b: {  	s14 =	simm.s32 $0x1480;
	[sflag:s25] =	ssyncadd.s32 $0xFFFFC000  }
0x5c: {  	[spmem:s1] =	stream.indirect.scatter.add.f32 [tilespmem:s23], [sflag:$0x3], $0x80, s14, s22, $0xb8;
	[tilespmem:$0x1E800] =	vst v63  }
0x5d: {  	p1 =	por p2, p2;
	_ =	swait.ge [sflag:s20], $0x4000  }
0x5e: {  	s0 =	simm.s32 $0x100;
	s10 =	simm.s32 $0x800;
	[sflag:s20] =	ssyncset.done $0x0  }
.LBB2_5:
0x5f: {  	s11 =	sadd.s32 $0x80, s0  }
0x60: {  	[sflag:s20] =	ssyncadd.s32 $0xFFFFC000;
	s13 =	smov.u32 s10;
	s14 =	sadd.s32 $0x400, s10  }
0x61: {  	[tilespmem:s23], [sflag:$0x2] =	stream.indirect.gather [hbm4b:s3+s22], $0x80, s11, s22, $0xb8;
	[tilespmem:$0x1E800] =	vst v63  }
0x62: {  	p2 =	sne.s32 s10, $0x4800;
	_ =	swait.ge [sflag:s24], $0x4000  }
0x63: {  	[sflag:s24] =	ssyncset.done $0x0  }
0x64: {  	s10 =	sadd.s32 $0x1400, s0;
	[sflag:s24] =	ssyncadd.s32 $0xFFFFC000  }
0x65: {  	[spmem:s1] =	stream.indirect.scatter.add.f32 [tilespmem:s19], [sflag:$0x3], $0x80, s10, s22, $0xb8;
	[tilespmem:$0x1E800] =	vst v63  }
0x66: {  	_ =	swait.ge [sflag:s20], $0x4000  }
0x67: {  	[sflag:s20] =	ssyncset.done $0x0  }
0x68: {  	s10 =	sadd.s32 $0x100, s0;
	[sflag:s20] =	ssyncadd.s32 $0xFFFFC000  }
0x69: {  	[tilespmem:s19], [sflag:$0x1] =	stream.indirect.gather [hbm4b:s3+s22], $0x80, s10, s22, $0xb8;
	[tilespmem:$0x1E800] =	vst v63  }
0x6a: {  	_ =	swait.ge [sflag:s25], $0x4000  }
.Ltmp4:
0x6b: {  	[sflag:s25] =	ssyncset.done $0x0;
	(pc) =	sbr.rel @p2 .LBB2_5-.Ltmp4, $4  }
0x6c: {  	s0 =	sadd.s32 $0x1480, s0;
	[sflag:s25] =	ssyncadd.s32 $0xFFFFC000  }
0x6d: {  	[spmem:s1] =	stream.indirect.scatter.add.f32 [tilespmem:s23], [sflag:$0x3], $0x80, s0, s22, $0xb8;
	[tilespmem:$0x1E800] =	vst v63  }
0x6e: {  	_ =	swait.ge [sflag:s20], $0x4000  }
0x6f: {  	s10 =	smov.u32 s14;
	s0 =	sshra.s32 s13, $0x2;
	[sflag:s20] =	ssyncset.done $0x0  }
0x70: {  	s10 =	sadd.s32 $0x80, s0;
	[sflag:s20] =	ssyncadd.s32 $0xFFFFC000  }
0x71: {  	[tilespmem:s23], [sflag:$0x2] =	stream.indirect.gather [hbm4b:s3+s22], $0x80, s10, s22, $0xb8;
	[tilespmem:$0x1E800] =	vst v63  }
0x72: {  	_ =	swait.ge [sflag:s24], $0x4000  }
0x73: {  	[sflag:s24] =	ssyncset.done $0x0  }
0x74: {  	s14 =	sadd.s32 $0x1400, s0;
	[sflag:s24] =	ssyncadd.s32 $0xFFFFC000  }
0x75: {  	[spmem:s1] =	stream.indirect.scatter.add.f32 [tilespmem:s19], [sflag:$0x3], $0x80, s14, s22, $0xb8;
	[tilespmem:$0x1E800] =	vst v63  }
0x76: {  	_ =	swait.ge [sflag:s20], $0x4000  }
0x77: {  	[sflag:s20] =	ssyncset.done $0x0  }
0x78: {  	s11 =	sadd.s32 $0x100, s0;
	[sflag:s20] =	ssyncadd.s32 $0xFFFFC000  }
0x79: {  	[tilespmem:s19], [sflag:$0x1] =	stream.indirect.gather [hbm4b:s3+s22], $0x80, s11, s22, $0xb8;
	[tilespmem:$0x1E800] =	vst v63  }
0x7a: {  	_ =	swait.ge [sflag:s25], $0x4000  }
0x7b: {  	[sflag:s25] =	ssyncset.done $0x0  }
0x7c: {  	s13 =	sadd.s32 $0x1480, s0;
	[sflag:s25] =	ssyncadd.s32 $0xFFFFC000  }
0x7d: {  	[spmem:s1] =	stream.indirect.scatter.add.f32 [tilespmem:s23], [sflag:$0x3], $0x80, s13, s22, $0xb8;
	[tilespmem:$0x1E800] =	vst v63  }
0x7e: {  	_ =	swait.ge [sflag:s20], $0x4000  }
0x7f: {  	[sflag:s20] =	ssyncset.done $0x0  }
0x80: {  	[sflag:s20] =	ssyncadd.s32 $0xFFFFC000  }
0x81: {  	[tilespmem:s23], [sflag:$0x2] =	stream.indirect.gather [hbm4b:s3+s22], $0x80, s26, s22, $0xb8;
	[tilespmem:$0x1E800] =	vst v63  }
0x82: {  	_ =	swait.ge [sflag:s24], $0x4000  }
0x83: {  	[sflag:s24] =	ssyncset.done $0x0  }
0x84: {  	[sflag:s24] =	ssyncadd.s32 $0xFFFFC000  }
0x85: {  	[spmem:s1] =	stream.indirect.scatter.add.f32 [tilespmem:s19], [sflag:$0x3], $0x80, s28, s22, $0xb8;
	[tilespmem:$0x1E800] =	vst v63  }
0x86: {  	_ =	swait.ge [sflag:s20], $0x4000  }
0x87: {  	[sflag:s20] =	ssyncset.done $0x0  }
0x88: {  	[sflag:s20] =	ssyncadd.s32 $0xFFFFC000  }
0x89: {  	_ =	swait.ge [sflag:s25], $0x4000  }
0x8a: {  	[sflag:s25] =	ssyncset.done $0x0  }
0x8b: {  	[sflag:s25] =	ssyncadd.s32 $0xFFFFC000  }
0x8c: {  	[spmem:s1] =	stream.indirect.scatter.add.f32 [tilespmem:s23], [sflag:$0x3], $0x80, s29, s22, $0xb8;
	[tilespmem:$0x1E800] =	vst v63  }
0x8d: {  	_ =	swait.ge [sflag:s20], $0x4000  }
0x8e: {  	s14 =	sadd.s32 $0x280, s31;
	[sflag:s20] =	ssyncset.done $0x0  }
0x8f: {  	s31 =	sadd.s32 s6, s14;
	s11 =	simm.s32 $0x0;
	[sflag:s20] =	ssyncadd.s32 $0xFFFFC000  }
0x90: {  	[tilespmem:s11], [sflag:$0x3] =	stream.linear.gather [hbm4b:s31+s11], $0x1400, $0x38;
	[tilespmem:$0x1E800] =	vst v63  }
0x91: {  	_ =	swait.ge [sflag:s20], $0x1400  }
0x92: {  	[sflag:s20] =	ssyncset.done $0x0  }
0x93: {  	s0 =	sadd.s32 s9, s14;
	[sflag:s20] =	ssyncadd.s32 $0xFFFFEC00  }
0x94: {  	[tilespmem:s21], [sflag:$0x3] =	stream.linear.gather [hbm4b:s0+s11], $0x1400, $0x38;
	[tilespmem:$0x1E800] =	vst v63  }
0x95: {  	_ =	swait.ge [sflag:s20], $0x1400  }
0x96: {  	[sflag:s20] =	ssyncset.done $0x0  }
0x97: {  	[sflag:s20] =	ssyncadd.s32 $0xFFFFEC00  }
0x98: {  	[tilespmem:s19], [sflag:$0x1] =	stream.indirect.gather [hbm4b:s3+s22], $0x80, s11, s22, $0xb8;
	[tilespmem:$0x1E800] =	vst v63  }
0x99: {  	s11 =	simm.s32 $0x80  }
0x9a: {  	[tilespmem:s23], [sflag:$0x2] =	stream.indirect.gather [hbm4b:s3+s22], $0x80, s11, s22, $0xb8;
	[tilespmem:$0x1E800] =	vst v63  }
0x9b: {  	_ =	swait.ge [sflag:s24], $0x4000  }
0x9c: {  	[sflag:s24] =	ssyncset.done $0x0  }
0x9d: {  	s13 =	simm.s32 $0x1400;
	[sflag:s24] =	ssyncadd.s32 $0xFFFFC000  }
0x9e: {  	[spmem:s1] =	stream.indirect.scatter.add.f32 [tilespmem:s19], [sflag:$0x3], $0x80, s13, s22, $0xb8;
	[tilespmem:$0x1E800] =	vst v63  }
0x9f: {  	_ =	swait.ge [sflag:s20], $0x4000  }
0xa0: {  	[sflag:s20] =	ssyncset.done $0x0  }
0xa1: {  	s14 =	simm.s32 $0x100;
	[sflag:s20] =	ssyncadd.s32 $0xFFFFC000  }
0xa2: {  	[tilespmem:s19], [sflag:$0x1] =	stream.indirect.gather [hbm4b:s3+s22], $0x80, s14, s22, $0xb8;
	[tilespmem:$0x1E800] =	vst v63  }
0xa3: {  	_ =	swait.ge [sflag:s25], $0x4000  }
0xa4: {  	[sflag:s25] =	ssyncset.done $0x0  }
0xa5: {  	s31 =	simm.s32 $0x1480;
	[sflag:s25] =	ssyncadd.s32 $0xFFFFC000  }
0xa6: {  	[spmem:s1] =	stream.indirect.scatter.add.f32 [tilespmem:s23], [sflag:$0x3], $0x80, s31, s22, $0xb8;
	[tilespmem:$0x1E800] =	vst v63  }
0xa7: {  	_ =	swait.ge [sflag:s20], $0x4000  }
0xa8: {  	s10 =	simm.s32 $0x800;
	s0 =	simm.s32 $0x100;
	[sflag:s20] =	ssyncset.done $0x0  }
.LBB2_7:
0xa9: {  	s11 =	sadd.s32 $0x80, s0  }
0xaa: {  	[sflag:s20] =	ssyncadd.s32 $0xFFFFC000;
	s13 =	smov.u32 s10;
	s14 =	sadd.s32 $0x400, s10  }
0xab: {  	[tilespmem:s23], [sflag:$0x2] =	stream.indirect.gather [hbm4b:s3+s22], $0x80, s11, s22, $0xb8;
	[tilespmem:$0x1E800] =	vst v63  }
0xac: {  	p2 =	sne.s32 s10, $0x4800;
	_ =	swait.ge [sflag:s24], $0x4000  }
0xad: {  	[sflag:s24] =	ssyncset.done $0x0  }
0xae: {  	s10 =	sadd.s32 $0x1400, s0;
	[sflag:s24] =	ssyncadd.s32 $0xFFFFC000  }
0xaf: {  	[spmem:s1] =	stream.indirect.scatter.add.f32 [tilespmem:s19], [sflag:$0x3], $0x80, s10, s22, $0xb8;
	[tilespmem:$0x1E800] =	vst v63  }
0xb0: {  	_ =	swait.ge [sflag:s20], $0x4000  }
0xb1: {  	[sflag:s20] =	ssyncset.done $0x0  }
0xb2: {  	s10 =	sadd.s32 $0x100, s0;
	[sflag:s20] =	ssyncadd.s32 $0xFFFFC000  }
0xb3: {  	[tilespmem:s19], [sflag:$0x1] =	stream.indirect.gather [hbm4b:s3+s22], $0x80, s10, s22, $0xb8;
	[tilespmem:$0x1E800] =	vst v63  }
0xb4: {  	_ =	swait.ge [sflag:s25], $0x4000  }
.Ltmp5:
0xb5: {  	[sflag:s25] =	ssyncset.done $0x0;
	(pc) =	sbr.rel @p2 .LBB2_7-.Ltmp5, $4  }
0xb6: {  	s0 =	sadd.s32 $0x1480, s0;
	[sflag:s25] =	ssyncadd.s32 $0xFFFFC000  }
0xb7: {  	[spmem:s1] =	stream.indirect.scatter.add.f32 [tilespmem:s23], [sflag:$0x3], $0x80, s0, s22, $0xb8;
	[tilespmem:$0x1E800] =	vst v63  }
0xb8: {  	_ =	swait.ge [sflag:s20], $0x4000  }
0xb9: {  	s10 =	smov.u32 s14;
	s0 =	sshra.s32 s13, $0x2;
	[sflag:s20] =	ssyncset.done $0x0  }
0xba: {  	s10 =	sadd.s32 $0x80, s0;
	[sflag:s20] =	ssyncadd.s32 $0xFFFFC000  }
0xbb: {  	[tilespmem:s23], [sflag:$0x2] =	stream.indirect.gather [hbm4b:s3+s22], $0x80, s10, s22, $0xb8;
	[tilespmem:$0x1E800] =	vst v63  }
0xbc: {  	_ =	swait.ge [sflag:s24], $0x4000  }
0xbd: {  	[sflag:s24] =	ssyncset.done $0x0  }
0xbe: {  	s13 =	sadd.s32 $0x1400, s0;
	[sflag:s24] =	ssyncadd.s32 $0xFFFFC000  }
0xbf: {  	[spmem:s1] =	stream.indirect.scatter.add.f32 [tilespmem:s19], [sflag:$0x3], $0x80, s13, s22, $0xb8;
	[tilespmem:$0x1E800] =	vst v63  }
0xc0: {  	_ =	swait.ge [sflag:s20], $0x4000  }
0xc1: {  	[sflag:s20] =	ssyncset.done $0x0  }
0xc2: {  	s14 =	sadd.s32 $0x100, s0;
	[sflag:s20] =	ssyncadd.s32 $0xFFFFC000  }
0xc3: {  	[tilespmem:s19], [sflag:$0x1] =	stream.indirect.gather [hbm4b:s3+s22], $0x80, s14, s22, $0xb8;
	[tilespmem:$0x1E800] =	vst v63  }
0xc4: {  	_ =	swait.ge [sflag:s25], $0x4000  }
0xc5: {  	[sflag:s25] =	ssyncset.done $0x0  }
0xc6: {  	s31 =	sadd.s32 $0x1480, s0;
	[sflag:s25] =	ssyncadd.s32 $0xFFFFC000  }
0xc7: {  	[spmem:s1] =	stream.indirect.scatter.add.f32 [tilespmem:s23], [sflag:$0x3], $0x80, s31, s22, $0xb8;
	[tilespmem:$0x1E800] =	vst v63  }
0xc8: {  	_ =	swait.ge [sflag:s20], $0x4000  }
0xc9: {  	[sflag:s20] =	ssyncset.done $0x0  }
0xca: {  	[sflag:s20] =	ssyncadd.s32 $0xFFFFC000  }
0xcb: {  	[tilespmem:s23], [sflag:$0x2] =	stream.indirect.gather [hbm4b:s3+s22], $0x80, s26, s22, $0xb8;
	[tilespmem:$0x1E800] =	vst v63  }
0xcc: {  	_ =	swait.ge [sflag:s24], $0x4000  }
0xcd: {  	[sflag:s24] =	ssyncset.done $0x0  }
0xce: {  	[sflag:s24] =	ssyncadd.s32 $0xFFFFC000  }
0xcf: {  	[spmem:s1] =	stream.indirect.scatter.add.f32 [tilespmem:s19], [sflag:$0x3], $0x80, s28, s22, $0xb8;
	[tilespmem:$0x1E800] =	vst v63  }
0xd0: {  	_ =	swait.ge [sflag:s20], $0x4000  }
0xd1: {  	[sflag:s20] =	ssyncset.done $0x0  }
0xd2: {  	[sflag:s20] =	ssyncadd.s32 $0xFFFFC000  }
0xd3: {  	_ =	swait.ge [sflag:s25], $0x4000  }
0xd4: {  	[sflag:s25] =	ssyncset.done $0x0  }
.Ltmp6:
0xd5: {  	[sflag:s25] =	ssyncadd.s32 $0xFFFFC000;
	(pc) =	sbr.rel @p1 .LBB2_4-.Ltmp6, $4  }
0xd6: {  	[spmem:s1] =	stream.indirect.scatter.add.f32 [tilespmem:s23], [sflag:$0x3], $0x80, s29, s22, $0xb8;
	[tilespmem:$0x1E800] =	vst v63  }
0xd7: {  	_ =	swait.ge [sflag:s20], $0x4000  }
0xd8: {  	[sflag:s20] =	ssyncset.done $0x0  }
0xd9: {  	s0 =	simm.s32 $0x10;
	p2 =	por $0x0, $0x0;
	[sflag:s20] =	ssyncadd.s32 $0xFFFFC000  }
.Ltmp7:
0xda: {  	(pc) =	sbr.rel .LBB2_16-.Ltmp7, $2  }
0xdb: {  	_ =	sdelay $0x2  }
0xdc: {  	s0 =	rddreg [dreg:$0x3]  }
.LBB2_10:
0xdd: {  	s0 =	sor.u32 s4, s10  }
0xde: {  	s0 =	smul.u32 $0x2800, s0;
	_ =	sdelay $0x1  }
0xdf: {  	s31 =	sshrl.u32 s0, $0x3  }
0xe0: {  	s0 =	sadd.s32 s7, s31  }
0xe1: {  	[tilespmem:s30], [sflag:$0x3] =	stream.linear.gather [hbm4b:s0+s30], $0x1400, $0x38;
	[tilespmem:$0x1E800] =	vst v63  }
0xe2: {  	_ =	swait.ge [sflag:s20], $0x1400  }
0xe3: {  	[sflag:s20] =	ssyncset.done $0x0  }
0xe4: {  	s14 =	sadd.s32 s8, s31;
	[sflag:s20] =	ssyncadd.s32 $0xFFFFEC00  }
0xe5: {  	[tilespmem:s21], [sflag:$0x3] =	stream.linear.gather [hbm4b:s14+s30], $0x1400, $0x38;
	[tilespmem:$0x1E800] =	vst v63  }
0xe6: {  	_ =	swait.ge [sflag:s20], $0x1400  }
0xe7: {  	[sflag:s20] =	ssyncset.done $0x0  }
0xe8: {  	[sflag:s20] =	ssyncadd.s32 $0xFFFFEC00  }
0xe9: {  	[tilespmem:s19], [sflag:$0x1] =	stream.indirect.gather [hbm4b:s5+s22], $0x80, s30, s22, $0xb8;
	[tilespmem:$0x1E800] =	vst v63  }
0xea: {  	s10 =	simm.s32 $0x80  }
0xeb: {  	[tilespmem:s23], [sflag:$0x2] =	stream.indirect.gather [hbm4b:s5+s22], $0x80, s10, s22, $0xb8;
	[tilespmem:$0x1E800] =	vst v63  }
0xec: {  	_ =	swait.ge [sflag:s24], $0x4000  }
0xed: {  	[sflag:s24] =	ssyncset.done $0x0  }
0xee: {  	s11 =	simm.s32 $0x1400;
	[sflag:s24] =	ssyncadd.s32 $0xFFFFC000  }
0xef: {  	[spmem:s1] =	stream.indirect.scatter.add.f32 [tilespmem:s19], [sflag:$0x3], $0x80, s11, s22, $0xb8;
	[tilespmem:$0x1E800] =	vst v63  }
0xf0: {  	_ =	swait.ge [sflag:s20], $0x4000  }
0xf1: {  	[sflag:s20] =	ssyncset.done $0x0  }
0xf2: {  	s13 =	simm.s32 $0x100;
	[sflag:s20] =	ssyncadd.s32 $0xFFFFC000  }
0xf3: {  	[tilespmem:s19], [sflag:$0x1] =	stream.indirect.gather [hbm4b:s5+s22], $0x80, s13, s22, $0xb8;
	[tilespmem:$0x1E800] =	vst v63  }
0xf4: {  	_ =	swait.ge [sflag:s25], $0x4000  }
0xf5: {  	[sflag:s25] =	ssyncset.done $0x0  }
0xf6: {  	s14 =	simm.s32 $0x1480;
	[sflag:s25] =	ssyncadd.s32 $0xFFFFC000  }
0xf7: {  	[spmem:s1] =	stream.indirect.scatter.add.f32 [tilespmem:s23], [sflag:$0x3], $0x80, s14, s22, $0xb8;
	[tilespmem:$0x1E800] =	vst v63  }
0xf8: {  	p1 =	por p2, p2;
	_ =	swait.ge [sflag:s20], $0x4000  }
0xf9: {  	s0 =	simm.s32 $0x100;
	s10 =	simm.s32 $0x800;
	[sflag:s20] =	ssyncset.done $0x0  }
.LBB2_11:
0xfa: {  	s11 =	sadd.s32 $0x80, s0  }
0xfb: {  	[sflag:s20] =	ssyncadd.s32 $0xFFFFC000;
	s13 =	smov.u32 s10;
	s14 =	sadd.s32 $0x400, s10  }
0xfc: {  	[tilespmem:s23], [sflag:$0x2] =	stream.indirect.gather [hbm4b:s5+s22], $0x80, s11, s22, $0xb8;
	[tilespmem:$0x1E800] =	vst v63  }
0xfd: {  	p2 =	sne.s32 s10, $0x4800;
	_ =	swait.ge [sflag:s24], $0x4000  }
0xfe: {  	[sflag:s24] =	ssyncset.done $0x0  }
0xff: {  	s10 =	sadd.s32 $0x1400, s0;
	[sflag:s24] =	ssyncadd.s32 $0xFFFFC000  }
0x100: {  	[spmem:s1] =	stream.indirect.scatter.add.f32 [tilespmem:s19], [sflag:$0x3], $0x80, s10, s22, $0xb8;
	[tilespmem:$0x1E800] =	vst v63  }
0x101: {  	_ =	swait.ge [sflag:s20], $0x4000  }
0x102: {  	[sflag:s20] =	ssyncset.done $0x0  }
0x103: {  	s10 =	sadd.s32 $0x100, s0;
	[sflag:s20] =	ssyncadd.s32 $0xFFFFC000  }
0x104: {  	[tilespmem:s19], [sflag:$0x1] =	stream.indirect.gather [hbm4b:s5+s22], $0x80, s10, s22, $0xb8;
	[tilespmem:$0x1E800] =	vst v63  }
0x105: {  	_ =	swait.ge [sflag:s25], $0x4000  }
.Ltmp8:
0x106: {  	[sflag:s25] =	ssyncset.done $0x0;
	(pc) =	sbr.rel @p2 .LBB2_11-.Ltmp8, $4  }
0x107: {  	s0 =	sadd.s32 $0x1480, s0;
	[sflag:s25] =	ssyncadd.s32 $0xFFFFC000  }
0x108: {  	[spmem:s1] =	stream.indirect.scatter.add.f32 [tilespmem:s23], [sflag:$0x3], $0x80, s0, s22, $0xb8;
	[tilespmem:$0x1E800] =	vst v63  }
0x109: {  	_ =	swait.ge [sflag:s20], $0x4000  }
0x10a: {  	s10 =	smov.u32 s14;
	s0 =	sshra.s32 s13, $0x2;
	[sflag:s20] =	ssyncset.done $0x0  }
0x10b: {  	s10 =	sadd.s32 $0x80, s0;
	[sflag:s20] =	ssyncadd.s32 $0xFFFFC000  }
0x10c: {  	[tilespmem:s23], [sflag:$0x2] =	stream.indirect.gather [hbm4b:s5+s22], $0x80, s10, s22, $0xb8;
	[tilespmem:$0x1E800] =	vst v63  }
0x10d: {  	_ =	swait.ge [sflag:s24], $0x4000  }
0x10e: {  	[sflag:s24] =	ssyncset.done $0x0  }
0x10f: {  	s14 =	sadd.s32 $0x1400, s0;
	[sflag:s24] =	ssyncadd.s32 $0xFFFFC000  }
0x110: {  	[spmem:s1] =	stream.indirect.scatter.add.f32 [tilespmem:s19], [sflag:$0x3], $0x80, s14, s22, $0xb8;
	[tilespmem:$0x1E800] =	vst v63  }
0x111: {  	_ =	swait.ge [sflag:s20], $0x4000  }
0x112: {  	[sflag:s20] =	ssyncset.done $0x0  }
0x113: {  	s11 =	sadd.s32 $0x100, s0;
	[sflag:s20] =	ssyncadd.s32 $0xFFFFC000  }
0x114: {  	[tilespmem:s19], [sflag:$0x1] =	stream.indirect.gather [hbm4b:s5+s22], $0x80, s11, s22, $0xb8;
	[tilespmem:$0x1E800] =	vst v63  }
0x115: {  	_ =	swait.ge [sflag:s25], $0x4000  }
0x116: {  	[sflag:s25] =	ssyncset.done $0x0  }
0x117: {  	s13 =	sadd.s32 $0x1480, s0;
	[sflag:s25] =	ssyncadd.s32 $0xFFFFC000  }
0x118: {  	[spmem:s1] =	stream.indirect.scatter.add.f32 [tilespmem:s23], [sflag:$0x3], $0x80, s13, s22, $0xb8;
	[tilespmem:$0x1E800] =	vst v63  }
0x119: {  	_ =	swait.ge [sflag:s20], $0x4000  }
0x11a: {  	[sflag:s20] =	ssyncset.done $0x0  }
0x11b: {  	[sflag:s20] =	ssyncadd.s32 $0xFFFFC000  }
0x11c: {  	[tilespmem:s23], [sflag:$0x2] =	stream.indirect.gather [hbm4b:s5+s22], $0x80, s26, s22, $0xb8;
	[tilespmem:$0x1E800] =	vst v63  }
0x11d: {  	_ =	swait.ge [sflag:s24], $0x4000  }
0x11e: {  	[sflag:s24] =	ssyncset.done $0x0  }
0x11f: {  	[sflag:s24] =	ssyncadd.s32 $0xFFFFC000  }
0x120: {  	[spmem:s1] =	stream.indirect.scatter.add.f32 [tilespmem:s19], [sflag:$0x3], $0x80, s28, s22, $0xb8;
	[tilespmem:$0x1E800] =	vst v63  }
0x121: {  	_ =	swait.ge [sflag:s20], $0x4000  }
0x122: {  	[sflag:s20] =	ssyncset.done $0x0  }
0x123: {  	[sflag:s20] =	ssyncadd.s32 $0xFFFFC000  }
0x124: {  	_ =	swait.ge [sflag:s25], $0x4000  }
0x125: {  	[sflag:s25] =	ssyncset.done $0x0  }
0x126: {  	[sflag:s25] =	ssyncadd.s32 $0xFFFFC000  }
0x127: {  	[spmem:s1] =	stream.indirect.scatter.add.f32 [tilespmem:s23], [sflag:$0x3], $0x80, s29, s22, $0xb8;
	[tilespmem:$0x1E800] =	vst v63  }
0x128: {  	_ =	swait.ge [sflag:s20], $0x4000  }
0x129: {  	s14 =	sadd.s32 $0x280, s31;
	[sflag:s20] =	ssyncset.done $0x0  }
0x12a: {  	s31 =	sadd.s32 s7, s14;
	s11 =	simm.s32 $0x0;
	[sflag:s20] =	ssyncadd.s32 $0xFFFFC000  }
0x12b: {  	[tilespmem:s11], [sflag:$0x3] =	stream.linear.gather [hbm4b:s31+s11], $0x1400, $0x38;
	[tilespmem:$0x1E800] =	vst v63  }
0x12c: {  	_ =	swait.ge [sflag:s20], $0x1400  }
0x12d: {  	[sflag:s20] =	ssyncset.done $0x0  }
0x12e: {  	s0 =	sadd.s32 s8, s14;
	[sflag:s20] =	ssyncadd.s32 $0xFFFFEC00  }
0x12f: {  	[tilespmem:s21], [sflag:$0x3] =	stream.linear.gather [hbm4b:s0+s11], $0x1400, $0x38;
	[tilespmem:$0x1E800] =	vst v63  }
0x130: {  	_ =	swait.ge [sflag:s20], $0x1400  }
0x131: {  	[sflag:s20] =	ssyncset.done $0x0  }
0x132: {  	[sflag:s20] =	ssyncadd.s32 $0xFFFFEC00  }
0x133: {  	[tilespmem:s19], [sflag:$0x1] =	stream.indirect.gather [hbm4b:s5+s22], $0x80, s11, s22, $0xb8;
	[tilespmem:$0x1E800] =	vst v63  }
0x134: {  	s11 =	simm.s32 $0x80  }
0x135: {  	[tilespmem:s23], [sflag:$0x2] =	stream.indirect.gather [hbm4b:s5+s22], $0x80, s11, s22, $0xb8;
	[tilespmem:$0x1E800] =	vst v63  }
0x136: {  	_ =	swait.ge [sflag:s24], $0x4000  }
0x137: {  	[sflag:s24] =	ssyncset.done $0x0  }
0x138: {  	s13 =	simm.s32 $0x1400;
	[sflag:s24] =	ssyncadd.s32 $0xFFFFC000  }
0x139: {  	[spmem:s1] =	stream.indirect.scatter.add.f32 [tilespmem:s19], [sflag:$0x3], $0x80, s13, s22, $0xb8;
	[tilespmem:$0x1E800] =	vst v63  }
0x13a: {  	_ =	swait.ge [sflag:s20], $0x4000  }
0x13b: {  	[sflag:s20] =	ssyncset.done $0x0  }
0x13c: {  	s14 =	simm.s32 $0x100;
	[sflag:s20] =	ssyncadd.s32 $0xFFFFC000  }
0x13d: {  	[tilespmem:s19], [sflag:$0x1] =	stream.indirect.gather [hbm4b:s5+s22], $0x80, s14, s22, $0xb8;
	[tilespmem:$0x1E800] =	vst v63  }
0x13e: {  	_ =	swait.ge [sflag:s25], $0x4000  }
0x13f: {  	[sflag:s25] =	ssyncset.done $0x0  }
0x140: {  	s31 =	simm.s32 $0x1480;
	[sflag:s25] =	ssyncadd.s32 $0xFFFFC000  }
0x141: {  	[spmem:s1] =	stream.indirect.scatter.add.f32 [tilespmem:s23], [sflag:$0x3], $0x80, s31, s22, $0xb8;
	[tilespmem:$0x1E800] =	vst v63  }
0x142: {  	_ =	swait.ge [sflag:s20], $0x4000  }
0x143: {  	s10 =	simm.s32 $0x800;
	s0 =	simm.s32 $0x100;
	[sflag:s20] =	ssyncset.done $0x0  }
.LBB2_13:
0x144: {  	s11 =	sadd.s32 $0x80, s0  }
0x145: {  	[sflag:s20] =	ssyncadd.s32 $0xFFFFC000;
	s13 =	smov.u32 s10;
	s14 =	sadd.s32 $0x400, s10  }
0x146: {  	[tilespmem:s23], [sflag:$0x2] =	stream.indirect.gather [hbm4b:s5+s22], $0x80, s11, s22, $0xb8;
	[tilespmem:$0x1E800] =	vst v63  }
0x147: {  	p2 =	sne.s32 s10, $0x4800;
	_ =	swait.ge [sflag:s24], $0x4000  }
0x148: {  	[sflag:s24] =	ssyncset.done $0x0  }
0x149: {  	s10 =	sadd.s32 $0x1400, s0;
	[sflag:s24] =	ssyncadd.s32 $0xFFFFC000  }
0x14a: {  	[spmem:s1] =	stream.indirect.scatter.add.f32 [tilespmem:s19], [sflag:$0x3], $0x80, s10, s22, $0xb8;
	[tilespmem:$0x1E800] =	vst v63  }
0x14b: {  	_ =	swait.ge [sflag:s20], $0x4000  }
0x14c: {  	[sflag:s20] =	ssyncset.done $0x0  }
0x14d: {  	s10 =	sadd.s32 $0x100, s0;
	[sflag:s20] =	ssyncadd.s32 $0xFFFFC000  }
0x14e: {  	[tilespmem:s19], [sflag:$0x1] =	stream.indirect.gather [hbm4b:s5+s22], $0x80, s10, s22, $0xb8;
	[tilespmem:$0x1E800] =	vst v63  }
0x14f: {  	_ =	swait.ge [sflag:s25], $0x4000  }
.Ltmp9:
0x150: {  	[sflag:s25] =	ssyncset.done $0x0;
	(pc) =	sbr.rel @p2 .LBB2_13-.Ltmp9, $4  }
0x151: {  	s0 =	sadd.s32 $0x1480, s0;
	[sflag:s25] =	ssyncadd.s32 $0xFFFFC000  }
0x152: {  	[spmem:s1] =	stream.indirect.scatter.add.f32 [tilespmem:s23], [sflag:$0x3], $0x80, s0, s22, $0xb8;
	[tilespmem:$0x1E800] =	vst v63  }
0x153: {  	_ =	swait.ge [sflag:s20], $0x4000  }
0x154: {  	s10 =	smov.u32 s14;
	s0 =	sshra.s32 s13, $0x2;
	[sflag:s20] =	ssyncset.done $0x0  }
0x155: {  	s10 =	sadd.s32 $0x80, s0;
	[sflag:s20] =	ssyncadd.s32 $0xFFFFC000  }
0x156: {  	[tilespmem:s23], [sflag:$0x2] =	stream.indirect.gather [hbm4b:s5+s22], $0x80, s10, s22, $0xb8;
	[tilespmem:$0x1E800] =	vst v63  }
0x157: {  	_ =	swait.ge [sflag:s24], $0x4000  }
0x158: {  	[sflag:s24] =	ssyncset.done $0x0  }
0x159: {  	s13 =	sadd.s32 $0x1400, s0;
	[sflag:s24] =	ssyncadd.s32 $0xFFFFC000  }
0x15a: {  	[spmem:s1] =	stream.indirect.scatter.add.f32 [tilespmem:s19], [sflag:$0x3], $0x80, s13, s22, $0xb8;
	[tilespmem:$0x1E800] =	vst v63  }
0x15b: {  	_ =	swait.ge [sflag:s20], $0x4000  }
0x15c: {  	[sflag:s20] =	ssyncset.done $0x0  }
0x15d: {  	s14 =	sadd.s32 $0x100, s0;
	[sflag:s20] =	ssyncadd.s32 $0xFFFFC000  }
0x15e: {  	[tilespmem:s19], [sflag:$0x1] =	stream.indirect.gather [hbm4b:s5+s22], $0x80, s14, s22, $0xb8;
	[tilespmem:$0x1E800] =	vst v63  }
0x15f: {  	_ =	swait.ge [sflag:s25], $0x4000  }
0x160: {  	[sflag:s25] =	ssyncset.done $0x0  }
0x161: {  	s31 =	sadd.s32 $0x1480, s0;
	[sflag:s25] =	ssyncadd.s32 $0xFFFFC000  }
0x162: {  	[spmem:s1] =	stream.indirect.scatter.add.f32 [tilespmem:s23], [sflag:$0x3], $0x80, s31, s22, $0xb8;
	[tilespmem:$0x1E800] =	vst v63  }
0x163: {  	_ =	swait.ge [sflag:s20], $0x4000  }
0x164: {  	[sflag:s20] =	ssyncset.done $0x0  }
0x165: {  	[sflag:s20] =	ssyncadd.s32 $0xFFFFC000  }
0x166: {  	[tilespmem:s23], [sflag:$0x2] =	stream.indirect.gather [hbm4b:s5+s22], $0x80, s26, s22, $0xb8;
	[tilespmem:$0x1E800] =	vst v63  }
0x167: {  	_ =	swait.ge [sflag:s24], $0x4000  }
0x168: {  	[sflag:s24] =	ssyncset.done $0x0  }
0x169: {  	[sflag:s24] =	ssyncadd.s32 $0xFFFFC000  }
0x16a: {  	[spmem:s1] =	stream.indirect.scatter.add.f32 [tilespmem:s19], [sflag:$0x3], $0x80, s28, s22, $0xb8;
	[tilespmem:$0x1E800] =	vst v63  }
0x16b: {  	_ =	swait.ge [sflag:s20], $0x4000  }
0x16c: {  	[sflag:s20] =	ssyncset.done $0x0  }
0x16d: {  	[sflag:s20] =	ssyncadd.s32 $0xFFFFC000  }
0x16e: {  	_ =	swait.ge [sflag:s25], $0x4000  }
0x16f: {  	[sflag:s25] =	ssyncset.done $0x0  }
.Ltmp10:
0x170: {  	[sflag:s25] =	ssyncadd.s32 $0xFFFFC000;
	(pc) =	sbr.rel @p1 .LBB2_10-.Ltmp10, $4  }
0x171: {  	[spmem:s1] =	stream.indirect.scatter.add.f32 [tilespmem:s23], [sflag:$0x3], $0x80, s29, s22, $0xb8;
	[tilespmem:$0x1E800] =	vst v63  }
0x172: {  	_ =	swait.ge [sflag:s20], $0x4000  }
0x173: {  	[sflag:s20] =	ssyncset.done $0x0  }
0x174: {  	p2 =	por $0x0, $0x0;
	s10 =	simm.s32 $0x10;
	[sflag:s20] =	ssyncadd.s32 $0xFFFFC000  }
.Ltmp11:
0x175: {  	(pc) =	sbr.rel .LBB2_16-.Ltmp11, $2  }
0x176: {  	_ =	sdelay $0x2  }
0x177: {  	s0 =	rddreg [dreg:$0x4]  }
.LBB2_17:
0x178: {  	_ =	sfence.sel $0x180000  }
0x179: {  	[bflag:$0x0] =	sbarrier.arrive $0xFFFF  }
0x17a: {  	_ =	strace $0x9000004D  }
0x17b: {  	[bflag:$0x2] =	sbarrier.arrive $0xFFFF  }
0x17c: {  	p0 =	sne.s32 s4, $0x0;
	s0 =	rddreg [dreg:$0x2]  }
0x17d: {  	s0 =	sadd.s32 @!p0 $0x100000, s0  }
0x17e: {  	[sflag:s0] =	ssyncadd.tile.s32 @!p0 $0x1;
	_ =	shalt  }
.Lfunc_end2:
_tile_overlayer_lowered:
.L_overlay_start_2:
0x17f: {  	(tag) =	ssettag $0x2  }
0x180: {  	s0 =	rddreg [dreg:$0x0];
	s2 =	stileid.u32  }
0x181: {  	s1 =	rddreg [dreg:$0x1];
	p0 =	sne.s32 s2, $0x0  }
0x182: {  	s3 =	rddreg [dreg:$0x2];
	[bflag:$0x3] =	sbarrier.arrive $0xFFFF;
	s2 =	simm.s32 @!p0 $0x1C03  }
0x183: {  	[timem:s3], [sflag:s2] =	dma.local @!p0 [hbm:s0], s1  }
0x184: {  	s0 =	simm.s32 @!p0 $0x3  }
0x185: {  	_ =	swait.ge @!p0 [sflag:s0], s1  }
0x186: {  	s1 =	ssub.s32 @!p0 $0x0, s1;
	[sflag:s0] =	ssyncset.done @!p0 $0x0  }
0x187: {  	[sflag:s0] =	ssyncadd.s32 @!p0 s1  }
0x188: {  	[bflag:$0x3] =	sbarrier.arrive $0xFFFF  }
0x189: {  	_ =	shalt  }

</sc_bundles>
